<compile_context>
chip_gen: v7x
topology: tpu7x:2x2x1
jax: 0.10.2.dev20260603
libtpu: 0.0.44.dev20260713+nightly
codegen_flags: <defaults>
</compile_context>

<pallas_src>
import functools
import jax
import jax.numpy as jnp
from jax import lax
from jax.experimental import pallas as pl
from jax.experimental.pallas import tpu as pltpu
from jax.experimental.pallas import tpu_sc as plsc

N_NODES = 10000
N_GRAPHS = 64
D = 128
NP = 10240
NCORE = 2
NSUB = 16
NW = NCORE * NSUB
CHUNK = 128
CPW = 80
E_PAD = NW * CPW * CHUNK
ROWS_PT = NP // NSUB
WV = 8
NWAVE = CPW // WV

_f32 = jnp.float32



def _deg_body(dstr_hbm, z1d_hbm, deg_hbm, dst_v, ones_v, sem, acc):
    c = lax.axis_index("c")
    s = lax.axis_index("s")
    w = c * NSUB + s
    pltpu.sync_copy(dstr_hbm.at[pl.ds(w * CPW, CPW)], dst_v)
    rows = pl.ds(s * ROWS_PT, ROWS_PT)
    pltpu.sync_copy(z1d_hbm.at[rows], acc.at[rows])
    for i in range(CHUNK // 16):
        ones_v[pl.ds(i * 16, 16)] = jnp.ones((16,), _f32)
    plsc.subcore_barrier()

    def body(i, carry):
        for b in range(4):
            pltpu.async_copy(ones_v, acc.at[dst_v.at[i * 4 + b]], sem, add=True)
        for b in range(4):
            pltpu.make_async_copy(ones_v, acc.at[pl.ds(0, CHUNK)], sem).wait()
        return carry

    lax.fori_loop(0, CPW // 4, body, 0)
    plsc.subcore_barrier()
    pltpu.sync_copy(acc.at[rows], deg_hbm.at[c].at[rows])


def _mp_body(y_hbm, srcr_hbm, dstr_hbm, out_hbm,
             sidx, didx, bufs, gsem, ssem, isem, acc):
    c = lax.axis_index("c")
    s = lax.axis_index("s")
    w = c * NSUB + s
    base = w * CPW
    pltpu.sync_copy(srcr_hbm.at[pl.ds(base, CPW)], sidx)
    rows = pl.ds(s * ROWS_PT, ROWS_PT)

    pltpu.sync_copy(y_hbm.at[rows], acc.at[rows])
    pltpu.async_copy(dstr_hbm.at[pl.ds(base, WV)], didx.at[0], isem)
    plsc.subcore_barrier()

    def wait_gather(b):
        pltpu.make_async_copy(y_hbm.at[pl.ds(0, CHUNK)], bufs.at[b], gsem.at[b]).wait()

    def wait_scatter(b):
        pltpu.make_async_copy(bufs.at[b], acc.at[pl.ds(0, CHUNK)], ssem.at[b]).wait()

    def wait_idx(m):
        pltpu.make_async_copy(dstr_hbm.at[pl.ds(0, WV)], didx.at[m], isem).wait()

    for b in range(2):
        pltpu.async_copy(y_hbm.at[sidx.at[b]], bufs.at[b], gsem.at[b])

    def wave(wv, carry):
        m = lax.rem(wv, 2)
        wait_idx(m)

        @pl.when(wv < NWAVE - 1)
        def _():
            pltpu.async_copy(dstr_hbm.at[pl.ds(base + (wv + 1) * WV, WV)],
                             didx.at[lax.rem(wv + 1, 2)], isem)

        for k in range(WV):
            b = k % 2
            j = wv * WV + k
            wait_gather(b)
            pltpu.async_copy(bufs.at[b], acc.at[didx.at[m].at[k]],
                             ssem.at[b], add=True)
            wait_scatter(b)

            @pl.when(j + 2 < CPW)
            def _():
                pltpu.async_copy(y_hbm.at[sidx.at[j + 2]], bufs.at[b], gsem.at[b])
        return carry

    lax.fori_loop(0, NWAVE, wave, 0)
    plsc.subcore_barrier()
    pltpu.sync_copy(acc.at[rows], out_hbm.at[c].at[rows])


_sc_mesh = plsc.VectorSubcoreMesh(core_axis_name="c", subcore_axis_name="s")

_deg_call = pl.kernel(
    _deg_body,
    out_type=jax.ShapeDtypeStruct((NCORE, NP), _f32),
    mesh=_sc_mesh,
    scratch_types=[
        pltpu.VMEM((CPW, CHUNK), jnp.int32),
        pltpu.VMEM((CHUNK,), _f32),
        pltpu.SemaphoreType.DMA,
        pltpu.VMEM_SHARED((NP,), _f32),
    ],
)

_mp_call = pl.kernel(
    _mp_body,
    out_type=jax.ShapeDtypeStruct((NCORE, NP, D), _f32),
    mesh=_sc_mesh,
    scratch_types=[
        pltpu.VMEM((CPW, CHUNK), jnp.int32),
        pltpu.VMEM((2, WV, CHUNK), jnp.int32),
        pltpu.VMEM((2, CHUNK, D), _f32),
        pltpu.SemaphoreType.DMA((2,)),
        pltpu.SemaphoreType.DMA((2,)),
        pltpu.SemaphoreType.DMA,
        pltpu.VMEM_SHARED((NP, D), _f32),
    ],
)



_BLK = 1024
_GRID = NP // _BLK


def _tc1_body(x_ref, w_ref, d0_ref, d1_ref, m_ref, y_ref, dinv_ref):
    deg = d0_ref[...] + d1_ref[...] + 1.0
    dinv = lax.rsqrt(deg) * m_ref[...]
    dinv_ref[...] = dinv
    xw = jnp.dot(x_ref[...], w_ref[...], preferred_element_type=_f32,
                 precision=lax.Precision.HIGHEST)
    y_ref[...] = xw * dinv[:, None]


def _tc2_body(a0_ref, a1_ref, y1_ref, dinv_ref, b_ref, w_ref, y_ref):
    dinv = dinv_ref[...]
    acc = a0_ref[...] + a1_ref[...] - y1_ref[...]
    h = jnp.maximum(dinv[:, None] * acc + b_ref[...][None, :], 0.0)
    y_ref[...] = jnp.dot(h, w_ref[...], preferred_element_type=_f32,
                         precision=lax.Precision.HIGHEST) * dinv[:, None]


def _tc3_body(a0_ref, a1_ref, y2_ref, dinv_ref, b_ref, batch_ref, w1_ref, b1_ref,
              w2_ref, b2_ref, out_ref):
    dinv = dinv_ref[...]
    acc = a0_ref[...] + a1_ref[...] - y2_ref[...]
    h = jnp.maximum(dinv[:, None] * acc + b_ref[...][None, :], 0.0)
    gid = lax.broadcasted_iota(jnp.int32, (N_GRAPHS, NP), 0)
    onehot = (gid == batch_ref[...][None, :]).astype(_f32)
    sums = jnp.dot(onehot, h, preferred_element_type=_f32,
                   precision=lax.Precision.HIGHEST)
    counts = jnp.sum(onehot, axis=1)
    g = sums / jnp.maximum(counts, 1.0)[:, None]
    g = jnp.maximum(jnp.dot(g, w1_ref[...], preferred_element_type=_f32,
                            precision=lax.Precision.HIGHEST) + b1_ref[...][None, :], 0.0)
    out_ref[...] = jnp.dot(g, w2_ref[...], preferred_element_type=_f32,
                           precision=lax.Precision.HIGHEST) + b2_ref[...][None, :]


_row_spec = pl.BlockSpec((_BLK, D), lambda i: (i, 0))
_vec_spec = pl.BlockSpec((_BLK,), lambda i: (i,))
_full_mat = pl.BlockSpec((D, D), lambda i: (0, 0))
_full_vec = pl.BlockSpec((D,), lambda i: (0,))

_tc1_call = pl.pallas_call(
    _tc1_body,
    grid=(_GRID,),
    in_specs=[_row_spec, _full_mat, _vec_spec, _vec_spec, _vec_spec],
    out_specs=(_row_spec, _vec_spec),
    out_shape=(jax.ShapeDtypeStruct((NP, D), _f32),
               jax.ShapeDtypeStruct((NP,), _f32)),
)

_tc2_call = pl.pallas_call(
    _tc2_body,
    grid=(_GRID,),
    in_specs=[_row_spec, _row_spec, _row_spec, _vec_spec, _full_vec, _full_mat],
    out_specs=_row_spec,
    out_shape=jax.ShapeDtypeStruct((NP, D), _f32),
)

_tc3_call = pl.pallas_call(
    _tc3_body,
    out_shape=jax.ShapeDtypeStruct((N_GRAPHS, 10), _f32),
)


def kernel(x, edge_index, batch, W1, b1, W2, b2, fc1_W, fc1_b, fc2_W, fc2_b):
    src = edge_index[0].astype(jnp.int32)
    dst = edge_index[1].astype(jnp.int32)
    pad_e = E_PAD - src.shape[0]
    pad_iota = jnp.arange(pad_e, dtype=jnp.int32)
    src_r = jnp.concatenate([src, jnp.full((pad_e,), N_NODES, jnp.int32)]
                            ).reshape(NW * CPW, CHUNK)
    dst_r = jnp.concatenate([dst, pad_iota % N_NODES]).reshape(NW * CPW, CHUNK)
    dst_deg_r = jnp.concatenate(
        [dst, N_NODES + pad_iota % (NP - N_NODES)]).reshape(NW * CPW, CHUNK)

    x_p = jnp.pad(x, ((0, NP - N_NODES), (0, 0)))
    batch_p = jnp.pad(batch.astype(jnp.int32), (0, NP - N_NODES),
                      constant_values=N_GRAPHS)
    mask = (jnp.arange(NP, dtype=jnp.int32) < N_NODES).astype(_f32)
    z1d = jnp.zeros((NP,), _f32)

    deg = _deg_call(dst_deg_r, z1d)
    y1, dinv = _tc1_call(x_p, W1, deg[0], deg[1], mask)
    a = _mp_call(y1, src_r, dst_r)
    y2 = _tc2_call(a[0], a[1], y1, dinv, b1, W2)
    a = _mp_call(y2, src_r, dst_r)
    return _tc3_call(a[0], a[1], y2, dinv, b2, batch_p, fc1_W, fc1_b, fc2_W, fc2_b)

# --- scband reference (transcript-rebuilt; emitter-appended) ---
"""Pipeline reference for scband-gnnmodel-9371618639896 (READ-ONLY COPY).

The authoritative reference and input builder live on the scoring server;
editing this copy changes nothing except your own understanding.
"""

import jax, jax.numpy as jnp
import numpy as np

N_NODES = 10000
N_EDGES = 320000
D_IN = 128
D_HID = 128
N_CLASSES = 10
N_GRAPHS = 64


def setup_inputs(seed: int = 0) -> dict:
    key = jax.random.key(seed)
    ks = jax.random.split(key, 12)
    x = jax.random.normal(ks[0], (N_NODES, D_IN), dtype=jnp.float32)
    edge_index = jax.random.randint(ks[1], (2, N_EDGES), 0, N_NODES, dtype=jnp.int64)
    batch = jnp.sort(jax.random.randint(ks[2], (N_NODES,), 0, N_GRAPHS, dtype=jnp.int64))
    # GCNConv weights (glorot-ish scaling)
    W1 = jax.random.normal(ks[3], (D_IN, D_HID), dtype=jnp.float32) * (1.0 / np.sqrt(D_IN))
    b1 = jnp.zeros((D_HID,), dtype=jnp.float32)
    W2 = jax.random.normal(ks[4], (D_HID, D_HID), dtype=jnp.float32) * (1.0 / np.sqrt(D_HID))
    b2 = jnp.zeros((D_HID,), dtype=jnp.float32)
    fc1_W = jax.random.normal(ks[5], (D_HID, D_HID // 2), dtype=jnp.float32) * (1.0 / np.sqrt(D_HID))
    fc1_b = jnp.zeros((D_HID // 2,), dtype=jnp.float32)
    fc2_W = jax.random.normal(ks[6], (D_HID // 2, N_CLASSES), dtype=jnp.float32) * (1.0 / np.sqrt(D_HID // 2))
    fc2_b = jnp.zeros((N_CLASSES,), dtype=jnp.float32)
    return {"x": x, "edge_index": edge_index, "batch": batch,
            "W1": W1, "b1": b1, "W2": W2, "b2": b2,
            "fc1_W": fc1_W, "fc1_b": fc1_b, "fc2_W": fc2_W, "fc2_b": fc2_b}


def gcn_conv(x, edge_index, W, b, num_nodes):
    # PyG GCNConv: x' = D^{-1/2} (A + I) D^{-1/2} (X W) + b
    x = x @ W
    src = edge_index[0]
    dst = edge_index[1]
    loop = jnp.arange(num_nodes, dtype=src.dtype)
    src = jnp.concatenate([src, loop])
    dst = jnp.concatenate([dst, loop])
    deg = jax.ops.segment_sum(jnp.ones_like(dst, dtype=x.dtype), dst, num_segments=num_nodes)
    deg_inv_sqrt = jnp.where(deg > 0, jax.lax.rsqrt(deg), 0.0)
    norm = deg_inv_sqrt[src] * deg_inv_sqrt[dst]
    msg = x[src] * norm[:, None]
    out = jax.ops.segment_sum(msg, dst, num_segments=num_nodes)
    return out + b


def global_mean_pool(x, batch, num_graphs):
    sums = jax.ops.segment_sum(x, batch, num_segments=num_graphs)
    counts = jax.ops.segment_sum(jnp.ones((x.shape[0],), dtype=x.dtype), batch, num_segments=num_graphs)
    return sums / jnp.clip(counts, 1.0)[:, None]


def reference(x, edge_index, batch, W1, b1, W2, b2, fc1_W, fc1_b, fc2_W, fc2_b):
    num_nodes = x.shape[0]
    h = gcn_conv(x, edge_index, W1, b1, num_nodes)
    h = jax.nn.relu(h)
    h = gcn_conv(h, edge_index, W2, b2, num_nodes)
    h = jax.nn.relu(h)
    g = global_mean_pool(h, batch, N_GRAPHS)
    # dropout p=0.3 is identity in eval mode
    g = jax.nn.relu(g @ fc1_W + fc1_b)
    out = g @ fc2_W + fc2_b
    return out

if __name__ == "__main__":
    import jax
    _d = setup_inputs()
    print(jax.jit(kernel)(*tuple(_d.values())))

</pallas_src>

<mosaic_0001>
#map = affine_map<(d0, d1) -> (0, 0)>
#map1 = affine_map<(d0, d1) -> (0)>
module attributes {stable_mosaic.version = 14 : i64} {
  func.func @_deg_body(%arg0: i32, %arg1: i32, %arg2: memref<2560x128xi32, #tpu.memory_space<hbm>>, %arg3: memref<10240xf32, #tpu.memory_space<hbm>>, %arg4: memref<2x10240xf32, #tpu.memory_space<hbm>>, %arg5: memref<80x128xi32, #tpu.memory_space<vmem>>, %arg6: memref<128xf32, #tpu.memory_space<vmem>>, %arg7: memref<!tpu.dma_semaphore, #tpu.memory_space<semaphore_mem>>, %arg8: memref<10240xf32, #tpu.memory_space<vmem_shared>>) attributes {dimension_semantics = [#tpu.dimension_semantics<core_parallel>, #tpu.dimension_semantics<subcore_parallel>], iteration_bounds = array<i64: 2, 16>, scalar_prefetch = 0 : i64, scratch_operands = 4 : i64, tpu.core_type = #tpu.core_type<sc_vector_subcore>, window_params = [{transform_indices = #map}, {transform_indices = #map1}, {transform_indices = #map}]} {
    %mul3A = arith.constant 16 : i32
    %mul3A_0 = arith.muli %arg0, %mul3A : i32
    %add3A = arith.addi %mul3A_0, %arg1 : i32
    %mul3A_1 = arith.constant 80 : i32
    %mul3A_2 = arith.muli %add3A, %mul3A_1 : i32
    "tpu.region"() ({
      %run_scoped3A = tpu.sem_alloc : memref<!tpu.dma_semaphore, #tpu.memory_space<semaphore_mem>>
      %dma_start3A = arith.constant 0 : i32
      %dma_start3A_57 = tpu.memref_slice %arg2[%mul3A_2, %dma_start3A] : memref<2560x128xi32, #tpu.memory_space<hbm>> -> memref<80x128xi32, #tpu.memory_space<hbm>>
      %dma_start3A_58 = arith.constant 0 : i32
      %dma_start3A_59 = tpu.memref_slice %arg2[%mul3A_2, %dma_start3A_58] : memref<2560x128xi32, #tpu.memory_space<hbm>> -> memref<80x128xi32, #tpu.memory_space<hbm>>
      tpu.enqueue_dma source(%dma_start3A_59 : memref<80x128xi32, #tpu.memory_space<hbm>>) target(%arg5 : memref<80x128xi32, #tpu.memory_space<vmem>>) target_semaphore(%run_scoped3A : memref<!tpu.dma_semaphore, #tpu.memory_space<semaphore_mem>>)
      %dma_wait3A = arith.constant 0 : i32
      %dma_wait3A_60 = tpu.memref_slice %arg2[%mul3A_2, %dma_wait3A] : memref<2560x128xi32, #tpu.memory_space<hbm>> -> memref<80x128xi32, #tpu.memory_space<hbm>>
      %dma_wait3A_61 = arith.constant 0 : i32
      %dma_wait3A_62 = tpu.memref_slice %arg2[%mul3A_2, %dma_wait3A_61] : memref<2560x128xi32, #tpu.memory_space<hbm>> -> memref<80x128xi32, #tpu.memory_space<hbm>>
      tpu.wait_dma2 semaphore(%run_scoped3A : memref<!tpu.dma_semaphore, #tpu.memory_space<semaphore_mem>>) src(%dma_wait3A_62 : memref<80x128xi32, #tpu.memory_space<hbm>>) dst(%arg5 : memref<80x128xi32, #tpu.memory_space<vmem>>)
      tpu.yield
    }) : () -> ()
    %mul3A_3 = arith.constant 640 : i32
    %mul3A_4 = arith.muli %arg1, %mul3A_3 : i32
    "tpu.region"() ({
      %run_scoped3A = tpu.sem_alloc : memref<!tpu.dma_semaphore, #tpu.memory_space<semaphore_mem>>
      %dma_start3A = tpu.memref_slice %arg8[%mul3A_4] : memref<10240xf32, #tpu.memory_space<vmem_shared>> -> memref<640xf32, #tpu.memory_space<vmem_shared>>
      %dma_start3A_57 = tpu.memref_slice %arg3[%mul3A_4] : memref<10240xf32, #tpu.memory_space<hbm>> -> memref<640xf32, #tpu.memory_space<hbm>>
      tpu.enqueue_dma source(%dma_start3A_57 : memref<640xf32, #tpu.memory_space<hbm>>) target(%dma_start3A : memref<640xf32, #tpu.memory_space<vmem_shared>>) target_semaphore(%run_scoped3A : memref<!tpu.dma_semaphore, #tpu.memory_space<semaphore_mem>>)
      %dma_wait3A = tpu.memref_slice %arg8[%mul3A_4] : memref<10240xf32, #tpu.memory_space<vmem_shared>> -> memref<640xf32, #tpu.memory_space<vmem_shared>>
      %dma_wait3A_58 = tpu.memref_slice %arg3[%mul3A_4] : memref<10240xf32, #tpu.memory_space<hbm>> -> memref<640xf32, #tpu.memory_space<hbm>>
      tpu.wait_dma2 semaphore(%run_scoped3A : memref<!tpu.dma_semaphore, #tpu.memory_space<semaphore_mem>>) src(%dma_wait3A_58 : memref<640xf32, #tpu.memory_space<hbm>>) dst(%dma_wait3A : memref<640xf32, #tpu.memory_space<vmem_shared>>)
      tpu.yield
    }) : () -> ()
    %broadcast_in_dim3A = arith.constant 1.000000e+00 : f32
    %broadcast_in_dim3A_5 = vector.broadcast %broadcast_in_dim3A : f32 to vector<16xf32>
    %swap3A = arith.constant 0 : index
    %swap3A_6 = tpu.vector_load %arg6[%swap3A] {strides = array<i32>} : memref<128xf32, #tpu.memory_space<vmem>>, vector<16xf32>,
    %swap3A_7 = vector.shape_cast %swap3A_6 : vector<16xf32> to vector<16xf32>
    %swap3A_8 = vector.shape_cast %broadcast_in_dim3A_5 : vector<16xf32> to vector<16xf32>
    tpu.vector_store %arg6[%swap3A], %swap3A_8 {strides = array<i32>} : memref<128xf32, #tpu.memory_space<vmem>>, vector<16xf32>,
    %broadcast_in_dim3A_9 = arith.constant 1.000000e+00 : f32
    %broadcast_in_dim3A_10 = vector.broadcast %broadcast_in_dim3A_9 : f32 to vector<16xf32>
    %swap3A_11 = arith.constant 16 : index
    %swap3A_12 = tpu.vector_load %arg6[%swap3A_11] {strides = array<i32>} : memref<128xf32, #tpu.memory_space<vmem>>, vector<16xf32>,
    %swap3A_13 = vector.shape_cast %swap3A_12 : vector<16xf32> to vector<16xf32>
    %swap3A_14 = vector.shape_cast %broadcast_in_dim3A_10 : vector<16xf32> to vector<16xf32>
    tpu.vector_store %arg6[%swap3A_11], %swap3A_14 {strides = array<i32>} : memref<128xf32, #tpu.memory_space<vmem>>, vector<16xf32>,
    %broadcast_in_dim3A_15 = arith.constant 1.000000e+00 : f32
    %broadcast_in_dim3A_16 = vector.broadcast %broadcast_in_dim3A_15 : f32 to vector<16xf32>
    %swap3A_17 = arith.constant 32 : index
    %swap3A_18 = tpu.vector_load %arg6[%swap3A_17] {strides = array<i32>} : memref<128xf32, #tpu.memory_space<vmem>>, vector<16xf32>,
    %swap3A_19 = vector.shape_cast %swap3A_18 : vector<16xf32> to vector<16xf32>
    %swap3A_20 = vector.shape_cast %broadcast_in_dim3A_16 : vector<16xf32> to vector<16xf32>
    tpu.vector_store %arg6[%swap3A_17], %swap3A_20 {strides = array<i32>} : memref<128xf32, #tpu.memory_space<vmem>>, vector<16xf32>,
    %broadcast_in_dim3A_21 = arith.constant 1.000000e+00 : f32
    %broadcast_in_dim3A_22 = vector.broadcast %broadcast_in_dim3A_21 : f32 to vector<16xf32>
    %swap3A_23 = arith.constant 48 : index
    %swap3A_24 = tpu.vector_load %arg6[%swap3A_23] {strides = array<i32>} : memref<128xf32, #tpu.memory_space<vmem>>, vector<16xf32>,
    %swap3A_25 = vector.shape_cast %swap3A_24 : vector<16xf32> to vector<16xf32>
    %swap3A_26 = vector.shape_cast %broadcast_in_dim3A_22 : vector<16xf32> to vector<16xf32>
    tpu.vector_store %arg6[%swap3A_23], %swap3A_26 {strides = array<i32>} : memref<128xf32, #tpu.memory_space<vmem>>, vector<16xf32>,
    %broadcast_in_dim3A_27 = arith.constant 1.000000e+00 : f32
    %broadcast_in_dim3A_28 = vector.broadcast %broadcast_in_dim3A_27 : f32 to vector<16xf32>
    %swap3A_29 = arith.constant 64 : index
    %swap3A_30 = tpu.vector_load %arg6[%swap3A_29] {strides = array<i32>} : memref<128xf32, #tpu.memory_space<vmem>>, vector<16xf32>,
    %swap3A_31 = vector.shape_cast %swap3A_30 : vector<16xf32> to vector<16xf32>
    %swap3A_32 = vector.shape_cast %broadcast_in_dim3A_28 : vector<16xf32> to vector<16xf32>
    tpu.vector_store %arg6[%swap3A_29], %swap3A_32 {strides = array<i32>} : memref<128xf32, #tpu.memory_space<vmem>>, vector<16xf32>,
    %broadcast_in_dim3A_33 = arith.constant 1.000000e+00 : f32
    %broadcast_in_dim3A_34 = vector.broadcast %broadcast_in_dim3A_33 : f32 to vector<16xf32>
    %swap3A_35 = arith.constant 80 : index
    %swap3A_36 = tpu.vector_load %arg6[%swap3A_35] {strides = array<i32>} : memref<128xf32, #tpu.memory_space<vmem>>, vector<16xf32>,
    %swap3A_37 = vector.shape_cast %swap3A_36 : vector<16xf32> to vector<16xf32>
    %swap3A_38 = vector.shape_cast %broadcast_in_dim3A_34 : vector<16xf32> to vector<16xf32>
    tpu.vector_store %arg6[%swap3A_35], %swap3A_38 {strides = array<i32>} : memref<128xf32, #tpu.memory_space<vmem>>, vector<16xf32>,
    %broadcast_in_dim3A_39 = arith.constant 1.000000e+00 : f32
    %broadcast_in_dim3A_40 = vector.broadcast %broadcast_in_dim3A_39 : f32 to vector<16xf32>
    %swap3A_41 = arith.constant 96 : index
    %swap3A_42 = tpu.vector_load %arg6[%swap3A_41] {strides = array<i32>} : memref<128xf32, #tpu.memory_space<vmem>>, vector<16xf32>,
    %swap3A_43 = vector.shape_cast %swap3A_42 : vector<16xf32> to vector<16xf32>
    %swap3A_44 = vector.shape_cast %broadcast_in_dim3A_40 : vector<16xf32> to vector<16xf32>
    tpu.vector_store %arg6[%swap3A_41], %swap3A_44 {strides = array<i32>} : memref<128xf32, #tpu.memory_space<vmem>>, vector<16xf32>,
    %broadcast_in_dim3A_45 = arith.constant 1.000000e+00 : f32
    %broadcast_in_dim3A_46 = vector.broadcast %broadcast_in_dim3A_45 : f32 to vector<16xf32>
    %swap3A_47 = arith.constant 112 : index
    %swap3A_48 = tpu.vector_load %arg6[%swap3A_47] {strides = array<i32>} : memref<128xf32, #tpu.memory_space<vmem>>, vector<16xf32>,
    %swap3A_49 = vector.shape_cast %swap3A_48 : vector<16xf32> to vector<16xf32>
    %swap3A_50 = vector.shape_cast %broadcast_in_dim3A_46 : vector<16xf32> to vector<16xf32>
    tpu.vector_store %arg6[%swap3A_47], %swap3A_50 {strides = array<i32>} : memref<128xf32, #tpu.memory_space<vmem>>, vector<16xf32>,
    %barrier3A = arith.constant 0 : index
    tpu.barrier barrier_id(%barrier3A)
    %scan3A = arith.constant 0 : i32
    %scan3A_51 = arith.constant 0 : i32
    %scan3A_52 = arith.constant 20 : i32
    %scan3A_53 = arith.addi %scan3A_51, %scan3A_52 : i32
    %scan3A_54 = arith.constant 1 : i32
    scf.for %scan3A_57 = %scan3A_51 to %scan3A_53 step %scan3A_54  : i32 {
      %mul3A_58 = arith.constant 4 : i32
      %mul3A_59 = arith.muli %scan3A_57, %mul3A_58 : i32
      %add3A_60 = arith.constant 0 : i32
      %add3A_61 = arith.addi %mul3A_59, %add3A_60 : i32
      %dma_start3A = arith.constant 0 : i32
      %dma_start3A_62 = tpu.memref_slice %arg5[%add3A_61, %dma_start3A] : memref<80x128xi32, #tpu.memory_space<vmem>> -> memref<1x128xi32, #tpu.memory_space<vmem>>
      %dma_start3A_63 = tpu.memref_squeeze %dma_start3A_62 : memref<1x128xi32, #tpu.memory_space<vmem>> -> memref<128xi32, #tpu.memory_space<vmem>>
      %dma_start3A_64 = arith.constant 0 : i32
      %dma_start3A_65 = tpu.memref_slice %arg8[%dma_start3A_64] : memref<10240xf32, #tpu.memory_space<vmem_shared>> -> memref<10240xf32, #tpu.memory_space<vmem_shared>>
      tpu.enqueue_indirect_dma source(%arg6 : memref<128xf32, #tpu.memory_space<vmem>>) target(%dma_start3A_65 : memref<10240xf32, #tpu.memory_space<vmem_shared>>) offsets(%dma_start3A_63 : memref<128xi32, #tpu.memory_space<vmem>>) semaphore(%arg7 : memref<!tpu.dma_semaphore, #tpu.memory_space<semaphore_mem>>) {add = true}
      %mul3A_66 = arith.constant 4 : i32
      %mul3A_67 = arith.muli %scan3A_57, %mul3A_66 : i32
      %add3A_68 = arith.constant 1 : i32
      %add3A_69 = arith.addi %mul3A_67, %add3A_68 : i32
      %dma_start3A_70 = arith.constant 0 : i32
      %dma_start3A_71 = tpu.memref_slice %arg5[%add3A_69, %dma_start3A_70] : memref<80x128xi32, #tpu.memory_space<vmem>> -> memref<1x128xi32, #tpu.memory_space<vmem>>
      %dma_start3A_72 = tpu.memref_squeeze %dma_start3A_71 : memref<1x128xi32, #tpu.memory_space<vmem>> -> memref<128xi32, #tpu.memory_space<vmem>>
      %dma_start3A_73 = arith.constant 0 : i32
      %dma_start3A_74 = tpu.memref_slice %arg8[%dma_start3A_73] : memref<10240xf32, #tpu.memory_space<vmem_shared>> -> memref<10240xf32, #tpu.memory_space<vmem_shared>>
      tpu.enqueue_indirect_dma source(%arg6 : memref<128xf32, #tpu.memory_space<vmem>>) target(%dma_start3A_74 : memref<10240xf32, #tpu.memory_space<vmem_shared>>) offsets(%dma_start3A_72 : memref<128xi32, #tpu.memory_space<vmem>>) semaphore(%arg7 : memref<!tpu.dma_semaphore, #tpu.memory_space<semaphore_mem>>) {add = true}
      %mul3A_75 = arith.constant 4 : i32
      %mul3A_76 = arith.muli %scan3A_57, %mul3A_75 : i32
      %add3A_77 = arith.constant 2 : i32
      %add3A_78 = arith.addi %mul3A_76, %add3A_77 : i32
      %dma_start3A_79 = arith.constant 0 : i32
      %dma_start3A_80 = tpu.memref_slice %arg5[%add3A_78, %dma_start3A_79] : memref<80x128xi32, #tpu.memory_space<vmem>> -> memref<1x128xi32, #tpu.memory_space<vmem>>
      %dma_start3A_81 = tpu.memref_squeeze %dma_start3A_80 : memref<1x128xi32, #tpu.memory_space<vmem>> -> memref<128xi32, #tpu.memory_space<vmem>>
      %dma_start3A_82 = arith.constant 0 : i32
      %dma_start3A_83 = tpu.memref_slice %arg8[%dma_start3A_82] : memref<10240xf32, #tpu.memory_space<vmem_shared>> -> memref<10240xf32, #tpu.memory_space<vmem_shared>>
      tpu.enqueue_indirect_dma source(%arg6 : memref<128xf32, #tpu.memory_space<vmem>>) target(%dma_start3A_83 : memref<10240xf32, #tpu.memory_space<vmem_shared>>) offsets(%dma_start3A_81 : memref<128xi32, #tpu.memory_space<vmem>>) semaphore(%arg7 : memref<!tpu.dma_semaphore, #tpu.memory_space<semaphore_mem>>) {add = true}
      %mul3A_84 = arith.constant 4 : i32
      %mul3A_85 = arith.muli %scan3A_57, %mul3A_84 : i32
      %add3A_86 = arith.constant 3 : i32
      %add3A_87 = arith.addi %mul3A_85, %add3A_86 : i32
      %dma_start3A_88 = arith.constant 0 : i32
      %dma_start3A_89 = tpu.memref_slice %arg5[%add3A_87, %dma_start3A_88] : memref<80x128xi32, #tpu.memory_space<vmem>> -> memref<1x128xi32, #tpu.memory_space<vmem>>
      %dma_start3A_90 = tpu.memref_squeeze %dma_start3A_89 : memref<1x128xi32, #tpu.memory_space<vmem>> -> memref<128xi32, #tpu.memory_space<vmem>>
      %dma_start3A_91 = arith.constant 0 : i32
      %dma_start3A_92 = tpu.memref_slice %arg8[%dma_start3A_91] : memref<10240xf32, #tpu.memory_space<vmem_shared>> -> memref<10240xf32, #tpu.memory_space<vmem_shared>>
      tpu.enqueue_indirect_dma source(%arg6 : memref<128xf32, #tpu.memory_space<vmem>>) target(%dma_start3A_92 : memref<10240xf32, #tpu.memory_space<vmem_shared>>) offsets(%dma_start3A_90 : memref<128xi32, #tpu.memory_space<vmem>>) semaphore(%arg7 : memref<!tpu.dma_semaphore, #tpu.memory_space<semaphore_mem>>) {add = true}
      %dma_wait3A = arith.constant 0 : i32
      %dma_wait3A_93 = tpu.memref_slice %arg8[%dma_wait3A] : memref<10240xf32, #tpu.memory_space<vmem_shared>> -> memref<128xf32, #tpu.memory_space<vmem_shared>>
      %dma_wait3A_94 = arith.constant 0 : i32
      %dma_wait3A_95 = tpu.memref_slice %arg8[%dma_wait3A_94] : memref<10240xf32, #tpu.memory_space<vmem_shared>> -> memref<128xf32, #tpu.memory_space<vmem_shared>>
      tpu.wait_dma2 semaphore(%arg7 : memref<!tpu.dma_semaphore, #tpu.memory_space<semaphore_mem>>) src(%arg6 : memref<128xf32, #tpu.memory_space<vmem>>) dst(%dma_wait3A_95 : memref<128xf32, #tpu.memory_space<vmem_shared>>)
      %dma_wait3A_96 = arith.constant 0 : i32
      %dma_wait3A_97 = tpu.memref_slice %arg8[%dma_wait3A_96] : memref<10240xf32, #tpu.memory_space<vmem_shared>> -> memref<128xf32, #tpu.memory_space<vmem_shared>>
      %dma_wait3A_98 = arith.constant 0 : i32
      %dma_wait3A_99 = tpu.memref_slice %arg8[%dma_wait3A_98] : memref<10240xf32, #tpu.memory_space<vmem_shared>> -> memref<128xf32, #tpu.memory_space<vmem_shared>>
      tpu.wait_dma2 semaphore(%arg7 : memref<!tpu.dma_semaphore, #tpu.memory_space<semaphore_mem>>) src(%arg6 : memref<128xf32, #tpu.memory_space<vmem>>) dst(%dma_wait3A_99 : memref<128xf32, #tpu.memory_space<vmem_shared>>)
      %dma_wait3A_100 = arith.constant 0 : i32
      %dma_wait3A_101 = tpu.memref_slice %arg8[%dma_wait3A_100] : memref<10240xf32, #tpu.memory_space<vmem_shared>> -> memref<128xf32, #tpu.memory_space<vmem_shared>>
      %dma_wait3A_102 = arith.constant 0 : i32
      %dma_wait3A_103 = tpu.memref_slice %arg8[%dma_wait3A_102] : memref<10240xf32, #tpu.memory_space<vmem_shared>> -> memref<128xf32, #tpu.memory_space<vmem_shared>>
      tpu.wait_dma2 semaphore(%arg7 : memref<!tpu.dma_semaphore, #tpu.memory_space<semaphore_mem>>) src(%arg6 : memref<128xf32, #tpu.memory_space<vmem>>) dst(%dma_wait3A_103 : memref<128xf32, #tpu.memory_space<vmem_shared>>)
      %dma_wait3A_104 = arith.constant 0 : i32
      %dma_wait3A_105 = tpu.memref_slice %arg8[%dma_wait3A_104] : memref<10240xf32, #tpu.memory_space<vmem_shared>> -> memref<128xf32, #tpu.memory_space<vmem_shared>>
      %dma_wait3A_106 = arith.constant 0 : i32
      %dma_wait3A_107 = tpu.memref_slice %arg8[%dma_wait3A_106] : memref<10240xf32, #tpu.memory_space<vmem_shared>> -> memref<128xf32, #tpu.memory_space<vmem_shared>>
      tpu.wait_dma2 semaphore(%arg7 : memref<!tpu.dma_semaphore, #tpu.memory_space<semaphore_mem>>) src(%arg6 : memref<128xf32, #tpu.memory_space<vmem>>) dst(%dma_wait3A_107 : memref<128xf32, #tpu.memory_space<vmem_shared>>)
    }
    %scan3A_55 = arith.constant 20 : i32
    %barrier3A_56 = arith.constant 0 : index
    tpu.barrier barrier_id(%barrier3A_56)
    "tpu.region"() ({
      %run_scoped3A = tpu.sem_alloc : memref<!tpu.dma_semaphore, #tpu.memory_space<semaphore_mem>>
      %dma_start3A = arith.constant 0 : i32
      %dma_start3A_57 = tpu.memref_slice %arg4[%arg0, %dma_start3A] : memref<2x10240xf32, #tpu.memory_space<hbm>> -> memref<1x10240xf32, #tpu.memory_space<hbm>>
      %dma_start3A_58 = tpu.memref_squeeze %dma_start3A_57 : memref<1x10240xf32, #tpu.memory_space<hbm>> -> memref<10240xf32, #tpu.memory_space<hbm>>
      %dma_start3A_59 = tpu.memref_slice %dma_start3A_58[%mul3A_4] : memref<10240xf32, #tpu.memory_space<hbm>> -> memref<640xf32, #tpu.memory_space<hbm>>
      %dma_start3A_60 = tpu.memref_slice %arg8[%mul3A_4] : memref<10240xf32, #tpu.memory_space<vmem_shared>> -> memref<640xf32, #tpu.memory_space<vmem_shared>>
      tpu.enqueue_dma source(%dma_start3A_60 : memref<640xf32, #tpu.memory_space<vmem_shared>>) target(%dma_start3A_59 : memref<640xf32, #tpu.memory_space<hbm>>) target_semaphore(%run_scoped3A : memref<!tpu.dma_semaphore, #tpu.memory_space<semaphore_mem>>)
      %dma_wait3A = arith.constant 0 : i32
      %dma_wait3A_61 = tpu.memref_slice %arg4[%arg0, %dma_wait3A] : memref<2x10240xf32, #tpu.memory_space<hbm>> -> memref<1x10240xf32, #tpu.memory_space<hbm>>
      %dma_wait3A_62 = tpu.memref_squeeze %dma_wait3A_61 : memref<1x10240xf32, #tpu.memory_space<hbm>> -> memref<10240xf32, #tpu.memory_space<hbm>>
      %dma_wait3A_63 = tpu.memref_slice %dma_wait3A_62[%mul3A_4] : memref<10240xf32, #tpu.memory_space<hbm>> -> memref<640xf32, #tpu.memory_space<hbm>>
      %dma_wait3A_64 = tpu.memref_slice %arg8[%mul3A_4] : memref<10240xf32, #tpu.memory_space<vmem_shared>> -> memref<640xf32, #tpu.memory_space<vmem_shared>>
      tpu.wait_dma2 semaphore(%run_scoped3A : memref<!tpu.dma_semaphore, #tpu.memory_space<semaphore_mem>>) src(%dma_wait3A_64 : memref<640xf32, #tpu.memory_space<vmem_shared>>) dst(%dma_wait3A_63 : memref<640xf32, #tpu.memory_space<hbm>>)
      tpu.yield
    }) : () -> ()
    return
  }
}

#map = affine_map<(d0, d1) -> (0, 0)>
#map1 = affine_map<(d0, d1) -> (0, 0, 0)>
module attributes {stable_mosaic.version = 14 : i64} {
  func.func @_mp_body(%arg0: i32, %arg1: i32, %arg2: memref<10240x128xf32, #tpu.memory_space<hbm>>, %arg3: memref<2560x128xi32, #tpu.memory_space<hbm>>, %arg4: memref<2560x128xi32, #tpu.memory_space<hbm>>, %arg5: memref<2x10240x128xf32, #tpu.memory_space<hbm>>, %arg6: memref<80x128xi32, #tpu.memory_space<vmem>>, %arg7: memref<2x8x128xi32, #tpu.memory_space<vmem>>, %arg8: memref<2x128x128xf32, #tpu.memory_space<vmem>>, %arg9: memref<2x!tpu.dma_semaphore, #tpu.memory_space<semaphore_mem>>, %arg10: memref<2x!tpu.dma_semaphore, #tpu.memory_space<semaphore_mem>>, %arg11: memref<!tpu.dma_semaphore, #tpu.memory_space<semaphore_mem>>, %arg12: memref<10240x128xf32, #tpu.memory_space<vmem_shared>>) attributes {dimension_semantics = [#tpu.dimension_semantics<core_parallel>, #tpu.dimension_semantics<subcore_parallel>], iteration_bounds = array<i64: 2, 16>, scalar_prefetch = 0 : i64, scratch_operands = 7 : i64, tpu.core_type = #tpu.core_type<sc_vector_subcore>, window_params = [{transform_indices = #map}, {transform_indices = #map}, {transform_indices = #map}, {transform_indices = #map1}]} {
    %mul3A = arith.constant 16 : i32
    %mul3A_0 = arith.muli %arg0, %mul3A : i32
    %add3A = arith.addi %mul3A_0, %arg1 : i32
    %mul3A_1 = arith.constant 80 : i32
    %mul3A_2 = arith.muli %add3A, %mul3A_1 : i32
    "tpu.region"() ({
      %run_scoped3A = tpu.sem_alloc : memref<!tpu.dma_semaphore, #tpu.memory_space<semaphore_mem>>
      %dma_start3A_53 = arith.constant 0 : i32
      %dma_start3A_54 = tpu.memref_slice %arg3[%mul3A_2, %dma_start3A_53] : memref<2560x128xi32, #tpu.memory_space<hbm>> -> memref<80x128xi32, #tpu.memory_space<hbm>>
      %dma_start3A_55 = arith.constant 0 : i32
      %dma_start3A_56 = tpu.memref_slice %arg3[%mul3A_2, %dma_start3A_55] : memref<2560x128xi32, #tpu.memory_space<hbm>> -> memref<80x128xi32, #tpu.memory_space<hbm>>
      tpu.enqueue_dma source(%dma_start3A_56 : memref<80x128xi32, #tpu.memory_space<hbm>>) target(%arg6 : memref<80x128xi32, #tpu.memory_space<vmem>>) target_semaphore(%run_scoped3A : memref<!tpu.dma_semaphore, #tpu.memory_space<semaphore_mem>>)
      %dma_wait3A = arith.constant 0 : i32
      %dma_wait3A_57 = tpu.memref_slice %arg3[%mul3A_2, %dma_wait3A] : memref<2560x128xi32, #tpu.memory_space<hbm>> -> memref<80x128xi32, #tpu.memory_space<hbm>>
      %dma_wait3A_58 = arith.constant 0 : i32
      %dma_wait3A_59 = tpu.memref_slice %arg3[%mul3A_2, %dma_wait3A_58] : memref<2560x128xi32, #tpu.memory_space<hbm>> -> memref<80x128xi32, #tpu.memory_space<hbm>>
      tpu.wait_dma2 semaphore(%run_scoped3A : memref<!tpu.dma_semaphore, #tpu.memory_space<semaphore_mem>>) src(%dma_wait3A_59 : memref<80x128xi32, #tpu.memory_space<hbm>>) dst(%arg6 : memref<80x128xi32, #tpu.memory_space<vmem>>)
      tpu.yield
    }) : () -> ()
    %mul3A_3 = arith.constant 640 : i32
    %mul3A_4 = arith.muli %arg1, %mul3A_3 : i32
    "tpu.region"() ({
      %run_scoped3A = tpu.sem_alloc : memref<!tpu.dma_semaphore, #tpu.memory_space<semaphore_mem>>
      %dma_start3A_53 = arith.constant 0 : i32
      %dma_start3A_54 = tpu.memref_slice %arg12[%mul3A_4, %dma_start3A_53] : memref<10240x128xf32, #tpu.memory_space<vmem_shared>> -> memref<640x128xf32, #tpu.memory_space<vmem_shared>>
      %dma_start3A_55 = arith.constant 0 : i32
      %dma_start3A_56 = tpu.memref_slice %arg2[%mul3A_4, %dma_start3A_55] : memref<10240x128xf32, #tpu.memory_space<hbm>> -> memref<640x128xf32, #tpu.memory_space<hbm>>
      tpu.enqueue_dma source(%dma_start3A_56 : memref<640x128xf32, #tpu.memory_space<hbm>>) target(%dma_start3A_54 : memref<640x128xf32, #tpu.memory_space<vmem_shared>>) target_semaphore(%run_scoped3A : memref<!tpu.dma_semaphore, #tpu.memory_space<semaphore_mem>>)
      %dma_wait3A = arith.constant 0 : i32
      %dma_wait3A_57 = tpu.memref_slice %arg12[%mul3A_4, %dma_wait3A] : memref<10240x128xf32, #tpu.memory_space<vmem_shared>> -> memref<640x128xf32, #tpu.memory_space<vmem_shared>>
      %dma_wait3A_58 = arith.constant 0 : i32
      %dma_wait3A_59 = tpu.memref_slice %arg2[%mul3A_4, %dma_wait3A_58] : memref<10240x128xf32, #tpu.memory_space<hbm>> -> memref<640x128xf32, #tpu.memory_space<hbm>>
      tpu.wait_dma2 semaphore(%run_scoped3A : memref<!tpu.dma_semaphore, #tpu.memory_space<semaphore_mem>>) src(%dma_wait3A_59 : memref<640x128xf32, #tpu.memory_space<hbm>>) dst(%dma_wait3A_57 : memref<640x128xf32, #tpu.memory_space<vmem_shared>>)
      tpu.yield
    }) : () -> ()
    %dma_start3A = arith.constant 0 : i32
    %dma_start3A_5 = arith.constant 0 : i32
    %dma_start3A_6 = arith.constant 0 : i32
    %dma_start3A_7 = tpu.memref_slice %arg7[%dma_start3A, %dma_start3A_5, %dma_start3A_6] : memref<2x8x128xi32, #tpu.memory_space<vmem>> -> memref<1x8x128xi32, #tpu.memory_space<vmem>>
    %dma_start3A_8 = tpu.memref_squeeze %dma_start3A_7 : memref<1x8x128xi32, #tpu.memory_space<vmem>> -> memref<8x128xi32, #tpu.memory_space<vmem>>
    %dma_start3A_9 = arith.constant 0 : i32
    %dma_start3A_10 = tpu.memref_slice %arg4[%mul3A_2, %dma_start3A_9] : memref<2560x128xi32, #tpu.memory_space<hbm>> -> memref<8x128xi32, #tpu.memory_space<hbm>>
    %dma_start3A_11 = arith.constant 0 : i32
    %dma_start3A_12 = arith.constant 0 : i32
    %dma_start3A_13 = tpu.memref_slice %arg7[%dma_start3A, %dma_start3A_11, %dma_start3A_12] : memref<2x8x128xi32, #tpu.memory_space<vmem>> -> memref<1x8x128xi32, #tpu.memory_space<vmem>>
    %dma_start3A_14 = tpu.memref_squeeze %dma_start3A_13 : memref<1x8x128xi32, #tpu.memory_space<vmem>> -> memref<8x128xi32, #tpu.memory_space<vmem>>
    %dma_start3A_15 = arith.constant 0 : i32
    %dma_start3A_16 = tpu.memref_slice %arg4[%mul3A_2, %dma_start3A_15] : memref<2560x128xi32, #tpu.memory_space<hbm>> -> memref<8x128xi32, #tpu.memory_space<hbm>>
    tpu.enqueue_dma source(%dma_start3A_16 : memref<8x128xi32, #tpu.memory_space<hbm>>) target(%dma_start3A_14 : memref<8x128xi32, #tpu.memory_space<vmem>>) target_semaphore(%arg11 : memref<!tpu.dma_semaphore, #tpu.memory_space<semaphore_mem>>)
    %barrier3A = arith.constant 0 : index
    tpu.barrier barrier_id(%barrier3A)
    %dma_start3A_17 = arith.constant 0 : i32
    %dma_start3A_18 = arith.constant 0 : i32
    %dma_start3A_19 = arith.constant 0 : i32
    %dma_start3A_20 = arith.constant 0 : i32
    %dma_start3A_21 = arith.constant 0 : i32
    %dma_start3A_22 = tpu.memref_slice %arg8[%dma_start3A_18, %dma_start3A_20, %dma_start3A_21] : memref<2x128x128xf32, #tpu.memory_space<vmem>> -> memref<1x128x128xf32, #tpu.memory_space<vmem>>
    %dma_start3A_23 = tpu.memref_squeeze %dma_start3A_22 : memref<1x128x128xf32, #tpu.memory_space<vmem>> -> memref<128x128xf32, #tpu.memory_space<vmem>>
    %dma_start3A_24 = arith.constant 0 : i32
    %dma_start3A_25 = tpu.memref_slice %arg6[%dma_start3A_17, %dma_start3A_24] : memref<80x128xi32, #tpu.memory_space<vmem>> -> memref<1x128xi32, #tpu.memory_space<vmem>>
    %dma_start3A_26 = tpu.memref_squeeze %dma_start3A_25 : memref<1x128xi32, #tpu.memory_space<vmem>> -> memref<128xi32, #tpu.memory_space<vmem>>
    %dma_start3A_27 = arith.constant 0 : i32
    %dma_start3A_28 = arith.constant 0 : i32
    %dma_start3A_29 = tpu.memref_slice %arg2[%dma_start3A_27, %dma_start3A_28] : memref<10240x128xf32, #tpu.memory_space<hbm>> -> memref<10240x128xf32, #tpu.memory_space<hbm>>
    %dma_start3A_30 = tpu.memref_slice %arg9[%dma_start3A_19] : memref<2x!tpu.dma_semaphore, #tpu.memory_space<semaphore_mem>> -> memref<1x!tpu.dma_semaphore, #tpu.memory_space<semaphore_mem>>
    %dma_start3A_31 = tpu.memref_squeeze %dma_start3A_30 : memref<1x!tpu.dma_semaphore, #tpu.memory_space<semaphore_mem>> -> memref<!tpu.dma_semaphore, #tpu.memory_space<semaphore_mem>>
    tpu.enqueue_indirect_dma source(%dma_start3A_29 : memref<10240x128xf32, #tpu.memory_space<hbm>>) target(%dma_start3A_23 : memref<128x128xf32, #tpu.memory_space<vmem>>) offsets(%dma_start3A_26 : memref<128xi32, #tpu.memory_space<vmem>>) semaphore(%dma_start3A_31 : memref<!tpu.dma_semaphore, #tpu.memory_space<semaphore_mem>>)
    %dma_start3A_32 = arith.constant 1 : i32
    %dma_start3A_33 = arith.constant 1 : i32
    %dma_start3A_34 = arith.constant 1 : i32
    %dma_start3A_35 = arith.constant 0 : i32
    %dma_start3A_36 = arith.constant 0 : i32
    %dma_start3A_37 = tpu.memref_slice %arg8[%dma_start3A_33, %dma_start3A_35, %dma_start3A_36] : memref<2x128x128xf32, #tpu.memory_space<vmem>> -> memref<1x128x128xf32, #tpu.memory_space<vmem>>
    %dma_start3A_38 = tpu.memref_squeeze %dma_start3A_37 : memref<1x128x128xf32, #tpu.memory_space<vmem>> -> memref<128x128xf32, #tpu.memory_space<vmem>>
    %dma_start3A_39 = arith.constant 0 : i32
    %dma_start3A_40 = tpu.memref_slice %arg6[%dma_start3A_32, %dma_start3A_39] : memref<80x128xi32, #tpu.memory_space<vmem>> -> memref<1x128xi32, #tpu.memory_space<vmem>>
    %dma_start3A_41 = tpu.memref_squeeze %dma_start3A_40 : memref<1x128xi32, #tpu.memory_space<vmem>> -> memref<128xi32, #tpu.memory_space<vmem>>
    %dma_start3A_42 = arith.constant 0 : i32
    %dma_start3A_43 = arith.constant 0 : i32
    %dma_start3A_44 = tpu.memref_slice %arg2[%dma_start3A_42, %dma_start3A_43] : memref<10240x128xf32, #tpu.memory_space<hbm>> -> memref<10240x128xf32, #tpu.memory_space<hbm>>
    %dma_start3A_45 = tpu.memref_slice %arg9[%dma_start3A_34] : memref<2x!tpu.dma_semaphore, #tpu.memory_space<semaphore_mem>> -> memref<1x!tpu.dma_semaphore, #tpu.memory_space<semaphore_mem>>
    %dma_start3A_46 = tpu.memref_squeeze %dma_start3A_45 : memref<1x!tpu.dma_semaphore, #tpu.memory_space<semaphore_mem>> -> memref<!tpu.dma_semaphore, #tpu.memory_space<semaphore_mem>>
    tpu.enqueue_indirect_dma source(%dma_start3A_44 : memref<10240x128xf32, #tpu.memory_space<hbm>>) target(%dma_start3A_38 : memref<128x128xf32, #tpu.memory_space<vmem>>) offsets(%dma_start3A_41 : memref<128xi32, #tpu.memory_space<vmem>>) semaphore(%dma_start3A_46 : memref<!tpu.dma_semaphore, #tpu.memory_space<semaphore_mem>>)
    %scan3A = arith.constant 0 : i32
    %scan3A_47 = arith.constant 0 : i32
    %scan3A_48 = arith.constant 10 : i32
    %scan3A_49 = arith.addi %scan3A_47, %scan3A_48 : i32
    %scan3A_50 = arith.constant 1 : i32
    scf.for %scan3A_53 = %scan3A_47 to %scan3A_49 step %scan3A_50  : i32 {
      %rem3A = arith.constant 2 : i32
      %rem3A_54 = arith.remsi %scan3A_53, %rem3A : i32
      %dma_wait3A = arith.constant 0 : i32
      %dma_wait3A_55 = arith.constant 0 : i32
      %dma_wait3A_56 = tpu.memref_slice %arg7[%rem3A_54, %dma_wait3A, %dma_wait3A_55] : memref<2x8x128xi32, #tpu.memory_space<vmem>> -> memref<1x8x128xi32, #tpu.memory_space<vmem>>
      %dma_wait3A_57 = tpu.memref_squeeze %dma_wait3A_56 : memref<1x8x128xi32, #tpu.memory_space<vmem>> -> memref<8x128xi32, #tpu.memory_space<vmem>>
      %dma_wait3A_58 = arith.constant 0 : i32
      %dma_wait3A_59 = arith.constant 0 : i32
      %dma_wait3A_60 = tpu.memref_slice %arg4[%dma_wait3A_58, %dma_wait3A_59] : memref<2560x128xi32, #tpu.memory_space<hbm>> -> memref<8x128xi32, #tpu.memory_space<hbm>>
      %dma_wait3A_61 = arith.constant 0 : i32
      %dma_wait3A_62 = arith.constant 0 : i32
      %dma_wait3A_63 = tpu.memref_slice %arg7[%rem3A_54, %dma_wait3A_61, %dma_wait3A_62] : memref<2x8x128xi32, #tpu.memory_space<vmem>> -> memref<1x8x128xi32, #tpu.memory_space<vmem>>
      %dma_wait3A_64 = tpu.memref_squeeze %dma_wait3A_63 : memref<1x8x128xi32, #tpu.memory_space<vmem>> -> memref<8x128xi32, #tpu.memory_space<vmem>>
      %dma_wait3A_65 = arith.constant 0 : i32
      %dma_wait3A_66 = arith.constant 0 : i32
      %dma_wait3A_67 = tpu.memref_slice %arg4[%dma_wait3A_65, %dma_wait3A_66] : memref<2560x128xi32, #tpu.memory_space<hbm>> -> memref<8x128xi32, #tpu.memory_space<hbm>>
      tpu.wait_dma2 semaphore(%arg11 : memref<!tpu.dma_semaphore, #tpu.memory_space<semaphore_mem>>) src(%dma_wait3A_67 : memref<8x128xi32, #tpu.memory_space<hbm>>) dst(%dma_wait3A_64 : memref<8x128xi32, #tpu.memory_space<vmem>>)
      %lt3A = arith.constant 9 : i32
      %lt3A_68 = arith.cmpi slt, %scan3A_53, %lt3A : i32
      %convert_element_type3A = arith.extui %lt3A_68 : i1 to i32
      %cond3A = arith.constant 0 : i32
      %cond3A_69 = arith.cmpi ne, %convert_element_type3A, %cond3A : i32
      scf.if %cond3A_69 {
        %add3A_598 = arith.constant 1 : i32
        %add3A_599 = arith.addi %scan3A_53, %add3A_598 : i32
        %mul3A_600 = arith.constant 8 : i32
        %mul3A_601 = arith.muli %add3A_599, %mul3A_600 : i32
        %add3A_602 = arith.addi %mul3A_2, %mul3A_601 : i32
        %add3A_603 = arith.constant 1 : i32
        %add3A_604 = arith.addi %scan3A_53, %add3A_603 : i32
        %rem3A_605 = arith.constant 2 : i32
        %rem3A_606 = arith.remsi %add3A_604, %rem3A_605 : i32
        %dma_start3A_607 = arith.constant 0 : i32
        %dma_start3A_608 = arith.constant 0 : i32
        %dma_start3A_609 = tpu.memref_slice %arg7[%rem3A_606, %dma_start3A_607, %dma_start3A_608] : memref<2x8x128xi32, #tpu.memory_space<vmem>> -> memref<1x8x128xi32, #tpu.memory_space<vmem>>
        %dma_start3A_610 = tpu.memref_squeeze %dma_start3A_609 : memref<1x8x128xi32, #tpu.memory_space<vmem>> -> memref<8x128xi32, #tpu.memory_space<vmem>>
        %dma_start3A_611 = arith.constant 0 : i32
        %dma_start3A_612 = tpu.memref_slice %arg4[%add3A_602, %dma_start3A_611] : memref<2560x128xi32, #tpu.memory_space<hbm>> -> memref<8x128xi32, #tpu.memory_space<hbm>>
        %dma_start3A_613 = arith.constant 0 : i32
        %dma_start3A_614 = arith.constant 0 : i32
        %dma_start3A_615 = tpu.memref_slice %arg7[%rem3A_606, %dma_start3A_613, %dma_start3A_614] : memref<2x8x128xi32, #tpu.memory_space<vmem>> -> memref<1x8x128xi32, #tpu.memory_space<vmem>>
        %dma_start3A_616 = tpu.memref_squeeze %dma_start3A_615 : memref<1x8x128xi32, #tpu.memory_space<vmem>> -> memref<8x128xi32, #tpu.memory_space<vmem>>
        %dma_start3A_617 = arith.constant 0 : i32
        %dma_start3A_618 = tpu.memref_slice %arg4[%add3A_602, %dma_start3A_617] : memref<2560x128xi32, #tpu.memory_space<hbm>> -> memref<8x128xi32, #tpu.memory_space<hbm>>
        tpu.enqueue_dma source(%dma_start3A_618 : memref<8x128xi32, #tpu.memory_space<hbm>>) target(%dma_start3A_616 : memref<8x128xi32, #tpu.memory_space<vmem>>) target_semaphore(%arg11 : memref<!tpu.dma_semaphore, #tpu.memory_space<semaphore_mem>>)
      } else {
      }
      %mul3A_70 = arith.constant 8 : i32
      %mul3A_71 = arith.muli %scan3A_53, %mul3A_70 : i32
      %add3A_72 = arith.constant 0 : i32
      %add3A_73 = arith.addi %mul3A_71, %add3A_72 : i32
      %dma_wait3A_74 = arith.constant 0 : i32
      %dma_wait3A_75 = arith.constant 0 : i32
      %dma_wait3A_76 = arith.constant 0 : i32
      %dma_wait3A_77 = arith.constant 0 : i32
      %dma_wait3A_78 = tpu.memref_slice %arg8[%dma_wait3A_74, %dma_wait3A_76, %dma_wait3A_77] : memref<2x128x128xf32, #tpu.memory_space<vmem>> -> memref<1x128x128xf32, #tpu.memory_space<vmem>>
      %dma_wait3A_79 = tpu.memref_squeeze %dma_wait3A_78 : memref<1x128x128xf32, #tpu.memory_space<vmem>> -> memref<128x128xf32, #tpu.memory_space<vmem>>
      %dma_wait3A_80 = arith.constant 0 : i32
      %dma_wait3A_81 = arith.constant 0 : i32
      %dma_wait3A_82 = tpu.memref_slice %arg2[%dma_wait3A_80, %dma_wait3A_81] : memref<10240x128xf32, #tpu.memory_space<hbm>> -> memref<128x128xf32, #tpu.memory_space<hbm>>
      %dma_wait3A_83 = tpu.memref_slice %arg9[%dma_wait3A_75] : memref<2x!tpu.dma_semaphore, #tpu.memory_space<semaphore_mem>> -> memref<1x!tpu.dma_semaphore, #tpu.memory_space<semaphore_mem>>
      %dma_wait3A_84 = tpu.memref_squeeze %dma_wait3A_83 : memref<1x!tpu.dma_semaphore, #tpu.memory_space<semaphore_mem>> -> memref<!tpu.dma_semaphore, #tpu.memory_space<semaphore_mem>>
      %dma_wait3A_85 = arith.constant 0 : i32
      %dma_wait3A_86 = arith.constant 0 : i32
      %dma_wait3A_87 = tpu.memref_slice %arg8[%dma_wait3A_74, %dma_wait3A_85, %dma_wait3A_86] : memref<2x128x128xf32, #tpu.memory_space<vmem>> -> memref<1x128x128xf32, #tpu.memory_space<vmem>>
      %dma_wait3A_88 = tpu.memref_squeeze %dma_wait3A_87 : memref<1x128x128xf32, #tpu.memory_space<vmem>> -> memref<128x128xf32, #tpu.memory_space<vmem>>
      %dma_wait3A_89 = arith.constant 0 : i32
      %dma_wait3A_90 = arith.constant 0 : i32
      %dma_wait3A_91 = tpu.memref_slice %arg2[%dma_wait3A_89, %dma_wait3A_90] : memref<10240x128xf32, #tpu.memory_space<hbm>> -> memref<128x128xf32, #tpu.memory_space<hbm>>
      tpu.wait_dma2 semaphore(%dma_wait3A_84 : memref<!tpu.dma_semaphore, #tpu.memory_space<semaphore_mem>>) src(%dma_wait3A_91 : memref<128x128xf32, #tpu.memory_space<hbm>>) dst(%dma_wait3A_88 : memref<128x128xf32, #tpu.memory_space<vmem>>)
      %dma_start3A_92 = arith.constant 0 : i32
      %dma_start3A_93 = arith.constant 0 : i32
      %dma_start3A_94 = arith.constant 0 : i32
      %dma_start3A_95 = arith.constant 0 : i32
      %dma_start3A_96 = arith.constant 0 : i32
      %dma_start3A_97 = tpu.memref_slice %arg8[%dma_start3A_92, %dma_start3A_95, %dma_start3A_96] : memref<2x128x128xf32, #tpu.memory_space<vmem>> -> memref<1x128x128xf32, #tpu.memory_space<vmem>>
      %dma_start3A_98 = tpu.memref_squeeze %dma_start3A_97 : memref<1x128x128xf32, #tpu.memory_space<vmem>> -> memref<128x128xf32, #tpu.memory_space<vmem>>
      %dma_start3A_99 = arith.constant 0 : i32
      %dma_start3A_100 = arith.constant 0 : i32
      %dma_start3A_101 = tpu.memref_slice %arg7[%rem3A_54, %dma_start3A_99, %dma_start3A_100] : memref<2x8x128xi32, #tpu.memory_space<vmem>> -> memref<1x8x128xi32, #tpu.memory_space<vmem>>
      %dma_start3A_102 = tpu.memref_squeeze %dma_start3A_101 : memref<1x8x128xi32, #tpu.memory_space<vmem>> -> memref<8x128xi32, #tpu.memory_space<vmem>>
      %dma_start3A_103 = arith.constant 0 : i32
      %dma_start3A_104 = tpu.memref_slice %dma_start3A_102[%dma_start3A_93, %dma_start3A_103] : memref<8x128xi32, #tpu.memory_space<vmem>> -> memref<1x128xi32, #tpu.memory_space<vmem>>
      %dma_start3A_105 = tpu.memref_squeeze %dma_start3A_104 : memref<1x128xi32, #tpu.memory_space<vmem>> -> memref<128xi32, #tpu.memory_space<vmem>>
      %dma_start3A_106 = arith.constant 0 : i32
      %dma_start3A_107 = arith.constant 0 : i32
      %dma_start3A_108 = tpu.memref_slice %arg12[%dma_start3A_106, %dma_start3A_107] : memref<10240x128xf32, #tpu.memory_space<vmem_shared>> -> memref<10240x128xf32, #tpu.memory_space<vmem_shared>>
      %dma_start3A_109 = tpu.memref_slice %arg10[%dma_start3A_94] : memref<2x!tpu.dma_semaphore, #tpu.memory_space<semaphore_mem>> -> memref<1x!tpu.dma_semaphore, #tpu.memory_space<semaphore_mem>>
      %dma_start3A_110 = tpu.memref_squeeze %dma_start3A_109 : memref<1x!tpu.dma_semaphore, #tpu.memory_space<semaphore_mem>> -> memref<!tpu.dma_semaphore, #tpu.memory_space<semaphore_mem>>
      tpu.enqueue_indirect_dma source(%dma_start3A_98 : memref<128x128xf32, #tpu.memory_space<vmem>>) target(%dma_start3A_108 : memref<10240x128xf32, #tpu.memory_space<vmem_shared>>) offsets(%dma_start3A_105 : memref<128xi32, #tpu.memory_space<vmem>>) semaphore(%dma_start3A_110 : memref<!tpu.dma_semaphore, #tpu.memory_space<semaphore_mem>>) {add = true}
      %dma_wait3A_111 = arith.constant 0 : i32
      %dma_wait3A_112 = arith.constant 0 : i32
      %dma_wait3A_113 = arith.constant 0 : i32
      %dma_wait3A_114 = arith.constant 0 : i32
      %dma_wait3A_115 = tpu.memref_slice %arg8[%dma_wait3A_111, %dma_wait3A_113, %dma_wait3A_114] : memref<2x128x128xf32, #tpu.memory_space<vmem>> -> memref<1x128x128xf32, #tpu.memory_space<vmem>>
      %dma_wait3A_116 = tpu.memref_squeeze %dma_wait3A_115 : memref<1x128x128xf32, #tpu.memory_space<vmem>> -> memref<128x128xf32, #tpu.memory_space<vmem>>
      %dma_wait3A_117 = arith.constant 0 : i32
      %dma_wait3A_118 = arith.constant 0 : i32
      %dma_wait3A_119 = tpu.memref_slice %arg12[%dma_wait3A_117, %dma_wait3A_118] : memref<10240x128xf32, #tpu.memory_space<vmem_shared>> -> memref<128x128xf32, #tpu.memory_space<vmem_shared>>
      %dma_wait3A_120 = tpu.memref_slice %arg10[%dma_wait3A_112] : memref<2x!tpu.dma_semaphore, #tpu.memory_space<semaphore_mem>> -> memref<1x!tpu.dma_semaphore, #tpu.memory_space<semaphore_mem>>
      %dma_wait3A_121 = tpu.memref_squeeze %dma_wait3A_120 : memref<1x!tpu.dma_semaphore, #tpu.memory_space<semaphore_mem>> -> memref<!tpu.dma_semaphore, #tpu.memory_space<semaphore_mem>>
      %dma_wait3A_122 = arith.constant 0 : i32
      %dma_wait3A_123 = arith.constant 0 : i32
      %dma_wait3A_124 = tpu.memref_slice %arg12[%dma_wait3A_122, %dma_wait3A_123] : memref<10240x128xf32, #tpu.memory_space<vmem_shared>> -> memref<128x128xf32, #tpu.memory_space<vmem_shared>>
      %dma_wait3A_125 = arith.constant 0 : i32
      %dma_wait3A_126 = arith.constant 0 : i32
      %dma_wait3A_127 = tpu.memref_slice %arg8[%dma_wait3A_111, %dma_wait3A_125, %dma_wait3A_126] : memref<2x128x128xf32, #tpu.memory_space<vmem>> -> memref<1x128x128xf32, #tpu.memory_space<vmem>>
      %dma_wait3A_128 = tpu.memref_squeeze %dma_wait3A_127 : memref<1x128x128xf32, #tpu.memory_space<vmem>> -> memref<128x128xf32, #tpu.memory_space<vmem>>
      tpu.wait_dma2 semaphore(%dma_wait3A_121 : memref<!tpu.dma_semaphore, #tpu.memory_space<semaphore_mem>>) src(%dma_wait3A_128 : memref<128x128xf32, #tpu.memory_space<vmem>>) dst(%dma_wait3A_124 : memref<128x128xf32, #tpu.memory_space<vmem_shared>>)
      %add3A_129 = arith.constant 2 : i32
      %add3A_130 = arith.addi %add3A_73, %add3A_129 : i32
      %lt3A_131 = arith.constant 80 : i32
      %lt3A_132 = arith.cmpi slt, %add3A_130, %lt3A_131 : i32
      %convert_element_type3A_133 = arith.extui %lt3A_132 : i1 to i32
      %cond3A_134 = arith.constant 0 : i32
      %cond3A_135 = arith.cmpi ne, %convert_element_type3A_133, %cond3A_134 : i32
      scf.if %cond3A_135 {
        %add3A_598 = arith.constant 2 : i32
        %add3A_599 = arith.addi %add3A_73, %add3A_598 : i32
        %dma_start3A_600 = arith.constant 0 : i32
        %dma_start3A_601 = arith.constant 0 : i32
        %dma_start3A_602 = arith.constant 0 : i32
        %dma_start3A_603 = arith.constant 0 : i32
        %dma_start3A_604 = tpu.memref_slice %arg8[%dma_start3A_600, %dma_start3A_602, %dma_start3A_603] : memref<2x128x128xf32, #tpu.memory_space<vmem>> -> memref<1x128x128xf32, #tpu.memory_space<vmem>>
        %dma_start3A_605 = tpu.memref_squeeze %dma_start3A_604 : memref<1x128x128xf32, #tpu.memory_space<vmem>> -> memref<128x128xf32, #tpu.memory_space<vmem>>
        %dma_start3A_606 = arith.constant 0 : i32
        %dma_start3A_607 = tpu.memref_slice %arg6[%add3A_599, %dma_start3A_606] : memref<80x128xi32, #tpu.memory_space<vmem>> -> memref<1x128xi32, #tpu.memory_space<vmem>>
        %dma_start3A_608 = tpu.memref_squeeze %dma_start3A_607 : memref<1x128xi32, #tpu.memory_space<vmem>> -> memref<128xi32, #tpu.memory_space<vmem>>
        %dma_start3A_609 = arith.constant 0 : i32
        %dma_start3A_610 = arith.constant 0 : i32
        %dma_start3A_611 = tpu.memref_slice %arg2[%dma_start3A_609, %dma_start3A_610] : memref<10240x128xf32, #tpu.memory_space<hbm>> -> memref<10240x128xf32, #tpu.memory_space<hbm>>
        %dma_start3A_612 = tpu.memref_slice %arg9[%dma_start3A_601] : memref<2x!tpu.dma_semaphore, #tpu.memory_space<semaphore_mem>> -> memref<1x!tpu.dma_semaphore, #tpu.memory_space<semaphore_mem>>
        %dma_start3A_613 = tpu.memref_squeeze %dma_start3A_612 : memref<1x!tpu.dma_semaphore, #tpu.memory_space<semaphore_mem>> -> memref<!tpu.dma_semaphore, #tpu.memory_space<semaphore_mem>>
        tpu.enqueue_indirect_dma source(%dma_start3A_611 : memref<10240x128xf32, #tpu.memory_space<hbm>>) target(%dma_start3A_605 : memref<128x128xf32, #tpu.memory_space<vmem>>) offsets(%dma_start3A_608 : memref<128xi32, #tpu.memory_space<vmem>>) semaphore(%dma_start3A_613 : memref<!tpu.dma_semaphore, #tpu.memory_space<semaphore_mem>>)
      } else {
      }
      %mul3A_136 = arith.constant 8 : i32
      %mul3A_137 = arith.muli %scan3A_53, %mul3A_136 : i32
      %add3A_138 = arith.constant 1 : i32
      %add3A_139 = arith.addi %mul3A_137, %add3A_138 : i32
      %dma_wait3A_140 = arith.constant 1 : i32
      %dma_wait3A_141 = arith.constant 1 : i32
      %dma_wait3A_142 = arith.constant 0 : i32
      %dma_wait3A_143 = arith.constant 0 : i32
      %dma_wait3A_144 = tpu.memref_slice %arg8[%dma_wait3A_140, %dma_wait3A_142, %dma_wait3A_143] : memref<2x128x128xf32, #tpu.memory_space<vmem>> -> memref<1x128x128xf32, #tpu.memory_space<vmem>>
      %dma_wait3A_145 = tpu.memref_squeeze %dma_wait3A_144 : memref<1x128x128xf32, #tpu.memory_space<vmem>> -> memref<128x128xf32, #tpu.memory_space<vmem>>
      %dma_wait3A_146 = arith.constant 0 : i32
      %dma_wait3A_147 = arith.constant 0 : i32
      %dma_wait3A_148 = tpu.memref_slice %arg2[%dma_wait3A_146, %dma_wait3A_147] : memref<10240x128xf32, #tpu.memory_space<hbm>> -> memref<128x128xf32, #tpu.memory_space<hbm>>
      %dma_wait3A_149 = tpu.memref_slice %arg9[%dma_wait3A_141] : memref<2x!tpu.dma_semaphore, #tpu.memory_space<semaphore_mem>> -> memref<1x!tpu.dma_semaphore, #tpu.memory_space<semaphore_mem>>
      %dma_wait3A_150 = tpu.memref_squeeze %dma_wait3A_149 : memref<1x!tpu.dma_semaphore, #tpu.memory_space<semaphore_mem>> -> memref<!tpu.dma_semaphore, #tpu.memory_space<semaphore_mem>>
      %dma_wait3A_151 = arith.constant 0 : i32
      %dma_wait3A_152 = arith.constant 0 : i32
      %dma_wait3A_153 = tpu.memref_slice %arg8[%dma_wait3A_140, %dma_wait3A_151, %dma_wait3A_152] : memref<2x128x128xf32, #tpu.memory_space<vmem>> -> memref<1x128x128xf32, #tpu.memory_space<vmem>>
      %dma_wait3A_154 = tpu.memref_squeeze %dma_wait3A_153 : memref<1x128x128xf32, #tpu.memory_space<vmem>> -> memref<128x128xf32, #tpu.memory_space<vmem>>
      %dma_wait3A_155 = arith.constant 0 : i32
      %dma_wait3A_156 = arith.constant 0 : i32
      %dma_wait3A_157 = tpu.memref_slice %arg2[%dma_wait3A_155, %dma_wait3A_156] : memref<10240x128xf32, #tpu.memory_space<hbm>> -> memref<128x128xf32, #tpu.memory_space<hbm>>
      tpu.wait_dma2 semaphore(%dma_wait3A_150 : memref<!tpu.dma_semaphore, #tpu.memory_space<semaphore_mem>>) src(%dma_wait3A_157 : memref<128x128xf32, #tpu.memory_space<hbm>>) dst(%dma_wait3A_154 : memref<128x128xf32, #tpu.memory_space<vmem>>)
      %dma_start3A_158 = arith.constant 1 : i32
      %dma_start3A_159 = arith.constant 1 : i32
      %dma_start3A_160 = arith.constant 1 : i32
      %dma_start3A_161 = arith.constant 0 : i32
      %dma_start3A_162 = arith.constant 0 : i32
      %dma_start3A_163 = tpu.memref_slice %arg8[%dma_start3A_158, %dma_start3A_161, %dma_start3A_162] : memref<2x128x128xf32, #tpu.memory_space<vmem>> -> memref<1x128x128xf32, #tpu.memory_space<vmem>>
      %dma_start3A_164 = tpu.memref_squeeze %dma_start3A_163 : memref<1x128x128xf32, #tpu.memory_space<vmem>> -> memref<128x128xf32, #tpu.memory_space<vmem>>
      %dma_start3A_165 = arith.constant 0 : i32
      %dma_start3A_166 = arith.constant 0 : i32
      %dma_start3A_167 = tpu.memref_slice %arg7[%rem3A_54, %dma_start3A_165, %dma_start3A_166] : memref<2x8x128xi32, #tpu.memory_space<vmem>> -> memref<1x8x128xi32, #tpu.memory_space<vmem>>
      %dma_start3A_168 = tpu.memref_squeeze %dma_start3A_167 : memref<1x8x128xi32, #tpu.memory_space<vmem>> -> memref<8x128xi32, #tpu.memory_space<vmem>>
      %dma_start3A_169 = arith.constant 0 : i32
      %dma_start3A_170 = tpu.memref_slice %dma_start3A_168[%dma_start3A_159, %dma_start3A_169] : memref<8x128xi32, #tpu.memory_space<vmem>> -> memref<1x128xi32, #tpu.memory_space<vmem>>
      %dma_start3A_171 = tpu.memref_squeeze %dma_start3A_170 : memref<1x128xi32, #tpu.memory_space<vmem>> -> memref<128xi32, #tpu.memory_space<vmem>>
      %dma_start3A_172 = arith.constant 0 : i32
      %dma_start3A_173 = arith.constant 0 : i32
      %dma_start3A_174 = tpu.memref_slice %arg12[%dma_start3A_172, %dma_start3A_173] : memref<10240x128xf32, #tpu.memory_space<vmem_shared>> -> memref<10240x128xf32, #tpu.memory_space<vmem_shared>>
      %dma_start3A_175 = tpu.memref_slice %arg10[%dma_start3A_160] : memref<2x!tpu.dma_semaphore, #tpu.memory_space<semaphore_mem>> -> memref<1x!tpu.dma_semaphore, #tpu.memory_space<semaphore_mem>>
      %dma_start3A_176 = tpu.memref_squeeze %dma_start3A_175 : memref<1x!tpu.dma_semaphore, #tpu.memory_space<semaphore_mem>> -> memref<!tpu.dma_semaphore, #tpu.memory_space<semaphore_mem>>
      tpu.enqueue_indirect_dma source(%dma_start3A_164 : memref<128x128xf32, #tpu.memory_space<vmem>>) target(%dma_start3A_174 : memref<10240x128xf32, #tpu.memory_space<vmem_shared>>) offsets(%dma_start3A_171 : memref<128xi32, #tpu.memory_space<vmem>>) semaphore(%dma_start3A_176 : memref<!tpu.dma_semaphore, #tpu.memory_space<semaphore_mem>>) {add = true}
      %dma_wait3A_177 = arith.constant 1 : i32
      %dma_wait3A_178 = arith.constant 1 : i32
      %dma_wait3A_179 = arith.constant 0 : i32
      %dma_wait3A_180 = arith.constant 0 : i32
      %dma_wait3A_181 = tpu.memref_slice %arg8[%dma_wait3A_177, %dma_wait3A_179, %dma_wait3A_180] : memref<2x128x128xf32, #tpu.memory_space<vmem>> -> memref<1x128x128xf32, #tpu.memory_space<vmem>>
      %dma_wait3A_182 = tpu.memref_squeeze %dma_wait3A_181 : memref<1x128x128xf32, #tpu.memory_space<vmem>> -> memref<128x128xf32, #tpu.memory_space<vmem>>
      %dma_wait3A_183 = arith.constant 0 : i32
      %dma_wait3A_184 = arith.constant 0 : i32
      %dma_wait3A_185 = tpu.memref_slice %arg12[%dma_wait3A_183, %dma_wait3A_184] : memref<10240x128xf32, #tpu.memory_space<vmem_shared>> -> memref<128x128xf32, #tpu.memory_space<vmem_shared>>
      %dma_wait3A_186 = tpu.memref_slice %arg10[%dma_wait3A_178] : memref<2x!tpu.dma_semaphore, #tpu.memory_space<semaphore_mem>> -> memref<1x!tpu.dma_semaphore, #tpu.memory_space<semaphore_mem>>
      %dma_wait3A_187 = tpu.memref_squeeze %dma_wait3A_186 : memref<1x!tpu.dma_semaphore, #tpu.memory_space<semaphore_mem>> -> memref<!tpu.dma_semaphore, #tpu.memory_space<semaphore_mem>>
      %dma_wait3A_188 = arith.constant 0 : i32
      %dma_wait3A_189 = arith.constant 0 : i32
      %dma_wait3A_190 = tpu.memref_slice %arg12[%dma_wait3A_188, %dma_wait3A_189] : memref<10240x128xf32, #tpu.memory_space<vmem_shared>> -> memref<128x128xf32, #tpu.memory_space<vmem_shared>>
      %dma_wait3A_191 = arith.constant 0 : i32
      %dma_wait3A_192 = arith.constant 0 : i32
      %dma_wait3A_193 = tpu.memref_slice %arg8[%dma_wait3A_177, %dma_wait3A_191, %dma_wait3A_192] : memref<2x128x128xf32, #tpu.memory_space<vmem>> -> memref<1x128x128xf32, #tpu.memory_space<vmem>>
      %dma_wait3A_194 = tpu.memref_squeeze %dma_wait3A_193 : memref<1x128x128xf32, #tpu.memory_space<vmem>> -> memref<128x128xf32, #tpu.memory_space<vmem>>
      tpu.wait_dma2 semaphore(%dma_wait3A_187 : memref<!tpu.dma_semaphore, #tpu.memory_space<semaphore_mem>>) src(%dma_wait3A_194 : memref<128x128xf32, #tpu.memory_space<vmem>>) dst(%dma_wait3A_190 : memref<128x128xf32, #tpu.memory_space<vmem_shared>>)
      %add3A_195 = arith.constant 2 : i32
      %add3A_196 = arith.addi %add3A_139, %add3A_195 : i32
      %lt3A_197 = arith.constant 80 : i32
      %lt3A_198 = arith.cmpi slt, %add3A_196, %lt3A_197 : i32
      %convert_element_type3A_199 = arith.extui %lt3A_198 : i1 to i32
      %cond3A_200 = arith.constant 0 : i32
      %cond3A_201 = arith.cmpi ne, %convert_element_type3A_199, %cond3A_200 : i32
      scf.if %cond3A_201 {
        %add3A_598 = arith.constant 2 : i32
        %add3A_599 = arith.addi %add3A_139, %add3A_598 : i32
        %dma_start3A_600 = arith.constant 1 : i32
        %dma_start3A_601 = arith.constant 1 : i32
        %dma_start3A_602 = arith.constant 0 : i32
        %dma_start3A_603 = arith.constant 0 : i32
        %dma_start3A_604 = tpu.memref_slice %arg8[%dma_start3A_600, %dma_start3A_602, %dma_start3A_603] : memref<2x128x128xf32, #tpu.memory_space<vmem>> -> memref<1x128x128xf32, #tpu.memory_space<vmem>>
        %dma_start3A_605 = tpu.memref_squeeze %dma_start3A_604 : memref<1x128x128xf32, #tpu.memory_space<vmem>> -> memref<128x128xf32, #tpu.memory_space<vmem>>
        %dma_start3A_606 = arith.constant 0 : i32
        %dma_start3A_607 = tpu.memref_slice %arg6[%add3A_599, %dma_start3A_606] : memref<80x128xi32, #tpu.memory_space<vmem>> -> memref<1x128xi32, #tpu.memory_space<vmem>>
        %dma_start3A_608 = tpu.memref_squeeze %dma_start3A_607 : memref<1x128xi32, #tpu.memory_space<vmem>> -> memref<128xi32, #tpu.memory_space<vmem>>
        %dma_start3A_609 = arith.constant 0 : i32
        %dma_start3A_610 = arith.constant 0 : i32
        %dma_start3A_611 = tpu.memref_slice %arg2[%dma_start3A_609, %dma_start3A_610] : memref<10240x128xf32, #tpu.memory_space<hbm>> -> memref<10240x128xf32, #tpu.memory_space<hbm>>
        %dma_start3A_612 = tpu.memref_slice %arg9[%dma_start3A_601] : memref<2x!tpu.dma_semaphore, #tpu.memory_space<semaphore_mem>> -> memref<1x!tpu.dma_semaphore, #tpu.memory_space<semaphore_mem>>
        %dma_start3A_613 = tpu.memref_squeeze %dma_start3A_612 : memref<1x!tpu.dma_semaphore, #tpu.memory_space<semaphore_mem>> -> memref<!tpu.dma_semaphore, #tpu.memory_space<semaphore_mem>>
        tpu.enqueue_indirect_dma source(%dma_start3A_611 : memref<10240x128xf32, #tpu.memory_space<hbm>>) target(%dma_start3A_605 : memref<128x128xf32, #tpu.memory_space<vmem>>) offsets(%dma_start3A_608 : memref<128xi32, #tpu.memory_space<vmem>>) semaphore(%dma_start3A_613 : memref<!tpu.dma_semaphore, #tpu.memory_space<semaphore_mem>>)
      } else {
      }
      %mul3A_202 = arith.constant 8 : i32
      %mul3A_203 = arith.muli %scan3A_53, %mul3A_202 : i32
      %add3A_204 = arith.constant 2 : i32
      %add3A_205 = arith.addi %mul3A_203, %add3A_204 : i32
      %dma_wait3A_206 = arith.constant 0 : i32
      %dma_wait3A_207 = arith.constant 0 : i32
      %dma_wait3A_208 = arith.constant 0 : i32
      %dma_wait3A_209 = arith.constant 0 : i32
      %dma_wait3A_210 = tpu.memref_slice %arg8[%dma_wait3A_206, %dma_wait3A_208, %dma_wait3A_209] : memref<2x128x128xf32, #tpu.memory_space<vmem>> -> memref<1x128x128xf32, #tpu.memory_space<vmem>>
      %dma_wait3A_211 = tpu.memref_squeeze %dma_wait3A_210 : memref<1x128x128xf32, #tpu.memory_space<vmem>> -> memref<128x128xf32, #tpu.memory_space<vmem>>
      %dma_wait3A_212 = arith.constant 0 : i32
      %dma_wait3A_213 = arith.constant 0 : i32
      %dma_wait3A_214 = tpu.memref_slice %arg2[%dma_wait3A_212, %dma_wait3A_213] : memref<10240x128xf32, #tpu.memory_space<hbm>> -> memref<128x128xf32, #tpu.memory_space<hbm>>
      %dma_wait3A_215 = tpu.memref_slice %arg9[%dma_wait3A_207] : memref<2x!tpu.dma_semaphore, #tpu.memory_space<semaphore_mem>> -> memref<1x!tpu.dma_semaphore, #tpu.memory_space<semaphore_mem>>
      %dma_wait3A_216 = tpu.memref_squeeze %dma_wait3A_215 : memref<1x!tpu.dma_semaphore, #tpu.memory_space<semaphore_mem>> -> memref<!tpu.dma_semaphore, #tpu.memory_space<semaphore_mem>>
      %dma_wait3A_217 = arith.constant 0 : i32
      %dma_wait3A_218 = arith.constant 0 : i32
      %dma_wait3A_219 = tpu.memref_slice %arg8[%dma_wait3A_206, %dma_wait3A_217, %dma_wait3A_218] : memref<2x128x128xf32, #tpu.memory_space<vmem>> -> memref<1x128x128xf32, #tpu.memory_space<vmem>>
      %dma_wait3A_220 = tpu.memref_squeeze %dma_wait3A_219 : memref<1x128x128xf32, #tpu.memory_space<vmem>> -> memref<128x128xf32, #tpu.memory_space<vmem>>
      %dma_wait3A_221 = arith.constant 0 : i32
      %dma_wait3A_222 = arith.constant 0 : i32
      %dma_wait3A_223 = tpu.memref_slice %arg2[%dma_wait3A_221, %dma_wait3A_222] : memref<10240x128xf32, #tpu.memory_space<hbm>> -> memref<128x128xf32, #tpu.memory_space<hbm>>
      tpu.wait_dma2 semaphore(%dma_wait3A_216 : memref<!tpu.dma_semaphore, #tpu.memory_space<semaphore_mem>>) src(%dma_wait3A_223 : memref<128x128xf32, #tpu.memory_space<hbm>>) dst(%dma_wait3A_220 : memref<128x128xf32, #tpu.memory_space<vmem>>)
      %dma_start3A_224 = arith.constant 0 : i32
      %dma_start3A_225 = arith.constant 2 : i32
      %dma_start3A_226 = arith.constant 0 : i32
      %dma_start3A_227 = arith.constant 0 : i32
      %dma_start3A_228 = arith.constant 0 : i32
      %dma_start3A_229 = tpu.memref_slice %arg8[%dma_start3A_224, %dma_start3A_227, %dma_start3A_228] : memref<2x128x128xf32, #tpu.memory_space<vmem>> -> memref<1x128x128xf32, #tpu.memory_space<vmem>>
      %dma_start3A_230 = tpu.memref_squeeze %dma_start3A_229 : memref<1x128x128xf32, #tpu.memory_space<vmem>> -> memref<128x128xf32, #tpu.memory_space<vmem>>
      %dma_start3A_231 = arith.constant 0 : i32
      %dma_start3A_232 = arith.constant 0 : i32
      %dma_start3A_233 = tpu.memref_slice %arg7[%rem3A_54, %dma_start3A_231, %dma_start3A_232] : memref<2x8x128xi32, #tpu.memory_space<vmem>> -> memref<1x8x128xi32, #tpu.memory_space<vmem>>
      %dma_start3A_234 = tpu.memref_squeeze %dma_start3A_233 : memref<1x8x128xi32, #tpu.memory_space<vmem>> -> memref<8x128xi32, #tpu.memory_space<vmem>>
      %dma_start3A_235 = arith.constant 0 : i32
      %dma_start3A_236 = tpu.memref_slice %dma_start3A_234[%dma_start3A_225, %dma_start3A_235] : memref<8x128xi32, #tpu.memory_space<vmem>> -> memref<1x128xi32, #tpu.memory_space<vmem>>
      %dma_start3A_237 = tpu.memref_squeeze %dma_start3A_236 : memref<1x128xi32, #tpu.memory_space<vmem>> -> memref<128xi32, #tpu.memory_space<vmem>>
      %dma_start3A_238 = arith.constant 0 : i32
      %dma_start3A_239 = arith.constant 0 : i32
      %dma_start3A_240 = tpu.memref_slice %arg12[%dma_start3A_238, %dma_start3A_239] : memref<10240x128xf32, #tpu.memory_space<vmem_shared>> -> memref<10240x128xf32, #tpu.memory_space<vmem_shared>>
      %dma_start3A_241 = tpu.memref_slice %arg10[%dma_start3A_226] : memref<2x!tpu.dma_semaphore, #tpu.memory_space<semaphore_mem>> -> memref<1x!tpu.dma_semaphore, #tpu.memory_space<semaphore_mem>>
      %dma_start3A_242 = tpu.memref_squeeze %dma_start3A_241 : memref<1x!tpu.dma_semaphore, #tpu.memory_space<semaphore_mem>> -> memref<!tpu.dma_semaphore, #tpu.memory_space<semaphore_mem>>
      tpu.enqueue_indirect_dma source(%dma_start3A_230 : memref<128x128xf32, #tpu.memory_space<vmem>>) target(%dma_start3A_240 : memref<10240x128xf32, #tpu.memory_space<vmem_shared>>) offsets(%dma_start3A_237 : memref<128xi32, #tpu.memory_space<vmem>>) semaphore(%dma_start3A_242 : memref<!tpu.dma_semaphore, #tpu.memory_space<semaphore_mem>>) {add = true}
      %dma_wait3A_243 = arith.constant 0 : i32
      %dma_wait3A_244 = arith.constant 0 : i32
      %dma_wait3A_245 = arith.constant 0 : i32
      %dma_wait3A_246 = arith.constant 0 : i32
      %dma_wait3A_247 = tpu.memref_slice %arg8[%dma_wait3A_243, %dma_wait3A_245, %dma_wait3A_246] : memref<2x128x128xf32, #tpu.memory_space<vmem>> -> memref<1x128x128xf32, #tpu.memory_space<vmem>>
      %dma_wait3A_248 = tpu.memref_squeeze %dma_wait3A_247 : memref<1x128x128xf32, #tpu.memory_space<vmem>> -> memref<128x128xf32, #tpu.memory_space<vmem>>
      %dma_wait3A_249 = arith.constant 0 : i32
      %dma_wait3A_250 = arith.constant 0 : i32
      %dma_wait3A_251 = tpu.memref_slice %arg12[%dma_wait3A_249, %dma_wait3A_250] : memref<10240x128xf32, #tpu.memory_space<vmem_shared>> -> memref<128x128xf32, #tpu.memory_space<vmem_shared>>
      %dma_wait3A_252 = tpu.memref_slice %arg10[%dma_wait3A_244] : memref<2x!tpu.dma_semaphore, #tpu.memory_space<semaphore_mem>> -> memref<1x!tpu.dma_semaphore, #tpu.memory_space<semaphore_mem>>
      %dma_wait3A_253 = tpu.memref_squeeze %dma_wait3A_252 : memref<1x!tpu.dma_semaphore, #tpu.memory_space<semaphore_mem>> -> memref<!tpu.dma_semaphore, #tpu.memory_space<semaphore_mem>>
      %dma_wait3A_254 = arith.constant 0 : i32
      %dma_wait3A_255 = arith.constant 0 : i32
      %dma_wait3A_256 = tpu.memref_slice %arg12[%dma_wait3A_254, %dma_wait3A_255] : memref<10240x128xf32, #tpu.memory_space<vmem_shared>> -> memref<128x128xf32, #tpu.memory_space<vmem_shared>>
      %dma_wait3A_257 = arith.constant 0 : i32
      %dma_wait3A_258 = arith.constant 0 : i32
      %dma_wait3A_259 = tpu.memref_slice %arg8[%dma_wait3A_243, %dma_wait3A_257, %dma_wait3A_258] : memref<2x128x128xf32, #tpu.memory_space<vmem>> -> memref<1x128x128xf32, #tpu.memory_space<vmem>>
      %dma_wait3A_260 = tpu.memref_squeeze %dma_wait3A_259 : memref<1x128x128xf32, #tpu.memory_space<vmem>> -> memref<128x128xf32, #tpu.memory_space<vmem>>
      tpu.wait_dma2 semaphore(%dma_wait3A_253 : memref<!tpu.dma_semaphore, #tpu.memory_space<semaphore_mem>>) src(%dma_wait3A_260 : memref<128x128xf32, #tpu.memory_space<vmem>>) dst(%dma_wait3A_256 : memref<128x128xf32, #tpu.memory_space<vmem_shared>>)
      %add3A_261 = arith.constant 2 : i32
      %add3A_262 = arith.addi %add3A_205, %add3A_261 : i32
      %lt3A_263 = arith.constant 80 : i32
      %lt3A_264 = arith.cmpi slt, %add3A_262, %lt3A_263 : i32
      %convert_element_type3A_265 = arith.extui %lt3A_264 : i1 to i32
      %cond3A_266 = arith.constant 0 : i32
      %cond3A_267 = arith.cmpi ne, %convert_element_type3A_265, %cond3A_266 : i32
      scf.if %cond3A_267 {
        %add3A_598 = arith.constant 2 : i32
        %add3A_599 = arith.addi %add3A_205, %add3A_598 : i32
        %dma_start3A_600 = arith.constant 0 : i32
        %dma_start3A_601 = arith.constant 0 : i32
        %dma_start3A_602 = arith.constant 0 : i32
        %dma_start3A_603 = arith.constant 0 : i32
        %dma_start3A_604 = tpu.memref_slice %arg8[%dma_start3A_600, %dma_start3A_602, %dma_start3A_603] : memref<2x128x128xf32, #tpu.memory_space<vmem>> -> memref<1x128x128xf32, #tpu.memory_space<vmem>>
        %dma_start3A_605 = tpu.memref_squeeze %dma_start3A_604 : memref<1x128x128xf32, #tpu.memory_space<vmem>> -> memref<128x128xf32, #tpu.memory_space<vmem>>
        %dma_start3A_606 = arith.constant 0 : i32
        %dma_start3A_607 = tpu.memref_slice %arg6[%add3A_599, %dma_start3A_606] : memref<80x128xi32, #tpu.memory_space<vmem>> -> memref<1x128xi32, #tpu.memory_space<vmem>>
        %dma_start3A_608 = tpu.memref_squeeze %dma_start3A_607 : memref<1x128xi32, #tpu.memory_space<vmem>> -> memref<128xi32, #tpu.memory_space<vmem>>
        %dma_start3A_609 = arith.constant 0 : i32
        %dma_start3A_610 = arith.constant 0 : i32
        %dma_start3A_611 = tpu.memref_slice %arg2[%dma_start3A_609, %dma_start3A_610] : memref<10240x128xf32, #tpu.memory_space<hbm>> -> memref<10240x128xf32, #tpu.memory_space<hbm>>
        %dma_start3A_612 = tpu.memref_slice %arg9[%dma_start3A_601] : memref<2x!tpu.dma_semaphore, #tpu.memory_space<semaphore_mem>> -> memref<1x!tpu.dma_semaphore, #tpu.memory_space<semaphore_mem>>
        %dma_start3A_613 = tpu.memref_squeeze %dma_start3A_612 : memref<1x!tpu.dma_semaphore, #tpu.memory_space<semaphore_mem>> -> memref<!tpu.dma_semaphore, #tpu.memory_space<semaphore_mem>>
        tpu.enqueue_indirect_dma source(%dma_start3A_611 : memref<10240x128xf32, #tpu.memory_space<hbm>>) target(%dma_start3A_605 : memref<128x128xf32, #tpu.memory_space<vmem>>) offsets(%dma_start3A_608 : memref<128xi32, #tpu.memory_space<vmem>>) semaphore(%dma_start3A_613 : memref<!tpu.dma_semaphore, #tpu.memory_space<semaphore_mem>>)
      } else {
      }
      %mul3A_268 = arith.constant 8 : i32
      %mul3A_269 = arith.muli %scan3A_53, %mul3A_268 : i32
      %add3A_270 = arith.constant 3 : i32
      %add3A_271 = arith.addi %mul3A_269, %add3A_270 : i32
      %dma_wait3A_272 = arith.constant 1 : i32
      %dma_wait3A_273 = arith.constant 1 : i32
      %dma_wait3A_274 = arith.constant 0 : i32
      %dma_wait3A_275 = arith.constant 0 : i32
      %dma_wait3A_276 = tpu.memref_slice %arg8[%dma_wait3A_272, %dma_wait3A_274, %dma_wait3A_275] : memref<2x128x128xf32, #tpu.memory_space<vmem>> -> memref<1x128x128xf32, #tpu.memory_space<vmem>>
      %dma_wait3A_277 = tpu.memref_squeeze %dma_wait3A_276 : memref<1x128x128xf32, #tpu.memory_space<vmem>> -> memref<128x128xf32, #tpu.memory_space<vmem>>
      %dma_wait3A_278 = arith.constant 0 : i32
      %dma_wait3A_279 = arith.constant 0 : i32
      %dma_wait3A_280 = tpu.memref_slice %arg2[%dma_wait3A_278, %dma_wait3A_279] : memref<10240x128xf32, #tpu.memory_space<hbm>> -> memref<128x128xf32, #tpu.memory_space<hbm>>
      %dma_wait3A_281 = tpu.memref_slice %arg9[%dma_wait3A_273] : memref<2x!tpu.dma_semaphore, #tpu.memory_space<semaphore_mem>> -> memref<1x!tpu.dma_semaphore, #tpu.memory_space<semaphore_mem>>
      %dma_wait3A_282 = tpu.memref_squeeze %dma_wait3A_281 : memref<1x!tpu.dma_semaphore, #tpu.memory_space<semaphore_mem>> -> memref<!tpu.dma_semaphore, #tpu.memory_space<semaphore_mem>>
      %dma_wait3A_283 = arith.constant 0 : i32
      %dma_wait3A_284 = arith.constant 0 : i32
      %dma_wait3A_285 = tpu.memref_slice %arg8[%dma_wait3A_272, %dma_wait3A_283, %dma_wait3A_284] : memref<2x128x128xf32, #tpu.memory_space<vmem>> -> memref<1x128x128xf32, #tpu.memory_space<vmem>>
      %dma_wait3A_286 = tpu.memref_squeeze %dma_wait3A_285 : memref<1x128x128xf32, #tpu.memory_space<vmem>> -> memref<128x128xf32, #tpu.memory_space<vmem>>
      %dma_wait3A_287 = arith.constant 0 : i32
      %dma_wait3A_288 = arith.constant 0 : i32
      %dma_wait3A_289 = tpu.memref_slice %arg2[%dma_wait3A_287, %dma_wait3A_288] : memref<10240x128xf32, #tpu.memory_space<hbm>> -> memref<128x128xf32, #tpu.memory_space<hbm>>
      tpu.wait_dma2 semaphore(%dma_wait3A_282 : memref<!tpu.dma_semaphore, #tpu.memory_space<semaphore_mem>>) src(%dma_wait3A_289 : memref<128x128xf32, #tpu.memory_space<hbm>>) dst(%dma_wait3A_286 : memref<128x128xf32, #tpu.memory_space<vmem>>)
      %dma_start3A_290 = arith.constant 1 : i32
      %dma_start3A_291 = arith.constant 3 : i32
      %dma_start3A_292 = arith.constant 1 : i32
      %dma_start3A_293 = arith.constant 0 : i32
      %dma_start3A_294 = arith.constant 0 : i32
      %dma_start3A_295 = tpu.memref_slice %arg8[%dma_start3A_290, %dma_start3A_293, %dma_start3A_294] : memref<2x128x128xf32, #tpu.memory_space<vmem>> -> memref<1x128x128xf32, #tpu.memory_space<vmem>>
      %dma_start3A_296 = tpu.memref_squeeze %dma_start3A_295 : memref<1x128x128xf32, #tpu.memory_space<vmem>> -> memref<128x128xf32, #tpu.memory_space<vmem>>
      %dma_start3A_297 = arith.constant 0 : i32
      %dma_start3A_298 = arith.constant 0 : i32
      %dma_start3A_299 = tpu.memref_slice %arg7[%rem3A_54, %dma_start3A_297, %dma_start3A_298] : memref<2x8x128xi32, #tpu.memory_space<vmem>> -> memref<1x8x128xi32, #tpu.memory_space<vmem>>
      %dma_start3A_300 = tpu.memref_squeeze %dma_start3A_299 : memref<1x8x128xi32, #tpu.memory_space<vmem>> -> memref<8x128xi32, #tpu.memory_space<vmem>>
      %dma_start3A_301 = arith.constant 0 : i32
      %dma_start3A_302 = tpu.memref_slice %dma_start3A_300[%dma_start3A_291, %dma_start3A_301] : memref<8x128xi32, #tpu.memory_space<vmem>> -> memref<1x128xi32, #tpu.memory_space<vmem>>
      %dma_start3A_303 = tpu.memref_squeeze %dma_start3A_302 : memref<1x128xi32, #tpu.memory_space<vmem>> -> memref<128xi32, #tpu.memory_space<vmem>>
      %dma_start3A_304 = arith.constant 0 : i32
      %dma_start3A_305 = arith.constant 0 : i32
      %dma_start3A_306 = tpu.memref_slice %arg12[%dma_start3A_304, %dma_start3A_305] : memref<10240x128xf32, #tpu.memory_space<vmem_shared>> -> memref<10240x128xf32, #tpu.memory_space<vmem_shared>>
      %dma_start3A_307 = tpu.memref_slice %arg10[%dma_start3A_292] : memref<2x!tpu.dma_semaphore, #tpu.memory_space<semaphore_mem>> -> memref<1x!tpu.dma_semaphore, #tpu.memory_space<semaphore_mem>>
      %dma_start3A_308 = tpu.memref_squeeze %dma_start3A_307 : memref<1x!tpu.dma_semaphore, #tpu.memory_space<semaphore_mem>> -> memref<!tpu.dma_semaphore, #tpu.memory_space<semaphore_mem>>
      tpu.enqueue_indirect_dma source(%dma_start3A_296 : memref<128x128xf32, #tpu.memory_space<vmem>>) target(%dma_start3A_306 : memref<10240x128xf32, #tpu.memory_space<vmem_shared>>) offsets(%dma_start3A_303 : memref<128xi32, #tpu.memory_space<vmem>>) semaphore(%dma_start3A_308 : memref<!tpu.dma_semaphore, #tpu.memory_space<semaphore_mem>>) {add = true}
      %dma_wait3A_309 = arith.constant 1 : i32
      %dma_wait3A_310 = arith.constant 1 : i32
      %dma_wait3A_311 = arith.constant 0 : i32
      %dma_wait3A_312 = arith.constant 0 : i32
      %dma_wait3A_313 = tpu.memref_slice %arg8[%dma_wait3A_309, %dma_wait3A_311, %dma_wait3A_312] : memref<2x128x128xf32, #tpu.memory_space<vmem>> -> memref<1x128x128xf32, #tpu.memory_space<vmem>>
      %dma_wait3A_314 = tpu.memref_squeeze %dma_wait3A_313 : memref<1x128x128xf32, #tpu.memory_space<vmem>> -> memref<128x128xf32, #tpu.memory_space<vmem>>
      %dma_wait3A_315 = arith.constant 0 : i32
      %dma_wait3A_316 = arith.constant 0 : i32
      %dma_wait3A_317 = tpu.memref_slice %arg12[%dma_wait3A_315, %dma_wait3A_316] : memref<10240x128xf32, #tpu.memory_space<vmem_shared>> -> memref<128x128xf32, #tpu.memory_space<vmem_shared>>
      %dma_wait3A_318 = tpu.memref_slice %arg10[%dma_wait3A_310] : memref<2x!tpu.dma_semaphore, #tpu.memory_space<semaphore_mem>> -> memref<1x!tpu.dma_semaphore, #tpu.memory_space<semaphore_mem>>
      %dma_wait3A_319 = tpu.memref_squeeze %dma_wait3A_318 : memref<1x!tpu.dma_semaphore, #tpu.memory_space<semaphore_mem>> -> memref<!tpu.dma_semaphore, #tpu.memory_space<semaphore_mem>>
      %dma_wait3A_320 = arith.constant 0 : i32
      %dma_wait3A_321 = arith.constant 0 : i32
      %dma_wait3A_322 = tpu.memref_slice %arg12[%dma_wait3A_320, %dma_wait3A_321] : memref<10240x128xf32, #tpu.memory_space<vmem_shared>> -> memref<128x128xf32, #tpu.memory_space<vmem_shared>>
      %dma_wait3A_323 = arith.constant 0 : i32
      %dma_wait3A_324 = arith.constant 0 : i32
      %dma_wait3A_325 = tpu.memref_slice %arg8[%dma_wait3A_309, %dma_wait3A_323, %dma_wait3A_324] : memref<2x128x128xf32, #tpu.memory_space<vmem>> -> memref<1x128x128xf32, #tpu.memory_space<vmem>>
      %dma_wait3A_326 = tpu.memref_squeeze %dma_wait3A_325 : memref<1x128x128xf32, #tpu.memory_space<vmem>> -> memref<128x128xf32, #tpu.memory_space<vmem>>
      tpu.wait_dma2 semaphore(%dma_wait3A_319 : memref<!tpu.dma_semaphore, #tpu.memory_space<semaphore_mem>>) src(%dma_wait3A_326 : memref<128x128xf32, #tpu.memory_space<vmem>>) dst(%dma_wait3A_322 : memref<128x128xf32, #tpu.memory_space<vmem_shared>>)
      %add3A_327 = arith.constant 2 : i32
      %add3A_328 = arith.addi %add3A_271, %add3A_327 : i32
      %lt3A_329 = arith.constant 80 : i32
      %lt3A_330 = arith.cmpi slt, %add3A_328, %lt3A_329 : i32
      %convert_element_type3A_331 = arith.extui %lt3A_330 : i1 to i32
      %cond3A_332 = arith.constant 0 : i32
      %cond3A_333 = arith.cmpi ne, %convert_element_type3A_331, %cond3A_332 : i32
      scf.if %cond3A_333 {
        %add3A_598 = arith.constant 2 : i32
        %add3A_599 = arith.addi %add3A_271, %add3A_598 : i32
        %dma_start3A_600 = arith.constant 1 : i32
        %dma_start3A_601 = arith.constant 1 : i32
        %dma_start3A_602 = arith.constant 0 : i32
        %dma_start3A_603 = arith.constant 0 : i32
        %dma_start3A_604 = tpu.memref_slice %arg8[%dma_start3A_600, %dma_start3A_602, %dma_start3A_603] : memref<2x128x128xf32, #tpu.memory_space<vmem>> -> memref<1x128x128xf32, #tpu.memory_space<vmem>>
        %dma_start3A_605 = tpu.memref_squeeze %dma_start3A_604 : memref<1x128x128xf32, #tpu.memory_space<vmem>> -> memref<128x128xf32, #tpu.memory_space<vmem>>
        %dma_start3A_606 = arith.constant 0 : i32
        %dma_start3A_607 = tpu.memref_slice %arg6[%add3A_599, %dma_start3A_606] : memref<80x128xi32, #tpu.memory_space<vmem>> -> memref<1x128xi32, #tpu.memory_space<vmem>>
        %dma_start3A_608 = tpu.memref_squeeze %dma_start3A_607 : memref<1x128xi32, #tpu.memory_space<vmem>> -> memref<128xi32, #tpu.memory_space<vmem>>
        %dma_start3A_609 = arith.constant 0 : i32
        %dma_start3A_610 = arith.constant 0 : i32
        %dma_start3A_611 = tpu.memref_slice %arg2[%dma_start3A_609, %dma_start3A_610] : memref<10240x128xf32, #tpu.memory_space<hbm>> -> memref<10240x128xf32, #tpu.memory_space<hbm>>
        %dma_start3A_612 = tpu.memref_slice %arg9[%dma_start3A_601] : memref<2x!tpu.dma_semaphore, #tpu.memory_space<semaphore_mem>> -> memref<1x!tpu.dma_semaphore, #tpu.memory_space<semaphore_mem>>
        %dma_start3A_613 = tpu.memref_squeeze %dma_start3A_612 : memref<1x!tpu.dma_semaphore, #tpu.memory_space<semaphore_mem>> -> memref<!tpu.dma_semaphore, #tpu.memory_space<semaphore_mem>>
        tpu.enqueue_indirect_dma source(%dma_start3A_611 : memref<10240x128xf32, #tpu.memory_space<hbm>>) target(%dma_start3A_605 : memref<128x128xf32, #tpu.memory_space<vmem>>) offsets(%dma_start3A_608 : memref<128xi32, #tpu.memory_space<vmem>>) semaphore(%dma_start3A_613 : memref<!tpu.dma_semaphore, #tpu.memory_space<semaphore_mem>>)
      } else {
      }
      %mul3A_334 = arith.constant 8 : i32
      %mul3A_335 = arith.muli %scan3A_53, %mul3A_334 : i32
      %add3A_336 = arith.constant 4 : i32
      %add3A_337 = arith.addi %mul3A_335, %add3A_336 : i32
      %dma_wait3A_338 = arith.constant 0 : i32
      %dma_wait3A_339 = arith.constant 0 : i32
      %dma_wait3A_340 = arith.constant 0 : i32
      %dma_wait3A_341 = arith.constant 0 : i32
      %dma_wait3A_342 = tpu.memref_slice %arg8[%dma_wait3A_338, %dma_wait3A_340, %dma_wait3A_341] : memref<2x128x128xf32, #tpu.memory_space<vmem>> -> memref<1x128x128xf32, #tpu.memory_space<vmem>>
      %dma_wait3A_343 = tpu.memref_squeeze %dma_wait3A_342 : memref<1x128x128xf32, #tpu.memory_space<vmem>> -> memref<128x128xf32, #tpu.memory_space<vmem>>
      %dma_wait3A_344 = arith.constant 0 : i32
      %dma_wait3A_345 = arith.constant 0 : i32
      %dma_wait3A_346 = tpu.memref_slice %arg2[%dma_wait3A_344, %dma_wait3A_345] : memref<10240x128xf32, #tpu.memory_space<hbm>> -> memref<128x128xf32, #tpu.memory_space<hbm>>
      %dma_wait3A_347 = tpu.memref_slice %arg9[%dma_wait3A_339] : memref<2x!tpu.dma_semaphore, #tpu.memory_space<semaphore_mem>> -> memref<1x!tpu.dma_semaphore, #tpu.memory_space<semaphore_mem>>
      %dma_wait3A_348 = tpu.memref_squeeze %dma_wait3A_347 : memref<1x!tpu.dma_semaphore, #tpu.memory_space<semaphore_mem>> -> memref<!tpu.dma_semaphore, #tpu.memory_space<semaphore_mem>>
      %dma_wait3A_349 = arith.constant 0 : i32
      %dma_wait3A_350 = arith.constant 0 : i32
      %dma_wait3A_351 = tpu.memref_slice %arg8[%dma_wait3A_338, %dma_wait3A_349, %dma_wait3A_350] : memref<2x128x128xf32, #tpu.memory_space<vmem>> -> memref<1x128x128xf32, #tpu.memory_space<vmem>>
      %dma_wait3A_352 = tpu.memref_squeeze %dma_wait3A_351 : memref<1x128x128xf32, #tpu.memory_space<vmem>> -> memref<128x128xf32, #tpu.memory_space<vmem>>
      %dma_wait3A_353 = arith.constant 0 : i32
      %dma_wait3A_354 = arith.constant 0 : i32
      %dma_wait3A_355 = tpu.memref_slice %arg2[%dma_wait3A_353, %dma_wait3A_354] : memref<10240x128xf32, #tpu.memory_space<hbm>> -> memref<128x128xf32, #tpu.memory_space<hbm>>
      tpu.wait_dma2 semaphore(%dma_wait3A_348 : memref<!tpu.dma_semaphore, #tpu.memory_space<semaphore_mem>>) src(%dma_wait3A_355 : memref<128x128xf32, #tpu.memory_space<hbm>>) dst(%dma_wait3A_352 : memref<128x128xf32, #tpu.memory_space<vmem>>)
      %dma_start3A_356 = arith.constant 0 : i32
      %dma_start3A_357 = arith.constant 4 : i32
      %dma_start3A_358 = arith.constant 0 : i32
      %dma_start3A_359 = arith.constant 0 : i32
      %dma_start3A_360 = arith.constant 0 : i32
      %dma_start3A_361 = tpu.memref_slice %arg8[%dma_start3A_356, %dma_start3A_359, %dma_start3A_360] : memref<2x128x128xf32, #tpu.memory_space<vmem>> -> memref<1x128x128xf32, #tpu.memory_space<vmem>>
      %dma_start3A_362 = tpu.memref_squeeze %dma_start3A_361 : memref<1x128x128xf32, #tpu.memory_space<vmem>> -> memref<128x128xf32, #tpu.memory_space<vmem>>
      %dma_start3A_363 = arith.constant 0 : i32
      %dma_start3A_364 = arith.constant 0 : i32
      %dma_start3A_365 = tpu.memref_slice %arg7[%rem3A_54, %dma_start3A_363, %dma_start3A_364] : memref<2x8x128xi32, #tpu.memory_space<vmem>> -> memref<1x8x128xi32, #tpu.memory_space<vmem>>
      %dma_start3A_366 = tpu.memref_squeeze %dma_start3A_365 : memref<1x8x128xi32, #tpu.memory_space<vmem>> -> memref<8x128xi32, #tpu.memory_space<vmem>>
      %dma_start3A_367 = arith.constant 0 : i32
      %dma_start3A_368 = tpu.memref_slice %dma_start3A_366[%dma_start3A_357, %dma_start3A_367] : memref<8x128xi32, #tpu.memory_space<vmem>> -> memref<1x128xi32, #tpu.memory_space<vmem>>
      %dma_start3A_369 = tpu.memref_squeeze %dma_start3A_368 : memref<1x128xi32, #tpu.memory_space<vmem>> -> memref<128xi32, #tpu.memory_space<vmem>>
      %dma_start3A_370 = arith.constant 0 : i32
      %dma_start3A_371 = arith.constant 0 : i32
      %dma_start3A_372 = tpu.memref_slice %arg12[%dma_start3A_370, %dma_start3A_371] : memref<10240x128xf32, #tpu.memory_space<vmem_shared>> -> memref<10240x128xf32, #tpu.memory_space<vmem_shared>>
      %dma_start3A_373 = tpu.memref_slice %arg10[%dma_start3A_358] : memref<2x!tpu.dma_semaphore, #tpu.memory_space<semaphore_mem>> -> memref<1x!tpu.dma_semaphore, #tpu.memory_space<semaphore_mem>>
      %dma_start3A_374 = tpu.memref_squeeze %dma_start3A_373 : memref<1x!tpu.dma_semaphore, #tpu.memory_space<semaphore_mem>> -> memref<!tpu.dma_semaphore, #tpu.memory_space<semaphore_mem>>
      tpu.enqueue_indirect_dma source(%dma_start3A_362 : memref<128x128xf32, #tpu.memory_space<vmem>>) target(%dma_start3A_372 : memref<10240x128xf32, #tpu.memory_space<vmem_shared>>) offsets(%dma_start3A_369 : memref<128xi32, #tpu.memory_space<vmem>>) semaphore(%dma_start3A_374 : memref<!tpu.dma_semaphore, #tpu.memory_space<semaphore_mem>>) {add = true}
      %dma_wait3A_375 = arith.constant 0 : i32
      %dma_wait3A_376 = arith.constant 0 : i32
      %dma_wait3A_377 = arith.constant 0 : i32
      %dma_wait3A_378 = arith.constant 0 : i32
      %dma_wait3A_379 = tpu.memref_slice %arg8[%dma_wait3A_375, %dma_wait3A_377, %dma_wait3A_378] : memref<2x128x128xf32, #tpu.memory_space<vmem>> -> memref<1x128x128xf32, #tpu.memory_space<vmem>>
      %dma_wait3A_380 = tpu.memref_squeeze %dma_wait3A_379 : memref<1x128x128xf32, #tpu.memory_space<vmem>> -> memref<128x128xf32, #tpu.memory_space<vmem>>
      %dma_wait3A_381 = arith.constant 0 : i32
      %dma_wait3A_382 = arith.constant 0 : i32
      %dma_wait3A_383 = tpu.memref_slice %arg12[%dma_wait3A_381, %dma_wait3A_382] : memref<10240x128xf32, #tpu.memory_space<vmem_shared>> -> memref<128x128xf32, #tpu.memory_space<vmem_shared>>
      %dma_wait3A_384 = tpu.memref_slice %arg10[%dma_wait3A_376] : memref<2x!tpu.dma_semaphore, #tpu.memory_space<semaphore_mem>> -> memref<1x!tpu.dma_semaphore, #tpu.memory_space<semaphore_mem>>
      %dma_wait3A_385 = tpu.memref_squeeze %dma_wait3A_384 : memref<1x!tpu.dma_semaphore, #tpu.memory_space<semaphore_mem>> -> memref<!tpu.dma_semaphore, #tpu.memory_space<semaphore_mem>>
      %dma_wait3A_386 = arith.constant 0 : i32
      %dma_wait3A_387 = arith.constant 0 : i32
      %dma_wait3A_388 = tpu.memref_slice %arg12[%dma_wait3A_386, %dma_wait3A_387] : memref<10240x128xf32, #tpu.memory_space<vmem_shared>> -> memref<128x128xf32, #tpu.memory_space<vmem_shared>>
      %dma_wait3A_389 = arith.constant 0 : i32
      %dma_wait3A_390 = arith.constant 0 : i32
      %dma_wait3A_391 = tpu.memref_slice %arg8[%dma_wait3A_375, %dma_wait3A_389, %dma_wait3A_390] : memref<2x128x128xf32, #tpu.memory_space<vmem>> -> memref<1x128x128xf32, #tpu.memory_space<vmem>>
      %dma_wait3A_392 = tpu.memref_squeeze %dma_wait3A_391 : memref<1x128x128xf32, #tpu.memory_space<vmem>> -> memref<128x128xf32, #tpu.memory_space<vmem>>
      tpu.wait_dma2 semaphore(%dma_wait3A_385 : memref<!tpu.dma_semaphore, #tpu.memory_space<semaphore_mem>>) src(%dma_wait3A_392 : memref<128x128xf32, #tpu.memory_space<vmem>>) dst(%dma_wait3A_388 : memref<128x128xf32, #tpu.memory_space<vmem_shared>>)
      %add3A_393 = arith.constant 2 : i32
      %add3A_394 = arith.addi %add3A_337, %add3A_393 : i32
      %lt3A_395 = arith.constant 80 : i32
      %lt3A_396 = arith.cmpi slt, %add3A_394, %lt3A_395 : i32
      %convert_element_type3A_397 = arith.extui %lt3A_396 : i1 to i32
      %cond3A_398 = arith.constant 0 : i32
      %cond3A_399 = arith.cmpi ne, %convert_element_type3A_397, %cond3A_398 : i32
      scf.if %cond3A_399 {
        %add3A_598 = arith.constant 2 : i32
        %add3A_599 = arith.addi %add3A_337, %add3A_598 : i32
        %dma_start3A_600 = arith.constant 0 : i32
        %dma_start3A_601 = arith.constant 0 : i32
        %dma_start3A_602 = arith.constant 0 : i32
        %dma_start3A_603 = arith.constant 0 : i32
        %dma_start3A_604 = tpu.memref_slice %arg8[%dma_start3A_600, %dma_start3A_602, %dma_start3A_603] : memref<2x128x128xf32, #tpu.memory_space<vmem>> -> memref<1x128x128xf32, #tpu.memory_space<vmem>>
        %dma_start3A_605 = tpu.memref_squeeze %dma_start3A_604 : memref<1x128x128xf32, #tpu.memory_space<vmem>> -> memref<128x128xf32, #tpu.memory_space<vmem>>
        %dma_start3A_606 = arith.constant 0 : i32
        %dma_start3A_607 = tpu.memref_slice %arg6[%add3A_599, %dma_start3A_606] : memref<80x128xi32, #tpu.memory_space<vmem>> -> memref<1x128xi32, #tpu.memory_space<vmem>>
        %dma_start3A_608 = tpu.memref_squeeze %dma_start3A_607 : memref<1x128xi32, #tpu.memory_space<vmem>> -> memref<128xi32, #tpu.memory_space<vmem>>
        %dma_start3A_609 = arith.constant 0 : i32
        %dma_start3A_610 = arith.constant 0 : i32
        %dma_start3A_611 = tpu.memref_slice %arg2[%dma_start3A_609, %dma_start3A_610] : memref<10240x128xf32, #tpu.memory_space<hbm>> -> memref<10240x128xf32, #tpu.memory_space<hbm>>
        %dma_start3A_612 = tpu.memref_slice %arg9[%dma_start3A_601] : memref<2x!tpu.dma_semaphore, #tpu.memory_space<semaphore_mem>> -> memref<1x!tpu.dma_semaphore, #tpu.memory_space<semaphore_mem>>
        %dma_start3A_613 = tpu.memref_squeeze %dma_start3A_612 : memref<1x!tpu.dma_semaphore, #tpu.memory_space<semaphore_mem>> -> memref<!tpu.dma_semaphore, #tpu.memory_space<semaphore_mem>>
        tpu.enqueue_indirect_dma source(%dma_start3A_611 : memref<10240x128xf32, #tpu.memory_space<hbm>>) target(%dma_start3A_605 : memref<128x128xf32, #tpu.memory_space<vmem>>) offsets(%dma_start3A_608 : memref<128xi32, #tpu.memory_space<vmem>>) semaphore(%dma_start3A_613 : memref<!tpu.dma_semaphore, #tpu.memory_space<semaphore_mem>>)
      } else {
      }
      %mul3A_400 = arith.constant 8 : i32
      %mul3A_401 = arith.muli %scan3A_53, %mul3A_400 : i32
      %add3A_402 = arith.constant 5 : i32
      %add3A_403 = arith.addi %mul3A_401, %add3A_402 : i32
      %dma_wait3A_404 = arith.constant 1 : i32
      %dma_wait3A_405 = arith.constant 1 : i32
      %dma_wait3A_406 = arith.constant 0 : i32
      %dma_wait3A_407 = arith.constant 0 : i32
      %dma_wait3A_408 = tpu.memref_slice %arg8[%dma_wait3A_404, %dma_wait3A_406, %dma_wait3A_407] : memref<2x128x128xf32, #tpu.memory_space<vmem>> -> memref<1x128x128xf32, #tpu.memory_space<vmem>>
      %dma_wait3A_409 = tpu.memref_squeeze %dma_wait3A_408 : memref<1x128x128xf32, #tpu.memory_space<vmem>> -> memref<128x128xf32, #tpu.memory_space<vmem>>
      %dma_wait3A_410 = arith.constant 0 : i32
      %dma_wait3A_411 = arith.constant 0 : i32
      %dma_wait3A_412 = tpu.memref_slice %arg2[%dma_wait3A_410, %dma_wait3A_411] : memref<10240x128xf32, #tpu.memory_space<hbm>> -> memref<128x128xf32, #tpu.memory_space<hbm>>
      %dma_wait3A_413 = tpu.memref_slice %arg9[%dma_wait3A_405] : memref<2x!tpu.dma_semaphore, #tpu.memory_space<semaphore_mem>> -> memref<1x!tpu.dma_semaphore, #tpu.memory_space<semaphore_mem>>
      %dma_wait3A_414 = tpu.memref_squeeze %dma_wait3A_413 : memref<1x!tpu.dma_semaphore, #tpu.memory_space<semaphore_mem>> -> memref<!tpu.dma_semaphore, #tpu.memory_space<semaphore_mem>>
      %dma_wait3A_415 = arith.constant 0 : i32
      %dma_wait3A_416 = arith.constant 0 : i32
      %dma_wait3A_417 = tpu.memref_slice %arg8[%dma_wait3A_404, %dma_wait3A_415, %dma_wait3A_416] : memref<2x128x128xf32, #tpu.memory_space<vmem>> -> memref<1x128x128xf32, #tpu.memory_space<vmem>>
      %dma_wait3A_418 = tpu.memref_squeeze %dma_wait3A_417 : memref<1x128x128xf32, #tpu.memory_space<vmem>> -> memref<128x128xf32, #tpu.memory_space<vmem>>
      %dma_wait3A_419 = arith.constant 0 : i32
      %dma_wait3A_420 = arith.constant 0 : i32
      %dma_wait3A_421 = tpu.memref_slice %arg2[%dma_wait3A_419, %dma_wait3A_420] : memref<10240x128xf32, #tpu.memory_space<hbm>> -> memref<128x128xf32, #tpu.memory_space<hbm>>
      tpu.wait_dma2 semaphore(%dma_wait3A_414 : memref<!tpu.dma_semaphore, #tpu.memory_space<semaphore_mem>>) src(%dma_wait3A_421 : memref<128x128xf32, #tpu.memory_space<hbm>>) dst(%dma_wait3A_418 : memref<128x128xf32, #tpu.memory_space<vmem>>)
      %dma_start3A_422 = arith.constant 1 : i32
      %dma_start3A_423 = arith.constant 5 : i32
      %dma_start3A_424 = arith.constant 1 : i32
      %dma_start3A_425 = arith.constant 0 : i32
      %dma_start3A_426 = arith.constant 0 : i32
      %dma_start3A_427 = tpu.memref_slice %arg8[%dma_start3A_422, %dma_start3A_425, %dma_start3A_426] : memref<2x128x128xf32, #tpu.memory_space<vmem>> -> memref<1x128x128xf32, #tpu.memory_space<vmem>>
      %dma_start3A_428 = tpu.memref_squeeze %dma_start3A_427 : memref<1x128x128xf32, #tpu.memory_space<vmem>> -> memref<128x128xf32, #tpu.memory_space<vmem>>
      %dma_start3A_429 = arith.constant 0 : i32
      %dma_start3A_430 = arith.constant 0 : i32
      %dma_start3A_431 = tpu.memref_slice %arg7[%rem3A_54, %dma_start3A_429, %dma_start3A_430] : memref<2x8x128xi32, #tpu.memory_space<vmem>> -> memref<1x8x128xi32, #tpu.memory_space<vmem>>
      %dma_start3A_432 = tpu.memref_squeeze %dma_start3A_431 : memref<1x8x128xi32, #tpu.memory_space<vmem>> -> memref<8x128xi32, #tpu.memory_space<vmem>>
      %dma_start3A_433 = arith.constant 0 : i32
      %dma_start3A_434 = tpu.memref_slice %dma_start3A_432[%dma_start3A_423, %dma_start3A_433] : memref<8x128xi32, #tpu.memory_space<vmem>> -> memref<1x128xi32, #tpu.memory_space<vmem>>
      %dma_start3A_435 = tpu.memref_squeeze %dma_start3A_434 : memref<1x128xi32, #tpu.memory_space<vmem>> -> memref<128xi32, #tpu.memory_space<vmem>>
      %dma_start3A_436 = arith.constant 0 : i32
      %dma_start3A_437 = arith.constant 0 : i32
      %dma_start3A_438 = tpu.memref_slice %arg12[%dma_start3A_436, %dma_start3A_437] : memref<10240x128xf32, #tpu.memory_space<vmem_shared>> -> memref<10240x128xf32, #tpu.memory_space<vmem_shared>>
      %dma_start3A_439 = tpu.memref_slice %arg10[%dma_start3A_424] : memref<2x!tpu.dma_semaphore, #tpu.memory_space<semaphore_mem>> -> memref<1x!tpu.dma_semaphore, #tpu.memory_space<semaphore_mem>>
      %dma_start3A_440 = tpu.memref_squeeze %dma_start3A_439 : memref<1x!tpu.dma_semaphore, #tpu.memory_space<semaphore_mem>> -> memref<!tpu.dma_semaphore, #tpu.memory_space<semaphore_mem>>
      tpu.enqueue_indirect_dma source(%dma_start3A_428 : memref<128x128xf32, #tpu.memory_space<vmem>>) target(%dma_start3A_438 : memref<10240x128xf32, #tpu.memory_space<vmem_shared>>) offsets(%dma_start3A_435 : memref<128xi32, #tpu.memory_space<vmem>>) semaphore(%dma_start3A_440 : memref<!tpu.dma_semaphore, #tpu.memory_space<semaphore_mem>>) {add = true}
      %dma_wait3A_441 = arith.constant 1 : i32
      %dma_wait3A_442 = arith.constant 1 : i32
      %dma_wait3A_443 = arith.constant 0 : i32
      %dma_wait3A_444 = arith.constant 0 : i32
      %dma_wait3A_445 = tpu.memref_slice %arg8[%dma_wait3A_441, %dma_wait3A_443, %dma_wait3A_444] : memref<2x128x128xf32, #tpu.memory_space<vmem>> -> memref<1x128x128xf32, #tpu.memory_space<vmem>>
      %dma_wait3A_446 = tpu.memref_squeeze %dma_wait3A_445 : memref<1x128x128xf32, #tpu.memory_space<vmem>> -> memref<128x128xf32, #tpu.memory_space<vmem>>
      %dma_wait3A_447 = arith.constant 0 : i32
      %dma_wait3A_448 = arith.constant 0 : i32
      %dma_wait3A_449 = tpu.memref_slice %arg12[%dma_wait3A_447, %dma_wait3A_448] : memref<10240x128xf32, #tpu.memory_space<vmem_shared>> -> memref<128x128xf32, #tpu.memory_space<vmem_shared>>
      %dma_wait3A_450 = tpu.memref_slice %arg10[%dma_wait3A_442] : memref<2x!tpu.dma_semaphore, #tpu.memory_space<semaphore_mem>> -> memref<1x!tpu.dma_semaphore, #tpu.memory_space<semaphore_mem>>
      %dma_wait3A_451 = tpu.memref_squeeze %dma_wait3A_450 : memref<1x!tpu.dma_semaphore, #tpu.memory_space<semaphore_mem>> -> memref<!tpu.dma_semaphore, #tpu.memory_space<semaphore_mem>>
      %dma_wait3A_452 = arith.constant 0 : i32
      %dma_wait3A_453 = arith.constant 0 : i32
      %dma_wait3A_454 = tpu.memref_slice %arg12[%dma_wait3A_452, %dma_wait3A_453] : memref<10240x128xf32, #tpu.memory_space<vmem_shared>> -> memref<128x128xf32, #tpu.memory_space<vmem_shared>>
      %dma_wait3A_455 = arith.constant 0 : i32
      %dma_wait3A_456 = arith.constant 0 : i32
      %dma_wait3A_457 = tpu.memref_slice %arg8[%dma_wait3A_441, %dma_wait3A_455, %dma_wait3A_456] : memref<2x128x128xf32, #tpu.memory_space<vmem>> -> memref<1x128x128xf32, #tpu.memory_space<vmem>>
      %dma_wait3A_458 = tpu.memref_squeeze %dma_wait3A_457 : memref<1x128x128xf32, #tpu.memory_space<vmem>> -> memref<128x128xf32, #tpu.memory_space<vmem>>
      tpu.wait_dma2 semaphore(%dma_wait3A_451 : memref<!tpu.dma_semaphore, #tpu.memory_space<semaphore_mem>>) src(%dma_wait3A_458 : memref<128x128xf32, #tpu.memory_space<vmem>>) dst(%dma_wait3A_454 : memref<128x128xf32, #tpu.memory_space<vmem_shared>>)
      %add3A_459 = arith.constant 2 : i32
      %add3A_460 = arith.addi %add3A_403, %add3A_459 : i32
      %lt3A_461 = arith.constant 80 : i32
      %lt3A_462 = arith.cmpi slt, %add3A_460, %lt3A_461 : i32
      %convert_element_type3A_463 = arith.extui %lt3A_462 : i1 to i32
      %cond3A_464 = arith.constant 0 : i32
      %cond3A_465 = arith.cmpi ne, %convert_element_type3A_463, %cond3A_464 : i32
      scf.if %cond3A_465 {
        %add3A_598 = arith.constant 2 : i32
        %add3A_599 = arith.addi %add3A_403, %add3A_598 : i32
        %dma_start3A_600 = arith.constant 1 : i32
        %dma_start3A_601 = arith.constant 1 : i32
        %dma_start3A_602 = arith.constant 0 : i32
        %dma_start3A_603 = arith.constant 0 : i32
        %dma_start3A_604 = tpu.memref_slice %arg8[%dma_start3A_600, %dma_start3A_602, %dma_start3A_603] : memref<2x128x128xf32, #tpu.memory_space<vmem>> -> memref<1x128x128xf32, #tpu.memory_space<vmem>>
        %dma_start3A_605 = tpu.memref_squeeze %dma_start3A_604 : memref<1x128x128xf32, #tpu.memory_space<vmem>> -> memref<128x128xf32, #tpu.memory_space<vmem>>
        %dma_start3A_606 = arith.constant 0 : i32
        %dma_start3A_607 = tpu.memref_slice %arg6[%add3A_599, %dma_start3A_606] : memref<80x128xi32, #tpu.memory_space<vmem>> -> memref<1x128xi32, #tpu.memory_space<vmem>>
        %dma_start3A_608 = tpu.memref_squeeze %dma_start3A_607 : memref<1x128xi32, #tpu.memory_space<vmem>> -> memref<128xi32, #tpu.memory_space<vmem>>
        %dma_start3A_609 = arith.constant 0 : i32
        %dma_start3A_610 = arith.constant 0 : i32
        %dma_start3A_611 = tpu.memref_slice %arg2[%dma_start3A_609, %dma_start3A_610] : memref<10240x128xf32, #tpu.memory_space<hbm>> -> memref<10240x128xf32, #tpu.memory_space<hbm>>
        %dma_start3A_612 = tpu.memref_slice %arg9[%dma_start3A_601] : memref<2x!tpu.dma_semaphore, #tpu.memory_space<semaphore_mem>> -> memref<1x!tpu.dma_semaphore, #tpu.memory_space<semaphore_mem>>
        %dma_start3A_613 = tpu.memref_squeeze %dma_start3A_612 : memref<1x!tpu.dma_semaphore, #tpu.memory_space<semaphore_mem>> -> memref<!tpu.dma_semaphore, #tpu.memory_space<semaphore_mem>>
        tpu.enqueue_indirect_dma source(%dma_start3A_611 : memref<10240x128xf32, #tpu.memory_space<hbm>>) target(%dma_start3A_605 : memref<128x128xf32, #tpu.memory_space<vmem>>) offsets(%dma_start3A_608 : memref<128xi32, #tpu.memory_space<vmem>>) semaphore(%dma_start3A_613 : memref<!tpu.dma_semaphore, #tpu.memory_space<semaphore_mem>>)
      } else {
      }
      %mul3A_466 = arith.constant 8 : i32
      %mul3A_467 = arith.muli %scan3A_53, %mul3A_466 : i32
      %add3A_468 = arith.constant 6 : i32
      %add3A_469 = arith.addi %mul3A_467, %add3A_468 : i32
      %dma_wait3A_470 = arith.constant 0 : i32
      %dma_wait3A_471 = arith.constant 0 : i32
      %dma_wait3A_472 = arith.constant 0 : i32
      %dma_wait3A_473 = arith.constant 0 : i32
      %dma_wait3A_474 = tpu.memref_slice %arg8[%dma_wait3A_470, %dma_wait3A_472, %dma_wait3A_473] : memref<2x128x128xf32, #tpu.memory_space<vmem>> -> memref<1x128x128xf32, #tpu.memory_space<vmem>>
      %dma_wait3A_475 = tpu.memref_squeeze %dma_wait3A_474 : memref<1x128x128xf32, #tpu.memory_space<vmem>> -> memref<128x128xf32, #tpu.memory_space<vmem>>
      %dma_wait3A_476 = arith.constant 0 : i32
      %dma_wait3A_477 = arith.constant 0 : i32
      %dma_wait3A_478 = tpu.memref_slice %arg2[%dma_wait3A_476, %dma_wait3A_477] : memref<10240x128xf32, #tpu.memory_space<hbm>> -> memref<128x128xf32, #tpu.memory_space<hbm>>
      %dma_wait3A_479 = tpu.memref_slice %arg9[%dma_wait3A_471] : memref<2x!tpu.dma_semaphore, #tpu.memory_space<semaphore_mem>> -> memref<1x!tpu.dma_semaphore, #tpu.memory_space<semaphore_mem>>
      %dma_wait3A_480 = tpu.memref_squeeze %dma_wait3A_479 : memref<1x!tpu.dma_semaphore, #tpu.memory_space<semaphore_mem>> -> memref<!tpu.dma_semaphore, #tpu.memory_space<semaphore_mem>>
      %dma_wait3A_481 = arith.constant 0 : i32
      %dma_wait3A_482 = arith.constant 0 : i32
      %dma_wait3A_483 = tpu.memref_slice %arg8[%dma_wait3A_470, %dma_wait3A_481, %dma_wait3A_482] : memref<2x128x128xf32, #tpu.memory_space<vmem>> -> memref<1x128x128xf32, #tpu.memory_space<vmem>>
      %dma_wait3A_484 = tpu.memref_squeeze %dma_wait3A_483 : memref<1x128x128xf32, #tpu.memory_space<vmem>> -> memref<128x128xf32, #tpu.memory_space<vmem>>
      %dma_wait3A_485 = arith.constant 0 : i32
      %dma_wait3A_486 = arith.constant 0 : i32
      %dma_wait3A_487 = tpu.memref_slice %arg2[%dma_wait3A_485, %dma_wait3A_486] : memref<10240x128xf32, #tpu.memory_space<hbm>> -> memref<128x128xf32, #tpu.memory_space<hbm>>
      tpu.wait_dma2 semaphore(%dma_wait3A_480 : memref<!tpu.dma_semaphore, #tpu.memory_space<semaphore_mem>>) src(%dma_wait3A_487 : memref<128x128xf32, #tpu.memory_space<hbm>>) dst(%dma_wait3A_484 : memref<128x128xf32, #tpu.memory_space<vmem>>)
      %dma_start3A_488 = arith.constant 0 : i32
      %dma_start3A_489 = arith.constant 6 : i32
      %dma_start3A_490 = arith.constant 0 : i32
      %dma_start3A_491 = arith.constant 0 : i32
      %dma_start3A_492 = arith.constant 0 : i32
      %dma_start3A_493 = tpu.memref_slice %arg8[%dma_start3A_488, %dma_start3A_491, %dma_start3A_492] : memref<2x128x128xf32, #tpu.memory_space<vmem>> -> memref<1x128x128xf32, #tpu.memory_space<vmem>>
      %dma_start3A_494 = tpu.memref_squeeze %dma_start3A_493 : memref<1x128x128xf32, #tpu.memory_space<vmem>> -> memref<128x128xf32, #tpu.memory_space<vmem>>
      %dma_start3A_495 = arith.constant 0 : i32
      %dma_start3A_496 = arith.constant 0 : i32
      %dma_start3A_497 = tpu.memref_slice %arg7[%rem3A_54, %dma_start3A_495, %dma_start3A_496] : memref<2x8x128xi32, #tpu.memory_space<vmem>> -> memref<1x8x128xi32, #tpu.memory_space<vmem>>
      %dma_start3A_498 = tpu.memref_squeeze %dma_start3A_497 : memref<1x8x128xi32, #tpu.memory_space<vmem>> -> memref<8x128xi32, #tpu.memory_space<vmem>>
      %dma_start3A_499 = arith.constant 0 : i32
      %dma_start3A_500 = tpu.memref_slice %dma_start3A_498[%dma_start3A_489, %dma_start3A_499] : memref<8x128xi32, #tpu.memory_space<vmem>> -> memref<1x128xi32, #tpu.memory_space<vmem>>
      %dma_start3A_501 = tpu.memref_squeeze %dma_start3A_500 : memref<1x128xi32, #tpu.memory_space<vmem>> -> memref<128xi32, #tpu.memory_space<vmem>>
      %dma_start3A_502 = arith.constant 0 : i32
      %dma_start3A_503 = arith.constant 0 : i32
      %dma_start3A_504 = tpu.memref_slice %arg12[%dma_start3A_502, %dma_start3A_503] : memref<10240x128xf32, #tpu.memory_space<vmem_shared>> -> memref<10240x128xf32, #tpu.memory_space<vmem_shared>>
      %dma_start3A_505 = tpu.memref_slice %arg10[%dma_start3A_490] : memref<2x!tpu.dma_semaphore, #tpu.memory_space<semaphore_mem>> -> memref<1x!tpu.dma_semaphore, #tpu.memory_space<semaphore_mem>>
      %dma_start3A_506 = tpu.memref_squeeze %dma_start3A_505 : memref<1x!tpu.dma_semaphore, #tpu.memory_space<semaphore_mem>> -> memref<!tpu.dma_semaphore, #tpu.memory_space<semaphore_mem>>
      tpu.enqueue_indirect_dma source(%dma_start3A_494 : memref<128x128xf32, #tpu.memory_space<vmem>>) target(%dma_start3A_504 : memref<10240x128xf32, #tpu.memory_space<vmem_shared>>) offsets(%dma_start3A_501 : memref<128xi32, #tpu.memory_space<vmem>>) semaphore(%dma_start3A_506 : memref<!tpu.dma_semaphore, #tpu.memory_space<semaphore_mem>>) {add = true}
      %dma_wait3A_507 = arith.constant 0 : i32
      %dma_wait3A_508 = arith.constant 0 : i32
      %dma_wait3A_509 = arith.constant 0 : i32
      %dma_wait3A_510 = arith.constant 0 : i32
      %dma_wait3A_511 = tpu.memref_slice %arg8[%dma_wait3A_507, %dma_wait3A_509, %dma_wait3A_510] : memref<2x128x128xf32, #tpu.memory_space<vmem>> -> memref<1x128x128xf32, #tpu.memory_space<vmem>>
      %dma_wait3A_512 = tpu.memref_squeeze %dma_wait3A_511 : memref<1x128x128xf32, #tpu.memory_space<vmem>> -> memref<128x128xf32, #tpu.memory_space<vmem>>
      %dma_wait3A_513 = arith.constant 0 : i32
      %dma_wait3A_514 = arith.constant 0 : i32
      %dma_wait3A_515 = tpu.memref_slice %arg12[%dma_wait3A_513, %dma_wait3A_514] : memref<10240x128xf32, #tpu.memory_space<vmem_shared>> -> memref<128x128xf32, #tpu.memory_space<vmem_shared>>
      %dma_wait3A_516 = tpu.memref_slice %arg10[%dma_wait3A_508] : memref<2x!tpu.dma_semaphore, #tpu.memory_space<semaphore_mem>> -> memref<1x!tpu.dma_semaphore, #tpu.memory_space<semaphore_mem>>
      %dma_wait3A_517 = tpu.memref_squeeze %dma_wait3A_516 : memref<1x!tpu.dma_semaphore, #tpu.memory_space<semaphore_mem>> -> memref<!tpu.dma_semaphore, #tpu.memory_space<semaphore_mem>>
      %dma_wait3A_518 = arith.constant 0 : i32
      %dma_wait3A_519 = arith.constant 0 : i32
      %dma_wait3A_520 = tpu.memref_slice %arg12[%dma_wait3A_518, %dma_wait3A_519] : memref<10240x128xf32, #tpu.memory_space<vmem_shared>> -> memref<128x128xf32, #tpu.memory_space<vmem_shared>>
      %dma_wait3A_521 = arith.constant 0 : i32
      %dma_wait3A_522 = arith.constant 0 : i32
      %dma_wait3A_523 = tpu.memref_slice %arg8[%dma_wait3A_507, %dma_wait3A_521, %dma_wait3A_522] : memref<2x128x128xf32, #tpu.memory_space<vmem>> -> memref<1x128x128xf32, #tpu.memory_space<vmem>>
      %dma_wait3A_524 = tpu.memref_squeeze %dma_wait3A_523 : memref<1x128x128xf32, #tpu.memory_space<vmem>> -> memref<128x128xf32, #tpu.memory_space<vmem>>
      tpu.wait_dma2 semaphore(%dma_wait3A_517 : memref<!tpu.dma_semaphore, #tpu.memory_space<semaphore_mem>>) src(%dma_wait3A_524 : memref<128x128xf32, #tpu.memory_space<vmem>>) dst(%dma_wait3A_520 : memref<128x128xf32, #tpu.memory_space<vmem_shared>>)
      %add3A_525 = arith.constant 2 : i32
      %add3A_526 = arith.addi %add3A_469, %add3A_525 : i32
      %lt3A_527 = arith.constant 80 : i32
      %lt3A_528 = arith.cmpi slt, %add3A_526, %lt3A_527 : i32
      %convert_element_type3A_529 = arith.extui %lt3A_528 : i1 to i32
      %cond3A_530 = arith.constant 0 : i32
      %cond3A_531 = arith.cmpi ne, %convert_element_type3A_529, %cond3A_530 : i32
      scf.if %cond3A_531 {
        %add3A_598 = arith.constant 2 : i32
        %add3A_599 = arith.addi %add3A_469, %add3A_598 : i32
        %dma_start3A_600 = arith.constant 0 : i32
        %dma_start3A_601 = arith.constant 0 : i32
        %dma_start3A_602 = arith.constant 0 : i32
        %dma_start3A_603 = arith.constant 0 : i32
        %dma_start3A_604 = tpu.memref_slice %arg8[%dma_start3A_600, %dma_start3A_602, %dma_start3A_603] : memref<2x128x128xf32, #tpu.memory_space<vmem>> -> memref<1x128x128xf32, #tpu.memory_space<vmem>>
        %dma_start3A_605 = tpu.memref_squeeze %dma_start3A_604 : memref<1x128x128xf32, #tpu.memory_space<vmem>> -> memref<128x128xf32, #tpu.memory_space<vmem>>
        %dma_start3A_606 = arith.constant 0 : i32
        %dma_start3A_607 = tpu.memref_slice %arg6[%add3A_599, %dma_start3A_606] : memref<80x128xi32, #tpu.memory_space<vmem>> -> memref<1x128xi32, #tpu.memory_space<vmem>>
        %dma_start3A_608 = tpu.memref_squeeze %dma_start3A_607 : memref<1x128xi32, #tpu.memory_space<vmem>> -> memref<128xi32, #tpu.memory_space<vmem>>
        %dma_start3A_609 = arith.constant 0 : i32
        %dma_start3A_610 = arith.constant 0 : i32
        %dma_start3A_611 = tpu.memref_slice %arg2[%dma_start3A_609, %dma_start3A_610] : memref<10240x128xf32, #tpu.memory_space<hbm>> -> memref<10240x128xf32, #tpu.memory_space<hbm>>
        %dma_start3A_612 = tpu.memref_slice %arg9[%dma_start3A_601] : memref<2x!tpu.dma_semaphore, #tpu.memory_space<semaphore_mem>> -> memref<1x!tpu.dma_semaphore, #tpu.memory_space<semaphore_mem>>
        %dma_start3A_613 = tpu.memref_squeeze %dma_start3A_612 : memref<1x!tpu.dma_semaphore, #tpu.memory_space<semaphore_mem>> -> memref<!tpu.dma_semaphore, #tpu.memory_space<semaphore_mem>>
        tpu.enqueue_indirect_dma source(%dma_start3A_611 : memref<10240x128xf32, #tpu.memory_space<hbm>>) target(%dma_start3A_605 : memref<128x128xf32, #tpu.memory_space<vmem>>) offsets(%dma_start3A_608 : memref<128xi32, #tpu.memory_space<vmem>>) semaphore(%dma_start3A_613 : memref<!tpu.dma_semaphore, #tpu.memory_space<semaphore_mem>>)
      } else {
      }
      %mul3A_532 = arith.constant 8 : i32
      %mul3A_533 = arith.muli %scan3A_53, %mul3A_532 : i32
      %add3A_534 = arith.constant 7 : i32
      %add3A_535 = arith.addi %mul3A_533, %add3A_534 : i32
      %dma_wait3A_536 = arith.constant 1 : i32
      %dma_wait3A_537 = arith.constant 1 : i32
      %dma_wait3A_538 = arith.constant 0 : i32
      %dma_wait3A_539 = arith.constant 0 : i32
      %dma_wait3A_540 = tpu.memref_slice %arg8[%dma_wait3A_536, %dma_wait3A_538, %dma_wait3A_539] : memref<2x128x128xf32, #tpu.memory_space<vmem>> -> memref<1x128x128xf32, #tpu.memory_space<vmem>>
      %dma_wait3A_541 = tpu.memref_squeeze %dma_wait3A_540 : memref<1x128x128xf32, #tpu.memory_space<vmem>> -> memref<128x128xf32, #tpu.memory_space<vmem>>
      %dma_wait3A_542 = arith.constant 0 : i32
      %dma_wait3A_543 = arith.constant 0 : i32
      %dma_wait3A_544 = tpu.memref_slice %arg2[%dma_wait3A_542, %dma_wait3A_543] : memref<10240x128xf32, #tpu.memory_space<hbm>> -> memref<128x128xf32, #tpu.memory_space<hbm>>
      %dma_wait3A_545 = tpu.memref_slice %arg9[%dma_wait3A_537] : memref<2x!tpu.dma_semaphore, #tpu.memory_space<semaphore_mem>> -> memref<1x!tpu.dma_semaphore, #tpu.memory_space<semaphore_mem>>
      %dma_wait3A_546 = tpu.memref_squeeze %dma_wait3A_545 : memref<1x!tpu.dma_semaphore, #tpu.memory_space<semaphore_mem>> -> memref<!tpu.dma_semaphore, #tpu.memory_space<semaphore_mem>>
      %dma_wait3A_547 = arith.constant 0 : i32
      %dma_wait3A_548 = arith.constant 0 : i32
      %dma_wait3A_549 = tpu.memref_slice %arg8[%dma_wait3A_536, %dma_wait3A_547, %dma_wait3A_548] : memref<2x128x128xf32, #tpu.memory_space<vmem>> -> memref<1x128x128xf32, #tpu.memory_space<vmem>>
      %dma_wait3A_550 = tpu.memref_squeeze %dma_wait3A_549 : memref<1x128x128xf32, #tpu.memory_space<vmem>> -> memref<128x128xf32, #tpu.memory_space<vmem>>
      %dma_wait3A_551 = arith.constant 0 : i32
      %dma_wait3A_552 = arith.constant 0 : i32
      %dma_wait3A_553 = tpu.memref_slice %arg2[%dma_wait3A_551, %dma_wait3A_552] : memref<10240x128xf32, #tpu.memory_space<hbm>> -> memref<128x128xf32, #tpu.memory_space<hbm>>
      tpu.wait_dma2 semaphore(%dma_wait3A_546 : memref<!tpu.dma_semaphore, #tpu.memory_space<semaphore_mem>>) src(%dma_wait3A_553 : memref<128x128xf32, #tpu.memory_space<hbm>>) dst(%dma_wait3A_550 : memref<128x128xf32, #tpu.memory_space<vmem>>)
      %dma_start3A_554 = arith.constant 1 : i32
      %dma_start3A_555 = arith.constant 7 : i32
      %dma_start3A_556 = arith.constant 1 : i32
      %dma_start3A_557 = arith.constant 0 : i32
      %dma_start3A_558 = arith.constant 0 : i32
      %dma_start3A_559 = tpu.memref_slice %arg8[%dma_start3A_554, %dma_start3A_557, %dma_start3A_558] : memref<2x128x128xf32, #tpu.memory_space<vmem>> -> memref<1x128x128xf32, #tpu.memory_space<vmem>>
      %dma_start3A_560 = tpu.memref_squeeze %dma_start3A_559 : memref<1x128x128xf32, #tpu.memory_space<vmem>> -> memref<128x128xf32, #tpu.memory_space<vmem>>
      %dma_start3A_561 = arith.constant 0 : i32
      %dma_start3A_562 = arith.constant 0 : i32
      %dma_start3A_563 = tpu.memref_slice %arg7[%rem3A_54, %dma_start3A_561, %dma_start3A_562] : memref<2x8x128xi32, #tpu.memory_space<vmem>> -> memref<1x8x128xi32, #tpu.memory_space<vmem>>
      %dma_start3A_564 = tpu.memref_squeeze %dma_start3A_563 : memref<1x8x128xi32, #tpu.memory_space<vmem>> -> memref<8x128xi32, #tpu.memory_space<vmem>>
      %dma_start3A_565 = arith.constant 0 : i32
      %dma_start3A_566 = tpu.memref_slice %dma_start3A_564[%dma_start3A_555, %dma_start3A_565] : memref<8x128xi32, #tpu.memory_space<vmem>> -> memref<1x128xi32, #tpu.memory_space<vmem>>
      %dma_start3A_567 = tpu.memref_squeeze %dma_start3A_566 : memref<1x128xi32, #tpu.memory_space<vmem>> -> memref<128xi32, #tpu.memory_space<vmem>>
      %dma_start3A_568 = arith.constant 0 : i32
      %dma_start3A_569 = arith.constant 0 : i32
      %dma_start3A_570 = tpu.memref_slice %arg12[%dma_start3A_568, %dma_start3A_569] : memref<10240x128xf32, #tpu.memory_space<vmem_shared>> -> memref<10240x128xf32, #tpu.memory_space<vmem_shared>>
      %dma_start3A_571 = tpu.memref_slice %arg10[%dma_start3A_556] : memref<2x!tpu.dma_semaphore, #tpu.memory_space<semaphore_mem>> -> memref<1x!tpu.dma_semaphore, #tpu.memory_space<semaphore_mem>>
      %dma_start3A_572 = tpu.memref_squeeze %dma_start3A_571 : memref<1x!tpu.dma_semaphore, #tpu.memory_space<semaphore_mem>> -> memref<!tpu.dma_semaphore, #tpu.memory_space<semaphore_mem>>
      tpu.enqueue_indirect_dma source(%dma_start3A_560 : memref<128x128xf32, #tpu.memory_space<vmem>>) target(%dma_start3A_570 : memref<10240x128xf32, #tpu.memory_space<vmem_shared>>) offsets(%dma_start3A_567 : memref<128xi32, #tpu.memory_space<vmem>>) semaphore(%dma_start3A_572 : memref<!tpu.dma_semaphore, #tpu.memory_space<semaphore_mem>>) {add = true}
      %dma_wait3A_573 = arith.constant 1 : i32
      %dma_wait3A_574 = arith.constant 1 : i32
      %dma_wait3A_575 = arith.constant 0 : i32
      %dma_wait3A_576 = arith.constant 0 : i32
      %dma_wait3A_577 = tpu.memref_slice %arg8[%dma_wait3A_573, %dma_wait3A_575, %dma_wait3A_576] : memref<2x128x128xf32, #tpu.memory_space<vmem>> -> memref<1x128x128xf32, #tpu.memory_space<vmem>>
      %dma_wait3A_578 = tpu.memref_squeeze %dma_wait3A_577 : memref<1x128x128xf32, #tpu.memory_space<vmem>> -> memref<128x128xf32, #tpu.memory_space<vmem>>
      %dma_wait3A_579 = arith.constant 0 : i32
      %dma_wait3A_580 = arith.constant 0 : i32
      %dma_wait3A_581 = tpu.memref_slice %arg12[%dma_wait3A_579, %dma_wait3A_580] : memref<10240x128xf32, #tpu.memory_space<vmem_shared>> -> memref<128x128xf32, #tpu.memory_space<vmem_shared>>
      %dma_wait3A_582 = tpu.memref_slice %arg10[%dma_wait3A_574] : memref<2x!tpu.dma_semaphore, #tpu.memory_space<semaphore_mem>> -> memref<1x!tpu.dma_semaphore, #tpu.memory_space<semaphore_mem>>
      %dma_wait3A_583 = tpu.memref_squeeze %dma_wait3A_582 : memref<1x!tpu.dma_semaphore, #tpu.memory_space<semaphore_mem>> -> memref<!tpu.dma_semaphore, #tpu.memory_space<semaphore_mem>>
      %dma_wait3A_584 = arith.constant 0 : i32
      %dma_wait3A_585 = arith.constant 0 : i32
      %dma_wait3A_586 = tpu.memref_slice %arg12[%dma_wait3A_584, %dma_wait3A_585] : memref<10240x128xf32, #tpu.memory_space<vmem_shared>> -> memref<128x128xf32, #tpu.memory_space<vmem_shared>>
      %dma_wait3A_587 = arith.constant 0 : i32
      %dma_wait3A_588 = arith.constant 0 : i32
      %dma_wait3A_589 = tpu.memref_slice %arg8[%dma_wait3A_573, %dma_wait3A_587, %dma_wait3A_588] : memref<2x128x128xf32, #tpu.memory_space<vmem>> -> memref<1x128x128xf32, #tpu.memory_space<vmem>>
      %dma_wait3A_590 = tpu.memref_squeeze %dma_wait3A_589 : memref<1x128x128xf32, #tpu.memory_space<vmem>> -> memref<128x128xf32, #tpu.memory_space<vmem>>
      tpu.wait_dma2 semaphore(%dma_wait3A_583 : memref<!tpu.dma_semaphore, #tpu.memory_space<semaphore_mem>>) src(%dma_wait3A_590 : memref<128x128xf32, #tpu.memory_space<vmem>>) dst(%dma_wait3A_586 : memref<128x128xf32, #tpu.memory_space<vmem_shared>>)
      %add3A_591 = arith.constant 2 : i32
      %add3A_592 = arith.addi %add3A_535, %add3A_591 : i32
      %lt3A_593 = arith.constant 80 : i32
      %lt3A_594 = arith.cmpi slt, %add3A_592, %lt3A_593 : i32
      %convert_element_type3A_595 = arith.extui %lt3A_594 : i1 to i32
      %cond3A_596 = arith.constant 0 : i32
      %cond3A_597 = arith.cmpi ne, %convert_element_type3A_595, %cond3A_596 : i32
      scf.if %cond3A_597 {
        %add3A_598 = arith.constant 2 : i32
        %add3A_599 = arith.addi %add3A_535, %add3A_598 : i32
        %dma_start3A_600 = arith.constant 1 : i32
        %dma_start3A_601 = arith.constant 1 : i32
        %dma_start3A_602 = arith.constant 0 : i32
        %dma_start3A_603 = arith.constant 0 : i32
        %dma_start3A_604 = tpu.memref_slice %arg8[%dma_start3A_600, %dma_start3A_602, %dma_start3A_603] : memref<2x128x128xf32, #tpu.memory_space<vmem>> -> memref<1x128x128xf32, #tpu.memory_space<vmem>>
        %dma_start3A_605 = tpu.memref_squeeze %dma_start3A_604 : memref<1x128x128xf32, #tpu.memory_space<vmem>> -> memref<128x128xf32, #tpu.memory_space<vmem>>
        %dma_start3A_606 = arith.constant 0 : i32
        %dma_start3A_607 = tpu.memref_slice %arg6[%add3A_599, %dma_start3A_606] : memref<80x128xi32, #tpu.memory_space<vmem>> -> memref<1x128xi32, #tpu.memory_space<vmem>>
        %dma_start3A_608 = tpu.memref_squeeze %dma_start3A_607 : memref<1x128xi32, #tpu.memory_space<vmem>> -> memref<128xi32, #tpu.memory_space<vmem>>
        %dma_start3A_609 = arith.constant 0 : i32
        %dma_start3A_610 = arith.constant 0 : i32
        %dma_start3A_611 = tpu.memref_slice %arg2[%dma_start3A_609, %dma_start3A_610] : memref<10240x128xf32, #tpu.memory_space<hbm>> -> memref<10240x128xf32, #tpu.memory_space<hbm>>
        %dma_start3A_612 = tpu.memref_slice %arg9[%dma_start3A_601] : memref<2x!tpu.dma_semaphore, #tpu.memory_space<semaphore_mem>> -> memref<1x!tpu.dma_semaphore, #tpu.memory_space<semaphore_mem>>
        %dma_start3A_613 = tpu.memref_squeeze %dma_start3A_612 : memref<1x!tpu.dma_semaphore, #tpu.memory_space<semaphore_mem>> -> memref<!tpu.dma_semaphore, #tpu.memory_space<semaphore_mem>>
        tpu.enqueue_indirect_dma source(%dma_start3A_611 : memref<10240x128xf32, #tpu.memory_space<hbm>>) target(%dma_start3A_605 : memref<128x128xf32, #tpu.memory_space<vmem>>) offsets(%dma_start3A_608 : memref<128xi32, #tpu.memory_space<vmem>>) semaphore(%dma_start3A_613 : memref<!tpu.dma_semaphore, #tpu.memory_space<semaphore_mem>>)
      } else {
      }
    }
    %scan3A_51 = arith.constant 10 : i32
    %barrier3A_52 = arith.constant 0 : index
    tpu.barrier barrier_id(%barrier3A_52)
    "tpu.region"() ({
      %run_scoped3A = tpu.sem_alloc : memref<!tpu.dma_semaphore, #tpu.memory_space<semaphore_mem>>
      %dma_start3A_53 = arith.constant 0 : i32
      %dma_start3A_54 = arith.constant 0 : i32
      %dma_start3A_55 = tpu.memref_slice %arg5[%arg0, %dma_start3A_53, %dma_start3A_54] : memref<2x10240x128xf32, #tpu.memory_space<hbm>> -> memref<1x10240x128xf32, #tpu.memory_space<hbm>>
      %dma_start3A_56 = tpu.memref_squeeze %dma_start3A_55 : memref<1x10240x128xf32, #tpu.memory_space<hbm>> -> memref<10240x128xf32, #tpu.memory_space<hbm>>
      %dma_start3A_57 = arith.constant 0 : i32
      %dma_start3A_58 = tpu.memref_slice %dma_start3A_56[%mul3A_4, %dma_start3A_57] : memref<10240x128xf32, #tpu.memory_space<hbm>> -> memref<640x128xf32, #tpu.memory_space<hbm>>
      %dma_start3A_59 = arith.constant 0 : i32
      %dma_start3A_60 = tpu.memref_slice %arg12[%mul3A_4, %dma_start3A_59] : memref<10240x128xf32, #tpu.memory_space<vmem_shared>> -> memref<640x128xf32, #tpu.memory_space<vmem_shared>>
      tpu.enqueue_dma source(%dma_start3A_60 : memref<640x128xf32, #tpu.memory_space<vmem_shared>>) target(%dma_start3A_58 : memref<640x128xf32, #tpu.memory_space<hbm>>) target_semaphore(%run_scoped3A : memref<!tpu.dma_semaphore, #tpu.memory_space<semaphore_mem>>)
      %dma_wait3A = arith.constant 0 : i32
      %dma_wait3A_61 = arith.constant 0 : i32
      %dma_wait3A_62 = tpu.memref_slice %arg5[%arg0, %dma_wait3A, %dma_wait3A_61] : memref<2x10240x128xf32, #tpu.memory_space<hbm>> -> memref<1x10240x128xf32, #tpu.memory_space<hbm>>
      %dma_wait3A_63 = tpu.memref_squeeze %dma_wait3A_62 : memref<1x10240x128xf32, #tpu.memory_space<hbm>> -> memref<10240x128xf32, #tpu.memory_space<hbm>>
      %dma_wait3A_64 = arith.constant 0 : i32
      %dma_wait3A_65 = tpu.memref_slice %dma_wait3A_63[%mul3A_4, %dma_wait3A_64] : memref<10240x128xf32, #tpu.memory_space<hbm>> -> memref<640x128xf32, #tpu.memory_space<hbm>>
      %dma_wait3A_66 = arith.constant 0 : i32
      %dma_wait3A_67 = tpu.memref_slice %arg12[%mul3A_4, %dma_wait3A_66] : memref<10240x128xf32, #tpu.memory_space<vmem_shared>> -> memref<640x128xf32, #tpu.memory_space<vmem_shared>>
      tpu.wait_dma2 semaphore(%run_scoped3A : memref<!tpu.dma_semaphore, #tpu.memory_space<semaphore_mem>>) src(%dma_wait3A_67 : memref<640x128xf32, #tpu.memory_space<vmem_shared>>) dst(%dma_wait3A_65 : memref<640x128xf32, #tpu.memory_space<hbm>>)
      tpu.yield
    }) : () -> ()
    return
  }
}

#map = affine_map<(d0, d1) -> (0, 0)>
#map1 = affine_map<(d0, d1) -> (0, 0, 0)>
module attributes {stable_mosaic.version = 14 : i64} {
  func.func @_mp_body(%arg0: i32, %arg1: i32, %arg2: memref<10240x128xf32, #tpu.memory_space<hbm>>, %arg3: memref<2560x128xi32, #tpu.memory_space<hbm>>, %arg4: memref<2560x128xi32, #tpu.memory_space<hbm>>, %arg5: memref<2x10240x128xf32, #tpu.memory_space<hbm>>, %arg6: memref<80x128xi32, #tpu.memory_space<vmem>>, %arg7: memref<2x8x128xi32, #tpu.memory_space<vmem>>, %arg8: memref<2x128x128xf32, #tpu.memory_space<vmem>>, %arg9: memref<2x!tpu.dma_semaphore, #tpu.memory_space<semaphore_mem>>, %arg10: memref<2x!tpu.dma_semaphore, #tpu.memory_space<semaphore_mem>>, %arg11: memref<!tpu.dma_semaphore, #tpu.memory_space<semaphore_mem>>, %arg12: memref<10240x128xf32, #tpu.memory_space<vmem_shared>>) attributes {dimension_semantics = [#tpu.dimension_semantics<core_parallel>, #tpu.dimension_semantics<subcore_parallel>], iteration_bounds = array<i64: 2, 16>, scalar_prefetch = 0 : i64, scratch_operands = 7 : i64, tpu.core_type = #tpu.core_type<sc_vector_subcore>, window_params = [{transform_indices = #map}, {transform_indices = #map}, {transform_indices = #map}, {transform_indices = #map1}]} {
    %mul3A = arith.constant 16 : i32
    %mul3A_0 = arith.muli %arg0, %mul3A : i32
    %add3A = arith.addi %mul3A_0, %arg1 : i32
    %mul3A_1 = arith.constant 80 : i32
    %mul3A_2 = arith.muli %add3A, %mul3A_1 : i32
    "tpu.region"() ({
      %run_scoped3A = tpu.sem_alloc : memref<!tpu.dma_semaphore, #tpu.memory_space<semaphore_mem>>
      %dma_start3A_53 = arith.constant 0 : i32
      %dma_start3A_54 = tpu.memref_slice %arg3[%mul3A_2, %dma_start3A_53] : memref<2560x128xi32, #tpu.memory_space<hbm>> -> memref<80x128xi32, #tpu.memory_space<hbm>>
      %dma_start3A_55 = arith.constant 0 : i32
      %dma_start3A_56 = tpu.memref_slice %arg3[%mul3A_2, %dma_start3A_55] : memref<2560x128xi32, #tpu.memory_space<hbm>> -> memref<80x128xi32, #tpu.memory_space<hbm>>
      tpu.enqueue_dma source(%dma_start3A_56 : memref<80x128xi32, #tpu.memory_space<hbm>>) target(%arg6 : memref<80x128xi32, #tpu.memory_space<vmem>>) target_semaphore(%run_scoped3A : memref<!tpu.dma_semaphore, #tpu.memory_space<semaphore_mem>>)
      %dma_wait3A = arith.constant 0 : i32
      %dma_wait3A_57 = tpu.memref_slice %arg3[%mul3A_2, %dma_wait3A] : memref<2560x128xi32, #tpu.memory_space<hbm>> -> memref<80x128xi32, #tpu.memory_space<hbm>>
      %dma_wait3A_58 = arith.constant 0 : i32
      %dma_wait3A_59 = tpu.memref_slice %arg3[%mul3A_2, %dma_wait3A_58] : memref<2560x128xi32, #tpu.memory_space<hbm>> -> memref<80x128xi32, #tpu.memory_space<hbm>>
      tpu.wait_dma2 semaphore(%run_scoped3A : memref<!tpu.dma_semaphore, #tpu.memory_space<semaphore_mem>>) src(%dma_wait3A_59 : memref<80x128xi32, #tpu.memory_space<hbm>>) dst(%arg6 : memref<80x128xi32, #tpu.memory_space<vmem>>)
      tpu.yield
    }) : () -> ()
    %mul3A_3 = arith.constant 640 : i32
    %mul3A_4 = arith.muli %arg1, %mul3A_3 : i32
    "tpu.region"() ({
      %run_scoped3A = tpu.sem_alloc : memref<!tpu.dma_semaphore, #tpu.memory_space<semaphore_mem>>
      %dma_start3A_53 = arith.constant 0 : i32
      %dma_start3A_54 = tpu.memref_slice %arg12[%mul3A_4, %dma_start3A_53] : memref<10240x128xf32, #tpu.memory_space<vmem_shared>> -> memref<640x128xf32, #tpu.memory_space<vmem_shared>>
      %dma_start3A_55 = arith.constant 0 : i32
      %dma_start3A_56 = tpu.memref_slice %arg2[%mul3A_4, %dma_start3A_55] : memref<10240x128xf32, #tpu.memory_space<hbm>> -> memref<640x128xf32, #tpu.memory_space<hbm>>
      tpu.enqueue_dma source(%dma_start3A_56 : memref<640x128xf32, #tpu.memory_space<hbm>>) target(%dma_start3A_54 : memref<640x128xf32, #tpu.memory_space<vmem_shared>>) target_semaphore(%run_scoped3A : memref<!tpu.dma_semaphore, #tpu.memory_space<semaphore_mem>>)
      %dma_wait3A = arith.constant 0 : i32
      %dma_wait3A_57 = tpu.memref_slice %arg12[%mul3A_4, %dma_wait3A] : memref<10240x128xf32, #tpu.memory_space<vmem_shared>> -> memref<640x128xf32, #tpu.memory_space<vmem_shared>>
      %dma_wait3A_58 = arith.constant 0 : i32
      %dma_wait3A_59 = tpu.memref_slice %arg2[%mul3A_4, %dma_wait3A_58] : memref<10240x128xf32, #tpu.memory_space<hbm>> -> memref<640x128xf32, #tpu.memory_space<hbm>>
      tpu.wait_dma2 semaphore(%run_scoped3A : memref<!tpu.dma_semaphore, #tpu.memory_space<semaphore_mem>>) src(%dma_wait3A_59 : memref<640x128xf32, #tpu.memory_space<hbm>>) dst(%dma_wait3A_57 : memref<640x128xf32, #tpu.memory_space<vmem_shared>>)
      tpu.yield
    }) : () -> ()
    %dma_start3A = arith.constant 0 : i32
    %dma_start3A_5 = arith.constant 0 : i32
    %dma_start3A_6 = arith.constant 0 : i32
    %dma_start3A_7 = tpu.memref_slice %arg7[%dma_start3A, %dma_start3A_5, %dma_start3A_6] : memref<2x8x128xi32, #tpu.memory_space<vmem>> -> memref<1x8x128xi32, #tpu.memory_space<vmem>>
    %dma_start3A_8 = tpu.memref_squeeze %dma_start3A_7 : memref<1x8x128xi32, #tpu.memory_space<vmem>> -> memref<8x128xi32, #tpu.memory_space<vmem>>
    %dma_start3A_9 = arith.constant 0 : i32
    %dma_start3A_10 = tpu.memref_slice %arg4[%mul3A_2, %dma_start3A_9] : memref<2560x128xi32, #tpu.memory_space<hbm>> -> memref<8x128xi32, #tpu.memory_space<hbm>>
    %dma_start3A_11 = arith.constant 0 : i32
    %dma_start3A_12 = arith.constant 0 : i32
    %dma_start3A_13 = tpu.memref_slice %arg7[%dma_start3A, %dma_start3A_11, %dma_start3A_12] : memref<2x8x128xi32, #tpu.memory_space<vmem>> -> memref<1x8x128xi32, #tpu.memory_space<vmem>>
    %dma_start3A_14 = tpu.memref_squeeze %dma_start3A_13 : memref<1x8x128xi32, #tpu.memory_space<vmem>> -> memref<8x128xi32, #tpu.memory_space<vmem>>
    %dma_start3A_15 = arith.constant 0 : i32
    %dma_start3A_16 = tpu.memref_slice %arg4[%mul3A_2, %dma_start3A_15] : memref<2560x128xi32, #tpu.memory_space<hbm>> -> memref<8x128xi32, #tpu.memory_space<hbm>>
    tpu.enqueue_dma source(%dma_start3A_16 : memref<8x128xi32, #tpu.memory_space<hbm>>) target(%dma_start3A_14 : memref<8x128xi32, #tpu.memory_space<vmem>>) target_semaphore(%arg11 : memref<!tpu.dma_semaphore, #tpu.memory_space<semaphore_mem>>)
    %barrier3A = arith.constant 0 : index
    tpu.barrier barrier_id(%barrier3A)
    %dma_start3A_17 = arith.constant 0 : i32
    %dma_start3A_18 = arith.constant 0 : i32
    %dma_start3A_19 = arith.constant 0 : i32
    %dma_start3A_20 = arith.constant 0 : i32
    %dma_start3A_21 = arith.constant 0 : i32
    %dma_start3A_22 = tpu.memref_slice %arg8[%dma_start3A_18, %dma_start3A_20, %dma_start3A_21] : memref<2x128x128xf32, #tpu.memory_space<vmem>> -> memref<1x128x128xf32, #tpu.memory_space<vmem>>
    %dma_start3A_23 = tpu.memref_squeeze %dma_start3A_22 : memref<1x128x128xf32, #tpu.memory_space<vmem>> -> memref<128x128xf32, #tpu.memory_space<vmem>>
    %dma_start3A_24 = arith.constant 0 : i32
    %dma_start3A_25 = tpu.memref_slice %arg6[%dma_start3A_17, %dma_start3A_24] : memref<80x128xi32, #tpu.memory_space<vmem>> -> memref<1x128xi32, #tpu.memory_space<vmem>>
    %dma_start3A_26 = tpu.memref_squeeze %dma_start3A_25 : memref<1x128xi32, #tpu.memory_space<vmem>> -> memref<128xi32, #tpu.memory_space<vmem>>
    %dma_start3A_27 = arith.constant 0 : i32
    %dma_start3A_28 = arith.constant 0 : i32
    %dma_start3A_29 = tpu.memref_slice %arg2[%dma_start3A_27, %dma_start3A_28] : memref<10240x128xf32, #tpu.memory_space<hbm>> -> memref<10240x128xf32, #tpu.memory_space<hbm>>
    %dma_start3A_30 = tpu.memref_slice %arg9[%dma_start3A_19] : memref<2x!tpu.dma_semaphore, #tpu.memory_space<semaphore_mem>> -> memref<1x!tpu.dma_semaphore, #tpu.memory_space<semaphore_mem>>
    %dma_start3A_31 = tpu.memref_squeeze %dma_start3A_30 : memref<1x!tpu.dma_semaphore, #tpu.memory_space<semaphore_mem>> -> memref<!tpu.dma_semaphore, #tpu.memory_space<semaphore_mem>>
    tpu.enqueue_indirect_dma source(%dma_start3A_29 : memref<10240x128xf32, #tpu.memory_space<hbm>>) target(%dma_start3A_23 : memref<128x128xf32, #tpu.memory_space<vmem>>) offsets(%dma_start3A_26 : memref<128xi32, #tpu.memory_space<vmem>>) semaphore(%dma_start3A_31 : memref<!tpu.dma_semaphore, #tpu.memory_space<semaphore_mem>>)
    %dma_start3A_32 = arith.constant 1 : i32
    %dma_start3A_33 = arith.constant 1 : i32
    %dma_start3A_34 = arith.constant 1 : i32
    %dma_start3A_35 = arith.constant 0 : i32
    %dma_start3A_36 = arith.constant 0 : i32
    %dma_start3A_37 = tpu.memref_slice %arg8[%dma_start3A_33, %dma_start3A_35, %dma_start3A_36] : memref<2x128x128xf32, #tpu.memory_space<vmem>> -> memref<1x128x128xf32, #tpu.memory_space<vmem>>
    %dma_start3A_38 = tpu.memref_squeeze %dma_start3A_37 : memref<1x128x128xf32, #tpu.memory_space<vmem>> -> memref<128x128xf32, #tpu.memory_space<vmem>>
    %dma_start3A_39 = arith.constant 0 : i32
    %dma_start3A_40 = tpu.memref_slice %arg6[%dma_start3A_32, %dma_start3A_39] : memref<80x128xi32, #tpu.memory_space<vmem>> -> memref<1x128xi32, #tpu.memory_space<vmem>>
    %dma_start3A_41 = tpu.memref_squeeze %dma_start3A_40 : memref<1x128xi32, #tpu.memory_space<vmem>> -> memref<128xi32, #tpu.memory_space<vmem>>
    %dma_start3A_42 = arith.constant 0 : i32
    %dma_start3A_43 = arith.constant 0 : i32
    %dma_start3A_44 = tpu.memref_slice %arg2[%dma_start3A_42, %dma_start3A_43] : memref<10240x128xf32, #tpu.memory_space<hbm>> -> memref<10240x128xf32, #tpu.memory_space<hbm>>
    %dma_start3A_45 = tpu.memref_slice %arg9[%dma_start3A_34] : memref<2x!tpu.dma_semaphore, #tpu.memory_space<semaphore_mem>> -> memref<1x!tpu.dma_semaphore, #tpu.memory_space<semaphore_mem>>
    %dma_start3A_46 = tpu.memref_squeeze %dma_start3A_45 : memref<1x!tpu.dma_semaphore, #tpu.memory_space<semaphore_mem>> -> memref<!tpu.dma_semaphore, #tpu.memory_space<semaphore_mem>>
    tpu.enqueue_indirect_dma source(%dma_start3A_44 : memref<10240x128xf32, #tpu.memory_space<hbm>>) target(%dma_start3A_38 : memref<128x128xf32, #tpu.memory_space<vmem>>) offsets(%dma_start3A_41 : memref<128xi32, #tpu.memory_space<vmem>>) semaphore(%dma_start3A_46 : memref<!tpu.dma_semaphore, #tpu.memory_space<semaphore_mem>>)
    %scan3A = arith.constant 0 : i32
    %scan3A_47 = arith.constant 0 : i32
    %scan3A_48 = arith.constant 10 : i32
    %scan3A_49 = arith.addi %scan3A_47, %scan3A_48 : i32
    %scan3A_50 = arith.constant 1 : i32
    scf.for %scan3A_53 = %scan3A_47 to %scan3A_49 step %scan3A_50  : i32 {
      %rem3A = arith.constant 2 : i32
      %rem3A_54 = arith.remsi %scan3A_53, %rem3A : i32
      %dma_wait3A = arith.constant 0 : i32
      %dma_wait3A_55 = arith.constant 0 : i32
      %dma_wait3A_56 = tpu.memref_slice %arg7[%rem3A_54, %dma_wait3A, %dma_wait3A_55] : memref<2x8x128xi32, #tpu.memory_space<vmem>> -> memref<1x8x128xi32, #tpu.memory_space<vmem>>
      %dma_wait3A_57 = tpu.memref_squeeze %dma_wait3A_56 : memref<1x8x128xi32, #tpu.memory_space<vmem>> -> memref<8x128xi32, #tpu.memory_space<vmem>>
      %dma_wait3A_58 = arith.constant 0 : i32
      %dma_wait3A_59 = arith.constant 0 : i32
      %dma_wait3A_60 = tpu.memref_slice %arg4[%dma_wait3A_58, %dma_wait3A_59] : memref<2560x128xi32, #tpu.memory_space<hbm>> -> memref<8x128xi32, #tpu.memory_space<hbm>>
      %dma_wait3A_61 = arith.constant 0 : i32
      %dma_wait3A_62 = arith.constant 0 : i32
      %dma_wait3A_63 = tpu.memref_slice %arg7[%rem3A_54, %dma_wait3A_61, %dma_wait3A_62] : memref<2x8x128xi32, #tpu.memory_space<vmem>> -> memref<1x8x128xi32, #tpu.memory_space<vmem>>
      %dma_wait3A_64 = tpu.memref_squeeze %dma_wait3A_63 : memref<1x8x128xi32, #tpu.memory_space<vmem>> -> memref<8x128xi32, #tpu.memory_space<vmem>>
      %dma_wait3A_65 = arith.constant 0 : i32
      %dma_wait3A_66 = arith.constant 0 : i32
      %dma_wait3A_67 = tpu.memref_slice %arg4[%dma_wait3A_65, %dma_wait3A_66] : memref<2560x128xi32, #tpu.memory_space<hbm>> -> memref<8x128xi32, #tpu.memory_space<hbm>>
      tpu.wait_dma2 semaphore(%arg11 : memref<!tpu.dma_semaphore, #tpu.memory_space<semaphore_mem>>) src(%dma_wait3A_67 : memref<8x128xi32, #tpu.memory_space<hbm>>) dst(%dma_wait3A_64 : memref<8x128xi32, #tpu.memory_space<vmem>>)
      %lt3A = arith.constant 9 : i32
      %lt3A_68 = arith.cmpi slt, %scan3A_53, %lt3A : i32
      %convert_element_type3A = arith.extui %lt3A_68 : i1 to i32
      %cond3A = arith.constant 0 : i32
      %cond3A_69 = arith.cmpi ne, %convert_element_type3A, %cond3A : i32
      scf.if %cond3A_69 {
        %add3A_598 = arith.constant 1 : i32
        %add3A_599 = arith.addi %scan3A_53, %add3A_598 : i32
        %mul3A_600 = arith.constant 8 : i32
        %mul3A_601 = arith.muli %add3A_599, %mul3A_600 : i32
        %add3A_602 = arith.addi %mul3A_2, %mul3A_601 : i32
        %add3A_603 = arith.constant 1 : i32
        %add3A_604 = arith.addi %scan3A_53, %add3A_603 : i32
        %rem3A_605 = arith.constant 2 : i32
        %rem3A_606 = arith.remsi %add3A_604, %rem3A_605 : i32
        %dma_start3A_607 = arith.constant 0 : i32
        %dma_start3A_608 = arith.constant 0 : i32
        %dma_start3A_609 = tpu.memref_slice %arg7[%rem3A_606, %dma_start3A_607, %dma_start3A_608] : memref<2x8x128xi32, #tpu.memory_space<vmem>> -> memref<1x8x128xi32, #tpu.memory_space<vmem>>
        %dma_start3A_610 = tpu.memref_squeeze %dma_start3A_609 : memref<1x8x128xi32, #tpu.memory_space<vmem>> -> memref<8x128xi32, #tpu.memory_space<vmem>>
        %dma_start3A_611 = arith.constant 0 : i32
        %dma_start3A_612 = tpu.memref_slice %arg4[%add3A_602, %dma_start3A_611] : memref<2560x128xi32, #tpu.memory_space<hbm>> -> memref<8x128xi32, #tpu.memory_space<hbm>>
        %dma_start3A_613 = arith.constant 0 : i32
        %dma_start3A_614 = arith.constant 0 : i32
        %dma_start3A_615 = tpu.memref_slice %arg7[%rem3A_606, %dma_start3A_613, %dma_start3A_614] : memref<2x8x128xi32, #tpu.memory_space<vmem>> -> memref<1x8x128xi32, #tpu.memory_space<vmem>>
        %dma_start3A_616 = tpu.memref_squeeze %dma_start3A_615 : memref<1x8x128xi32, #tpu.memory_space<vmem>> -> memref<8x128xi32, #tpu.memory_space<vmem>>
        %dma_start3A_617 = arith.constant 0 : i32
        %dma_start3A_618 = tpu.memref_slice %arg4[%add3A_602, %dma_start3A_617] : memref<2560x128xi32, #tpu.memory_space<hbm>> -> memref<8x128xi32, #tpu.memory_space<hbm>>
        tpu.enqueue_dma source(%dma_start3A_618 : memref<8x128xi32, #tpu.memory_space<hbm>>) target(%dma_start3A_616 : memref<8x128xi32, #tpu.memory_space<vmem>>) target_semaphore(%arg11 : memref<!tpu.dma_semaphore, #tpu.memory_space<semaphore_mem>>)
      } else {
      }
      %mul3A_70 = arith.constant 8 : i32
      %mul3A_71 = arith.muli %scan3A_53, %mul3A_70 : i32
      %add3A_72 = arith.constant 0 : i32
      %add3A_73 = arith.addi %mul3A_71, %add3A_72 : i32
      %dma_wait3A_74 = arith.constant 0 : i32
      %dma_wait3A_75 = arith.constant 0 : i32
      %dma_wait3A_76 = arith.constant 0 : i32
      %dma_wait3A_77 = arith.constant 0 : i32
      %dma_wait3A_78 = tpu.memref_slice %arg8[%dma_wait3A_74, %dma_wait3A_76, %dma_wait3A_77] : memref<2x128x128xf32, #tpu.memory_space<vmem>> -> memref<1x128x128xf32, #tpu.memory_space<vmem>>
      %dma_wait3A_79 = tpu.memref_squeeze %dma_wait3A_78 : memref<1x128x128xf32, #tpu.memory_space<vmem>> -> memref<128x128xf32, #tpu.memory_space<vmem>>
      %dma_wait3A_80 = arith.constant 0 : i32
      %dma_wait3A_81 = arith.constant 0 : i32
      %dma_wait3A_82 = tpu.memref_slice %arg2[%dma_wait3A_80, %dma_wait3A_81] : memref<10240x128xf32, #tpu.memory_space<hbm>> -> memref<128x128xf32, #tpu.memory_space<hbm>>
      %dma_wait3A_83 = tpu.memref_slice %arg9[%dma_wait3A_75] : memref<2x!tpu.dma_semaphore, #tpu.memory_space<semaphore_mem>> -> memref<1x!tpu.dma_semaphore, #tpu.memory_space<semaphore_mem>>
      %dma_wait3A_84 = tpu.memref_squeeze %dma_wait3A_83 : memref<1x!tpu.dma_semaphore, #tpu.memory_space<semaphore_mem>> -> memref<!tpu.dma_semaphore, #tpu.memory_space<semaphore_mem>>
      %dma_wait3A_85 = arith.constant 0 : i32
      %dma_wait3A_86 = arith.constant 0 : i32
      %dma_wait3A_87 = tpu.memref_slice %arg8[%dma_wait3A_74, %dma_wait3A_85, %dma_wait3A_86] : memref<2x128x128xf32, #tpu.memory_space<vmem>> -> memref<1x128x128xf32, #tpu.memory_space<vmem>>
      %dma_wait3A_88 = tpu.memref_squeeze %dma_wait3A_87 : memref<1x128x128xf32, #tpu.memory_space<vmem>> -> memref<128x128xf32, #tpu.memory_space<vmem>>
      %dma_wait3A_89 = arith.constant 0 : i32
      %dma_wait3A_90 = arith.constant 0 : i32
      %dma_wait3A_91 = tpu.memref_slice %arg2[%dma_wait3A_89, %dma_wait3A_90] : memref<10240x128xf32, #tpu.memory_space<hbm>> -> memref<128x128xf32, #tpu.memory_space<hbm>>
      tpu.wait_dma2 semaphore(%dma_wait3A_84 : memref<!tpu.dma_semaphore, #tpu.memory_space<semaphore_mem>>) src(%dma_wait3A_91 : memref<128x128xf32, #tpu.memory_space<hbm>>) dst(%dma_wait3A_88 : memref<128x128xf32, #tpu.memory_space<vmem>>)
      %dma_start3A_92 = arith.constant 0 : i32
      %dma_start3A_93 = arith.constant 0 : i32
      %dma_start3A_94 = arith.constant 0 : i32
      %dma_start3A_95 = arith.constant 0 : i32
      %dma_start3A_96 = arith.constant 0 : i32
      %dma_start3A_97 = tpu.memref_slice %arg8[%dma_start3A_92, %dma_start3A_95, %dma_start3A_96] : memref<2x128x128xf32, #tpu.memory_space<vmem>> -> memref<1x128x128xf32, #tpu.memory_space<vmem>>
      %dma_start3A_98 = tpu.memref_squeeze %dma_start3A_97 : memref<1x128x128xf32, #tpu.memory_space<vmem>> -> memref<128x128xf32, #tpu.memory_space<vmem>>
      %dma_start3A_99 = arith.constant 0 : i32
      %dma_start3A_100 = arith.constant 0 : i32
      %dma_start3A_101 = tpu.memref_slice %arg7[%rem3A_54, %dma_start3A_99, %dma_start3A_100] : memref<2x8x128xi32, #tpu.memory_space<vmem>> -> memref<1x8x128xi32, #tpu.memory_space<vmem>>
      %dma_start3A_102 = tpu.memref_squeeze %dma_start3A_101 : memref<1x8x128xi32, #tpu.memory_space<vmem>> -> memref<8x128xi32, #tpu.memory_space<vmem>>
      %dma_start3A_103 = arith.constant 0 : i32
      %dma_start3A_104 = tpu.memref_slice %dma_start3A_102[%dma_start3A_93, %dma_start3A_103] : memref<8x128xi32, #tpu.memory_space<vmem>> -> memref<1x128xi32, #tpu.memory_space<vmem>>
      %dma_start3A_105 = tpu.memref_squeeze %dma_start3A_104 : memref<1x128xi32, #tpu.memory_space<vmem>> -> memref<128xi32, #tpu.memory_space<vmem>>
      %dma_start3A_106 = arith.constant 0 : i32
      %dma_start3A_107 = arith.constant 0 : i32
      %dma_start3A_108 = tpu.memref_slice %arg12[%dma_start3A_106, %dma_start3A_107] : memref<10240x128xf32, #tpu.memory_space<vmem_shared>> -> memref<10240x128xf32, #tpu.memory_space<vmem_shared>>
      %dma_start3A_109 = tpu.memref_slice %arg10[%dma_start3A_94] : memref<2x!tpu.dma_semaphore, #tpu.memory_space<semaphore_mem>> -> memref<1x!tpu.dma_semaphore, #tpu.memory_space<semaphore_mem>>
      %dma_start3A_110 = tpu.memref_squeeze %dma_start3A_109 : memref<1x!tpu.dma_semaphore, #tpu.memory_space<semaphore_mem>> -> memref<!tpu.dma_semaphore, #tpu.memory_space<semaphore_mem>>
      tpu.enqueue_indirect_dma source(%dma_start3A_98 : memref<128x128xf32, #tpu.memory_space<vmem>>) target(%dma_start3A_108 : memref<10240x128xf32, #tpu.memory_space<vmem_shared>>) offsets(%dma_start3A_105 : memref<128xi32, #tpu.memory_space<vmem>>) semaphore(%dma_start3A_110 : memref<!tpu.dma_semaphore, #tpu.memory_space<semaphore_mem>>) {add = true}
      %dma_wait3A_111 = arith.constant 0 : i32
      %dma_wait3A_112 = arith.constant 0 : i32
      %dma_wait3A_113 = arith.constant 0 : i32
      %dma_wait3A_114 = arith.constant 0 : i32
      %dma_wait3A_115 = tpu.memref_slice %arg8[%dma_wait3A_111, %dma_wait3A_113, %dma_wait3A_114] : memref<2x128x128xf32, #tpu.memory_space<vmem>> -> memref<1x128x128xf32, #tpu.memory_space<vmem>>
      %dma_wait3A_116 = tpu.memref_squeeze %dma_wait3A_115 : memref<1x128x128xf32, #tpu.memory_space<vmem>> -> memref<128x128xf32, #tpu.memory_space<vmem>>
      %dma_wait3A_117 = arith.constant 0 : i32
      %dma_wait3A_118 = arith.constant 0 : i32
      %dma_wait3A_119 = tpu.memref_slice %arg12[%dma_wait3A_117, %dma_wait3A_118] : memref<10240x128xf32, #tpu.memory_space<vmem_shared>> -> memref<128x128xf32, #tpu.memory_space<vmem_shared>>
      %dma_wait3A_120 = tpu.memref_slice %arg10[%dma_wait3A_112] : memref<2x!tpu.dma_semaphore, #tpu.memory_space<semaphore_mem>> -> memref<1x!tpu.dma_semaphore, #tpu.memory_space<semaphore_mem>>
      %dma_wait3A_121 = tpu.memref_squeeze %dma_wait3A_120 : memref<1x!tpu.dma_semaphore, #tpu.memory_space<semaphore_mem>> -> memref<!tpu.dma_semaphore, #tpu.memory_space<semaphore_mem>>
      %dma_wait3A_122 = arith.constant 0 : i32
      %dma_wait3A_123 = arith.constant 0 : i32
      %dma_wait3A_124 = tpu.memref_slice %arg12[%dma_wait3A_122, %dma_wait3A_123] : memref<10240x128xf32, #tpu.memory_space<vmem_shared>> -> memref<128x128xf32, #tpu.memory_space<vmem_shared>>
      %dma_wait3A_125 = arith.constant 0 : i32
      %dma_wait3A_126 = arith.constant 0 : i32
      %dma_wait3A_127 = tpu.memref_slice %arg8[%dma_wait3A_111, %dma_wait3A_125, %dma_wait3A_126] : memref<2x128x128xf32, #tpu.memory_space<vmem>> -> memref<1x128x128xf32, #tpu.memory_space<vmem>>
      %dma_wait3A_128 = tpu.memref_squeeze %dma_wait3A_127 : memref<1x128x128xf32, #tpu.memory_space<vmem>> -> memref<128x128xf32, #tpu.memory_space<vmem>>
      tpu.wait_dma2 semaphore(%dma_wait3A_121 : memref<!tpu.dma_semaphore, #tpu.memory_space<semaphore_mem>>) src(%dma_wait3A_128 : memref<128x128xf32, #tpu.memory_space<vmem>>) dst(%dma_wait3A_124 : memref<128x128xf32, #tpu.memory_space<vmem_shared>>)
      %add3A_129 = arith.constant 2 : i32
      %add3A_130 = arith.addi %add3A_73, %add3A_129 : i32
      %lt3A_131 = arith.constant 80 : i32
      %lt3A_132 = arith.cmpi slt, %add3A_130, %lt3A_131 : i32
      %convert_element_type3A_133 = arith.extui %lt3A_132 : i1 to i32
      %cond3A_134 = arith.constant 0 : i32
      %cond3A_135 = arith.cmpi ne, %convert_element_type3A_133, %cond3A_134 : i32
      scf.if %cond3A_135 {
        %add3A_598 = arith.constant 2 : i32
        %add3A_599 = arith.addi %add3A_73, %add3A_598 : i32
        %dma_start3A_600 = arith.constant 0 : i32
        %dma_start3A_601 = arith.constant 0 : i32
        %dma_start3A_602 = arith.constant 0 : i32
        %dma_start3A_603 = arith.constant 0 : i32
        %dma_start3A_604 = tpu.memref_slice %arg8[%dma_start3A_600, %dma_start3A_602, %dma_start3A_603] : memref<2x128x128xf32, #tpu.memory_space<vmem>> -> memref<1x128x128xf32, #tpu.memory_space<vmem>>
        %dma_start3A_605 = tpu.memref_squeeze %dma_start3A_604 : memref<1x128x128xf32, #tpu.memory_space<vmem>> -> memref<128x128xf32, #tpu.memory_space<vmem>>
        %dma_start3A_606 = arith.constant 0 : i32
        %dma_start3A_607 = tpu.memref_slice %arg6[%add3A_599, %dma_start3A_606] : memref<80x128xi32, #tpu.memory_space<vmem>> -> memref<1x128xi32, #tpu.memory_space<vmem>>
        %dma_start3A_608 = tpu.memref_squeeze %dma_start3A_607 : memref<1x128xi32, #tpu.memory_space<vmem>> -> memref<128xi32, #tpu.memory_space<vmem>>
        %dma_start3A_609 = arith.constant 0 : i32
        %dma_start3A_610 = arith.constant 0 : i32
        %dma_start3A_611 = tpu.memref_slice %arg2[%dma_start3A_609, %dma_start3A_610] : memref<10240x128xf32, #tpu.memory_space<hbm>> -> memref<10240x128xf32, #tpu.memory_space<hbm>>
        %dma_start3A_612 = tpu.memref_slice %arg9[%dma_start3A_601] : memref<2x!tpu.dma_semaphore, #tpu.memory_space<semaphore_mem>> -> memref<1x!tpu.dma_semaphore, #tpu.memory_space<semaphore_mem>>
        %dma_start3A_613 = tpu.memref_squeeze %dma_start3A_612 : memref<1x!tpu.dma_semaphore, #tpu.memory_space<semaphore_mem>> -> memref<!tpu.dma_semaphore, #tpu.memory_space<semaphore_mem>>
        tpu.enqueue_indirect_dma source(%dma_start3A_611 : memref<10240x128xf32, #tpu.memory_space<hbm>>) target(%dma_start3A_605 : memref<128x128xf32, #tpu.memory_space<vmem>>) offsets(%dma_start3A_608 : memref<128xi32, #tpu.memory_space<vmem>>) semaphore(%dma_start3A_613 : memref<!tpu.dma_semaphore, #tpu.memory_space<semaphore_mem>>)
      } else {
      }
      %mul3A_136 = arith.constant 8 : i32
      %mul3A_137 = arith.muli %scan3A_53, %mul3A_136 : i32
      %add3A_138 = arith.constant 1 : i32
      %add3A_139 = arith.addi %mul3A_137, %add3A_138 : i32
      %dma_wait3A_140 = arith.constant 1 : i32
      %dma_wait3A_141 = arith.constant 1 : i32
      %dma_wait3A_142 = arith.constant 0 : i32
      %dma_wait3A_143 = arith.constant 0 : i32
      %dma_wait3A_144 = tpu.memref_slice %arg8[%dma_wait3A_140, %dma_wait3A_142, %dma_wait3A_143] : memref<2x128x128xf32, #tpu.memory_space<vmem>> -> memref<1x128x128xf32, #tpu.memory_space<vmem>>
      %dma_wait3A_145 = tpu.memref_squeeze %dma_wait3A_144 : memref<1x128x128xf32, #tpu.memory_space<vmem>> -> memref<128x128xf32, #tpu.memory_space<vmem>>
      %dma_wait3A_146 = arith.constant 0 : i32
      %dma_wait3A_147 = arith.constant 0 : i32
      %dma_wait3A_148 = tpu.memref_slice %arg2[%dma_wait3A_146, %dma_wait3A_147] : memref<10240x128xf32, #tpu.memory_space<hbm>> -> memref<128x128xf32, #tpu.memory_space<hbm>>
      %dma_wait3A_149 = tpu.memref_slice %arg9[%dma_wait3A_141] : memref<2x!tpu.dma_semaphore, #tpu.memory_space<semaphore_mem>> -> memref<1x!tpu.dma_semaphore, #tpu.memory_space<semaphore_mem>>
      %dma_wait3A_150 = tpu.memref_squeeze %dma_wait3A_149 : memref<1x!tpu.dma_semaphore, #tpu.memory_space<semaphore_mem>> -> memref<!tpu.dma_semaphore, #tpu.memory_space<semaphore_mem>>
      %dma_wait3A_151 = arith.constant 0 : i32
      %dma_wait3A_152 = arith.constant 0 : i32
      %dma_wait3A_153 = tpu.memref_slice %arg8[%dma_wait3A_140, %dma_wait3A_151, %dma_wait3A_152] : memref<2x128x128xf32, #tpu.memory_space<vmem>> -> memref<1x128x128xf32, #tpu.memory_space<vmem>>
      %dma_wait3A_154 = tpu.memref_squeeze %dma_wait3A_153 : memref<1x128x128xf32, #tpu.memory_space<vmem>> -> memref<128x128xf32, #tpu.memory_space<vmem>>
      %dma_wait3A_155 = arith.constant 0 : i32
      %dma_wait3A_156 = arith.constant 0 : i32
      %dma_wait3A_157 = tpu.memref_slice %arg2[%dma_wait3A_155, %dma_wait3A_156] : memref<10240x128xf32, #tpu.memory_space<hbm>> -> memref<128x128xf32, #tpu.memory_space<hbm>>
      tpu.wait_dma2 semaphore(%dma_wait3A_150 : memref<!tpu.dma_semaphore, #tpu.memory_space<semaphore_mem>>) src(%dma_wait3A_157 : memref<128x128xf32, #tpu.memory_space<hbm>>) dst(%dma_wait3A_154 : memref<128x128xf32, #tpu.memory_space<vmem>>)
      %dma_start3A_158 = arith.constant 1 : i32
      %dma_start3A_159 = arith.constant 1 : i32
      %dma_start3A_160 = arith.constant 1 : i32
      %dma_start3A_161 = arith.constant 0 : i32
      %dma_start3A_162 = arith.constant 0 : i32
      %dma_start3A_163 = tpu.memref_slice %arg8[%dma_start3A_158, %dma_start3A_161, %dma_start3A_162] : memref<2x128x128xf32, #tpu.memory_space<vmem>> -> memref<1x128x128xf32, #tpu.memory_space<vmem>>
      %dma_start3A_164 = tpu.memref_squeeze %dma_start3A_163 : memref<1x128x128xf32, #tpu.memory_space<vmem>> -> memref<128x128xf32, #tpu.memory_space<vmem>>
      %dma_start3A_165 = arith.constant 0 : i32
      %dma_start3A_166 = arith.constant 0 : i32
      %dma_start3A_167 = tpu.memref_slice %arg7[%rem3A_54, %dma_start3A_165, %dma_start3A_166] : memref<2x8x128xi32, #tpu.memory_space<vmem>> -> memref<1x8x128xi32, #tpu.memory_space<vmem>>
      %dma_start3A_168 = tpu.memref_squeeze %dma_start3A_167 : memref<1x8x128xi32, #tpu.memory_space<vmem>> -> memref<8x128xi32, #tpu.memory_space<vmem>>
      %dma_start3A_169 = arith.constant 0 : i32
      %dma_start3A_170 = tpu.memref_slice %dma_start3A_168[%dma_start3A_159, %dma_start3A_169] : memref<8x128xi32, #tpu.memory_space<vmem>> -> memref<1x128xi32, #tpu.memory_space<vmem>>
      %dma_start3A_171 = tpu.memref_squeeze %dma_start3A_170 : memref<1x128xi32, #tpu.memory_space<vmem>> -> memref<128xi32, #tpu.memory_space<vmem>>
      %dma_start3A_172 = arith.constant 0 : i32
      %dma_start3A_173 = arith.constant 0 : i32
      %dma_start3A_174 = tpu.memref_slice %arg12[%dma_start3A_172, %dma_start3A_173] : memref<10240x128xf32, #tpu.memory_space<vmem_shared>> -> memref<10240x128xf32, #tpu.memory_space<vmem_shared>>
      %dma_start3A_175 = tpu.memref_slice %arg10[%dma_start3A_160] : memref<2x!tpu.dma_semaphore, #tpu.memory_space<semaphore_mem>> -> memref<1x!tpu.dma_semaphore, #tpu.memory_space<semaphore_mem>>
      %dma_start3A_176 = tpu.memref_squeeze %dma_start3A_175 : memref<1x!tpu.dma_semaphore, #tpu.memory_space<semaphore_mem>> -> memref<!tpu.dma_semaphore, #tpu.memory_space<semaphore_mem>>
      tpu.enqueue_indirect_dma source(%dma_start3A_164 : memref<128x128xf32, #tpu.memory_space<vmem>>) target(%dma_start3A_174 : memref<10240x128xf32, #tpu.memory_space<vmem_shared>>) offsets(%dma_start3A_171 : memref<128xi32, #tpu.memory_space<vmem>>) semaphore(%dma_start3A_176 : memref<!tpu.dma_semaphore, #tpu.memory_space<semaphore_mem>>) {add = true}
      %dma_wait3A_177 = arith.constant 1 : i32
      %dma_wait3A_178 = arith.constant 1 : i32
      %dma_wait3A_179 = arith.constant 0 : i32
      %dma_wait3A_180 = arith.constant 0 : i32
      %dma_wait3A_181 = tpu.memref_slice %arg8[%dma_wait3A_177, %dma_wait3A_179, %dma_wait3A_180] : memref<2x128x128xf32, #tpu.memory_space<vmem>> -> memref<1x128x128xf32, #tpu.memory_space<vmem>>
      %dma_wait3A_182 = tpu.memref_squeeze %dma_wait3A_181 : memref<1x128x128xf32, #tpu.memory_space<vmem>> -> memref<128x128xf32, #tpu.memory_space<vmem>>
      %dma_wait3A_183 = arith.constant 0 : i32
      %dma_wait3A_184 = arith.constant 0 : i32
      %dma_wait3A_185 = tpu.memref_slice %arg12[%dma_wait3A_183, %dma_wait3A_184] : memref<10240x128xf32, #tpu.memory_space<vmem_shared>> -> memref<128x128xf32, #tpu.memory_space<vmem_shared>>
      %dma_wait3A_186 = tpu.memref_slice %arg10[%dma_wait3A_178] : memref<2x!tpu.dma_semaphore, #tpu.memory_space<semaphore_mem>> -> memref<1x!tpu.dma_semaphore, #tpu.memory_space<semaphore_mem>>
      %dma_wait3A_187 = tpu.memref_squeeze %dma_wait3A_186 : memref<1x!tpu.dma_semaphore, #tpu.memory_space<semaphore_mem>> -> memref<!tpu.dma_semaphore, #tpu.memory_space<semaphore_mem>>
      %dma_wait3A_188 = arith.constant 0 : i32
      %dma_wait3A_189 = arith.constant 0 : i32
      %dma_wait3A_190 = tpu.memref_slice %arg12[%dma_wait3A_188, %dma_wait3A_189] : memref<10240x128xf32, #tpu.memory_space<vmem_shared>> -> memref<128x128xf32, #tpu.memory_space<vmem_shared>>
      %dma_wait3A_191 = arith.constant 0 : i32
      %dma_wait3A_192 = arith.constant 0 : i32
      %dma_wait3A_193 = tpu.memref_slice %arg8[%dma_wait3A_177, %dma_wait3A_191, %dma_wait3A_192] : memref<2x128x128xf32, #tpu.memory_space<vmem>> -> memref<1x128x128xf32, #tpu.memory_space<vmem>>
      %dma_wait3A_194 = tpu.memref_squeeze %dma_wait3A_193 : memref<1x128x128xf32, #tpu.memory_space<vmem>> -> memref<128x128xf32, #tpu.memory_space<vmem>>
      tpu.wait_dma2 semaphore(%dma_wait3A_187 : memref<!tpu.dma_semaphore, #tpu.memory_space<semaphore_mem>>) src(%dma_wait3A_194 : memref<128x128xf32, #tpu.memory_space<vmem>>) dst(%dma_wait3A_190 : memref<128x128xf32, #tpu.memory_space<vmem_shared>>)
      %add3A_195 = arith.constant 2 : i32
      %add3A_196 = arith.addi %add3A_139, %add3A_195 : i32
      %lt3A_197 = arith.constant 80 : i32
      %lt3A_198 = arith.cmpi slt, %add3A_196, %lt3A_197 : i32
      %convert_element_type3A_199 = arith.extui %lt3A_198 : i1 to i32
      %cond3A_200 = arith.constant 0 : i32
      %cond3A_201 = arith.cmpi ne, %convert_element_type3A_199, %cond3A_200 : i32
      scf.if %cond3A_201 {
        %add3A_598 = arith.constant 2 : i32
        %add3A_599 = arith.addi %add3A_139, %add3A_598 : i32
        %dma_start3A_600 = arith.constant 1 : i32
        %dma_start3A_601 = arith.constant 1 : i32
        %dma_start3A_602 = arith.constant 0 : i32
        %dma_start3A_603 = arith.constant 0 : i32
        %dma_start3A_604 = tpu.memref_slice %arg8[%dma_start3A_600, %dma_start3A_602, %dma_start3A_603] : memref<2x128x128xf32, #tpu.memory_space<vmem>> -> memref<1x128x128xf32, #tpu.memory_space<vmem>>
        %dma_start3A_605 = tpu.memref_squeeze %dma_start3A_604 : memref<1x128x128xf32, #tpu.memory_space<vmem>> -> memref<128x128xf32, #tpu.memory_space<vmem>>
        %dma_start3A_606 = arith.constant 0 : i32
        %dma_start3A_607 = tpu.memref_slice %arg6[%add3A_599, %dma_start3A_606] : memref<80x128xi32, #tpu.memory_space<vmem>> -> memref<1x128xi32, #tpu.memory_space<vmem>>
        %dma_start3A_608 = tpu.memref_squeeze %dma_start3A_607 : memref<1x128xi32, #tpu.memory_space<vmem>> -> memref<128xi32, #tpu.memory_space<vmem>>
        %dma_start3A_609 = arith.constant 0 : i32
        %dma_start3A_610 = arith.constant 0 : i32
        %dma_start3A_611 = tpu.memref_slice %arg2[%dma_start3A_609, %dma_start3A_610] : memref<10240x128xf32, #tpu.memory_space<hbm>> -> memref<10240x128xf32, #tpu.memory_space<hbm>>
        %dma_start3A_612 = tpu.memref_slice %arg9[%dma_start3A_601] : memref<2x!tpu.dma_semaphore, #tpu.memory_space<semaphore_mem>> -> memref<1x!tpu.dma_semaphore, #tpu.memory_space<semaphore_mem>>
        %dma_start3A_613 = tpu.memref_squeeze %dma_start3A_612 : memref<1x!tpu.dma_semaphore, #tpu.memory_space<semaphore_mem>> -> memref<!tpu.dma_semaphore, #tpu.memory_space<semaphore_mem>>
        tpu.enqueue_indirect_dma source(%dma_start3A_611 : memref<10240x128xf32, #tpu.memory_space<hbm>>) target(%dma_start3A_605 : memref<128x128xf32, #tpu.memory_space<vmem>>) offsets(%dma_start3A_608 : memref<128xi32, #tpu.memory_space<vmem>>) semaphore(%dma_start3A_613 : memref<!tpu.dma_semaphore, #tpu.memory_space<semaphore_mem>>)
      } else {
      }
      %mul3A_202 = arith.constant 8 : i32
      %mul3A_203 = arith.muli %scan3A_53, %mul3A_202 : i32
      %add3A_204 = arith.constant 2 : i32
      %add3A_205 = arith.addi %mul3A_203, %add3A_204 : i32
      %dma_wait3A_206 = arith.constant 0 : i32
      %dma_wait3A_207 = arith.constant 0 : i32
      %dma_wait3A_208 = arith.constant 0 : i32
      %dma_wait3A_209 = arith.constant 0 : i32
      %dma_wait3A_210 = tpu.memref_slice %arg8[%dma_wait3A_206, %dma_wait3A_208, %dma_wait3A_209] : memref<2x128x128xf32, #tpu.memory_space<vmem>> -> memref<1x128x128xf32, #tpu.memory_space<vmem>>
      %dma_wait3A_211 = tpu.memref_squeeze %dma_wait3A_210 : memref<1x128x128xf32, #tpu.memory_space<vmem>> -> memref<128x128xf32, #tpu.memory_space<vmem>>
      %dma_wait3A_212 = arith.constant 0 : i32
      %dma_wait3A_213 = arith.constant 0 : i32
      %dma_wait3A_214 = tpu.memref_slice %arg2[%dma_wait3A_212, %dma_wait3A_213] : memref<10240x128xf32, #tpu.memory_space<hbm>> -> memref<128x128xf32, #tpu.memory_space<hbm>>
      %dma_wait3A_215 = tpu.memref_slice %arg9[%dma_wait3A_207] : memref<2x!tpu.dma_semaphore, #tpu.memory_space<semaphore_mem>> -> memref<1x!tpu.dma_semaphore, #tpu.memory_space<semaphore_mem>>
      %dma_wait3A_216 = tpu.memref_squeeze %dma_wait3A_215 : memref<1x!tpu.dma_semaphore, #tpu.memory_space<semaphore_mem>> -> memref<!tpu.dma_semaphore, #tpu.memory_space<semaphore_mem>>
      %dma_wait3A_217 = arith.constant 0 : i32
      %dma_wait3A_218 = arith.constant 0 : i32
      %dma_wait3A_219 = tpu.memref_slice %arg8[%dma_wait3A_206, %dma_wait3A_217, %dma_wait3A_218] : memref<2x128x128xf32, #tpu.memory_space<vmem>> -> memref<1x128x128xf32, #tpu.memory_space<vmem>>
      %dma_wait3A_220 = tpu.memref_squeeze %dma_wait3A_219 : memref<1x128x128xf32, #tpu.memory_space<vmem>> -> memref<128x128xf32, #tpu.memory_space<vmem>>
      %dma_wait3A_221 = arith.constant 0 : i32
      %dma_wait3A_222 = arith.constant 0 : i32
      %dma_wait3A_223 = tpu.memref_slice %arg2[%dma_wait3A_221, %dma_wait3A_222] : memref<10240x128xf32, #tpu.memory_space<hbm>> -> memref<128x128xf32, #tpu.memory_space<hbm>>
      tpu.wait_dma2 semaphore(%dma_wait3A_216 : memref<!tpu.dma_semaphore, #tpu.memory_space<semaphore_mem>>) src(%dma_wait3A_223 : memref<128x128xf32, #tpu.memory_space<hbm>>) dst(%dma_wait3A_220 : memref<128x128xf32, #tpu.memory_space<vmem>>)
      %dma_start3A_224 = arith.constant 0 : i32
      %dma_start3A_225 = arith.constant 2 : i32
      %dma_start3A_226 = arith.constant 0 : i32
      %dma_start3A_227 = arith.constant 0 : i32
      %dma_start3A_228 = arith.constant 0 : i32
      %dma_start3A_229 = tpu.memref_slice %arg8[%dma_start3A_224, %dma_start3A_227, %dma_start3A_228] : memref<2x128x128xf32, #tpu.memory_space<vmem>> -> memref<1x128x128xf32, #tpu.memory_space<vmem>>
      %dma_start3A_230 = tpu.memref_squeeze %dma_start3A_229 : memref<1x128x128xf32, #tpu.memory_space<vmem>> -> memref<128x128xf32, #tpu.memory_space<vmem>>
      %dma_start3A_231 = arith.constant 0 : i32
      %dma_start3A_232 = arith.constant 0 : i32
      %dma_start3A_233 = tpu.memref_slice %arg7[%rem3A_54, %dma_start3A_231, %dma_start3A_232] : memref<2x8x128xi32, #tpu.memory_space<vmem>> -> memref<1x8x128xi32, #tpu.memory_space<vmem>>
      %dma_start3A_234 = tpu.memref_squeeze %dma_start3A_233 : memref<1x8x128xi32, #tpu.memory_space<vmem>> -> memref<8x128xi32, #tpu.memory_space<vmem>>
      %dma_start3A_235 = arith.constant 0 : i32
      %dma_start3A_236 = tpu.memref_slice %dma_start3A_234[%dma_start3A_225, %dma_start3A_235] : memref<8x128xi32, #tpu.memory_space<vmem>> -> memref<1x128xi32, #tpu.memory_space<vmem>>
      %dma_start3A_237 = tpu.memref_squeeze %dma_start3A_236 : memref<1x128xi32, #tpu.memory_space<vmem>> -> memref<128xi32, #tpu.memory_space<vmem>>
      %dma_start3A_238 = arith.constant 0 : i32
      %dma_start3A_239 = arith.constant 0 : i32
      %dma_start3A_240 = tpu.memref_slice %arg12[%dma_start3A_238, %dma_start3A_239] : memref<10240x128xf32, #tpu.memory_space<vmem_shared>> -> memref<10240x128xf32, #tpu.memory_space<vmem_shared>>
      %dma_start3A_241 = tpu.memref_slice %arg10[%dma_start3A_226] : memref<2x!tpu.dma_semaphore, #tpu.memory_space<semaphore_mem>> -> memref<1x!tpu.dma_semaphore, #tpu.memory_space<semaphore_mem>>
      %dma_start3A_242 = tpu.memref_squeeze %dma_start3A_241 : memref<1x!tpu.dma_semaphore, #tpu.memory_space<semaphore_mem>> -> memref<!tpu.dma_semaphore, #tpu.memory_space<semaphore_mem>>
      tpu.enqueue_indirect_dma source(%dma_start3A_230 : memref<128x128xf32, #tpu.memory_space<vmem>>) target(%dma_start3A_240 : memref<10240x128xf32, #tpu.memory_space<vmem_shared>>) offsets(%dma_start3A_237 : memref<128xi32, #tpu.memory_space<vmem>>) semaphore(%dma_start3A_242 : memref<!tpu.dma_semaphore, #tpu.memory_space<semaphore_mem>>) {add = true}
      %dma_wait3A_243 = arith.constant 0 : i32
      %dma_wait3A_244 = arith.constant 0 : i32
      %dma_wait3A_245 = arith.constant 0 : i32
      %dma_wait3A_246 = arith.constant 0 : i32
      %dma_wait3A_247 = tpu.memref_slice %arg8[%dma_wait3A_243, %dma_wait3A_245, %dma_wait3A_246] : memref<2x128x128xf32, #tpu.memory_space<vmem>> -> memref<1x128x128xf32, #tpu.memory_space<vmem>>
      %dma_wait3A_248 = tpu.memref_squeeze %dma_wait3A_247 : memref<1x128x128xf32, #tpu.memory_space<vmem>> -> memref<128x128xf32, #tpu.memory_space<vmem>>
      %dma_wait3A_249 = arith.constant 0 : i32
      %dma_wait3A_250 = arith.constant 0 : i32
      %dma_wait3A_251 = tpu.memref_slice %arg12[%dma_wait3A_249, %dma_wait3A_250] : memref<10240x128xf32, #tpu.memory_space<vmem_shared>> -> memref<128x128xf32, #tpu.memory_space<vmem_shared>>
      %dma_wait3A_252 = tpu.memref_slice %arg10[%dma_wait3A_244] : memref<2x!tpu.dma_semaphore, #tpu.memory_space<semaphore_mem>> -> memref<1x!tpu.dma_semaphore, #tpu.memory_space<semaphore_mem>>
      %dma_wait3A_253 = tpu.memref_squeeze %dma_wait3A_252 : memref<1x!tpu.dma_semaphore, #tpu.memory_space<semaphore_mem>> -> memref<!tpu.dma_semaphore, #tpu.memory_space<semaphore_mem>>
      %dma_wait3A_254 = arith.constant 0 : i32
      %dma_wait3A_255 = arith.constant 0 : i32
      %dma_wait3A_256 = tpu.memref_slice %arg12[%dma_wait3A_254, %dma_wait3A_255] : memref<10240x128xf32, #tpu.memory_space<vmem_shared>> -> memref<128x128xf32, #tpu.memory_space<vmem_shared>>
      %dma_wait3A_257 = arith.constant 0 : i32
      %dma_wait3A_258 = arith.constant 0 : i32
      %dma_wait3A_259 = tpu.memref_slice %arg8[%dma_wait3A_243, %dma_wait3A_257, %dma_wait3A_258] : memref<2x128x128xf32, #tpu.memory_space<vmem>> -> memref<1x128x128xf32, #tpu.memory_space<vmem>>
      %dma_wait3A_260 = tpu.memref_squeeze %dma_wait3A_259 : memref<1x128x128xf32, #tpu.memory_space<vmem>> -> memref<128x128xf32, #tpu.memory_space<vmem>>
      tpu.wait_dma2 semaphore(%dma_wait3A_253 : memref<!tpu.dma_semaphore, #tpu.memory_space<semaphore_mem>>) src(%dma_wait3A_260 : memref<128x128xf32, #tpu.memory_space<vmem>>) dst(%dma_wait3A_256 : memref<128x128xf32, #tpu.memory_space<vmem_shared>>)
      %add3A_261 = arith.constant 2 : i32
      %add3A_262 = arith.addi %add3A_205, %add3A_261 : i32
      %lt3A_263 = arith.constant 80 : i32
      %lt3A_264 = arith.cmpi slt, %add3A_262, %lt3A_263 : i32
      %convert_element_type3A_265 = arith.extui %lt3A_264 : i1 to i32
      %cond3A_266 = arith.constant 0 : i32
      %cond3A_267 = arith.cmpi ne, %convert_element_type3A_265, %cond3A_266 : i32
      scf.if %cond3A_267 {
        %add3A_598 = arith.constant 2 : i32
        %add3A_599 = arith.addi %add3A_205, %add3A_598 : i32
        %dma_start3A_600 = arith.constant 0 : i32
        %dma_start3A_601 = arith.constant 0 : i32
        %dma_start3A_602 = arith.constant 0 : i32
        %dma_start3A_603 = arith.constant 0 : i32
        %dma_start3A_604 = tpu.memref_slice %arg8[%dma_start3A_600, %dma_start3A_602, %dma_start3A_603] : memref<2x128x128xf32, #tpu.memory_space<vmem>> -> memref<1x128x128xf32, #tpu.memory_space<vmem>>
        %dma_start3A_605 = tpu.memref_squeeze %dma_start3A_604 : memref<1x128x128xf32, #tpu.memory_space<vmem>> -> memref<128x128xf32, #tpu.memory_space<vmem>>
        %dma_start3A_606 = arith.constant 0 : i32
        %dma_start3A_607 = tpu.memref_slice %arg6[%add3A_599, %dma_start3A_606] : memref<80x128xi32, #tpu.memory_space<vmem>> -> memref<1x128xi32, #tpu.memory_space<vmem>>
        %dma_start3A_608 = tpu.memref_squeeze %dma_start3A_607 : memref<1x128xi32, #tpu.memory_space<vmem>> -> memref<128xi32, #tpu.memory_space<vmem>>
        %dma_start3A_609 = arith.constant 0 : i32
        %dma_start3A_610 = arith.constant 0 : i32
        %dma_start3A_611 = tpu.memref_slice %arg2[%dma_start3A_609, %dma_start3A_610] : memref<10240x128xf32, #tpu.memory_space<hbm>> -> memref<10240x128xf32, #tpu.memory_space<hbm>>
        %dma_start3A_612 = tpu.memref_slice %arg9[%dma_start3A_601] : memref<2x!tpu.dma_semaphore, #tpu.memory_space<semaphore_mem>> -> memref<1x!tpu.dma_semaphore, #tpu.memory_space<semaphore_mem>>
        %dma_start3A_613 = tpu.memref_squeeze %dma_start3A_612 : memref<1x!tpu.dma_semaphore, #tpu.memory_space<semaphore_mem>> -> memref<!tpu.dma_semaphore, #tpu.memory_space<semaphore_mem>>
        tpu.enqueue_indirect_dma source(%dma_start3A_611 : memref<10240x128xf32, #tpu.memory_space<hbm>>) target(%dma_start3A_605 : memref<128x128xf32, #tpu.memory_space<vmem>>) offsets(%dma_start3A_608 : memref<128xi32, #tpu.memory_space<vmem>>) semaphore(%dma_start3A_613 : memref<!tpu.dma_semaphore, #tpu.memory_space<semaphore_mem>>)
      } else {
      }
      %mul3A_268 = arith.constant 8 : i32
      %mul3A_269 = arith.muli %scan3A_53, %mul3A_268 : i32
      %add3A_270 = arith.constant 3 : i32
      %add3A_271 = arith.addi %mul3A_269, %add3A_270 : i32
      %dma_wait3A_272 = arith.constant 1 : i32
      %dma_wait3A_273 = arith.constant 1 : i32
      %dma_wait3A_274 = arith.constant 0 : i32
      %dma_wait3A_275 = arith.constant 0 : i32
      %dma_wait3A_276 = tpu.memref_slice %arg8[%dma_wait3A_272, %dma_wait3A_274, %dma_wait3A_275] : memref<2x128x128xf32, #tpu.memory_space<vmem>> -> memref<1x128x128xf32, #tpu.memory_space<vmem>>
      %dma_wait3A_277 = tpu.memref_squeeze %dma_wait3A_276 : memref<1x128x128xf32, #tpu.memory_space<vmem>> -> memref<128x128xf32, #tpu.memory_space<vmem>>
      %dma_wait3A_278 = arith.constant 0 : i32
      %dma_wait3A_279 = arith.constant 0 : i32
      %dma_wait3A_280 = tpu.memref_slice %arg2[%dma_wait3A_278, %dma_wait3A_279] : memref<10240x128xf32, #tpu.memory_space<hbm>> -> memref<128x128xf32, #tpu.memory_space<hbm>>
      %dma_wait3A_281 = tpu.memref_slice %arg9[%dma_wait3A_273] : memref<2x!tpu.dma_semaphore, #tpu.memory_space<semaphore_mem>> -> memref<1x!tpu.dma_semaphore, #tpu.memory_space<semaphore_mem>>
      %dma_wait3A_282 = tpu.memref_squeeze %dma_wait3A_281 : memref<1x!tpu.dma_semaphore, #tpu.memory_space<semaphore_mem>> -> memref<!tpu.dma_semaphore, #tpu.memory_space<semaphore_mem>>
      %dma_wait3A_283 = arith.constant 0 : i32
      %dma_wait3A_284 = arith.constant 0 : i32
      %dma_wait3A_285 = tpu.memref_slice %arg8[%dma_wait3A_272, %dma_wait3A_283, %dma_wait3A_284] : memref<2x128x128xf32, #tpu.memory_space<vmem>> -> memref<1x128x128xf32, #tpu.memory_space<vmem>>
      %dma_wait3A_286 = tpu.memref_squeeze %dma_wait3A_285 : memref<1x128x128xf32, #tpu.memory_space<vmem>> -> memref<128x128xf32, #tpu.memory_space<vmem>>
      %dma_wait3A_287 = arith.constant 0 : i32
      %dma_wait3A_288 = arith.constant 0 : i32
      %dma_wait3A_289 = tpu.memref_slice %arg2[%dma_wait3A_287, %dma_wait3A_288] : memref<10240x128xf32, #tpu.memory_space<hbm>> -> memref<128x128xf32, #tpu.memory_space<hbm>>
      tpu.wait_dma2 semaphore(%dma_wait3A_282 : memref<!tpu.dma_semaphore, #tpu.memory_space<semaphore_mem>>) src(%dma_wait3A_289 : memref<128x128xf32, #tpu.memory_space<hbm>>) dst(%dma_wait3A_286 : memref<128x128xf32, #tpu.memory_space<vmem>>)
      %dma_start3A_290 = arith.constant 1 : i32
      %dma_start3A_291 = arith.constant 3 : i32
      %dma_start3A_292 = arith.constant 1 : i32
      %dma_start3A_293 = arith.constant 0 : i32
      %dma_start3A_294 = arith.constant 0 : i32
      %dma_start3A_295 = tpu.memref_slice %arg8[%dma_start3A_290, %dma_start3A_293, %dma_start3A_294] : memref<2x128x128xf32, #tpu.memory_space<vmem>> -> memref<1x128x128xf32, #tpu.memory_space<vmem>>
      %dma_start3A_296 = tpu.memref_squeeze %dma_start3A_295 : memref<1x128x128xf32, #tpu.memory_space<vmem>> -> memref<128x128xf32, #tpu.memory_space<vmem>>
      %dma_start3A_297 = arith.constant 0 : i32
      %dma_start3A_298 = arith.constant 0 : i32
      %dma_start3A_299 = tpu.memref_slice %arg7[%rem3A_54, %dma_start3A_297, %dma_start3A_298] : memref<2x8x128xi32, #tpu.memory_space<vmem>> -> memref<1x8x128xi32, #tpu.memory_space<vmem>>
      %dma_start3A_300 = tpu.memref_squeeze %dma_start3A_299 : memref<1x8x128xi32, #tpu.memory_space<vmem>> -> memref<8x128xi32, #tpu.memory_space<vmem>>
      %dma_start3A_301 = arith.constant 0 : i32
      %dma_start3A_302 = tpu.memref_slice %dma_start3A_300[%dma_start3A_291, %dma_start3A_301] : memref<8x128xi32, #tpu.memory_space<vmem>> -> memref<1x128xi32, #tpu.memory_space<vmem>>
      %dma_start3A_303 = tpu.memref_squeeze %dma_start3A_302 : memref<1x128xi32, #tpu.memory_space<vmem>> -> memref<128xi32, #tpu.memory_space<vmem>>
      %dma_start3A_304 = arith.constant 0 : i32
      %dma_start3A_305 = arith.constant 0 : i32
      %dma_start3A_306 = tpu.memref_slice %arg12[%dma_start3A_304, %dma_start3A_305] : memref<10240x128xf32, #tpu.memory_space<vmem_shared>> -> memref<10240x128xf32, #tpu.memory_space<vmem_shared>>
      %dma_start3A_307 = tpu.memref_slice %arg10[%dma_start3A_292] : memref<2x!tpu.dma_semaphore, #tpu.memory_space<semaphore_mem>> -> memref<1x!tpu.dma_semaphore, #tpu.memory_space<semaphore_mem>>
      %dma_start3A_308 = tpu.memref_squeeze %dma_start3A_307 : memref<1x!tpu.dma_semaphore, #tpu.memory_space<semaphore_mem>> -> memref<!tpu.dma_semaphore, #tpu.memory_space<semaphore_mem>>
      tpu.enqueue_indirect_dma source(%dma_start3A_296 : memref<128x128xf32, #tpu.memory_space<vmem>>) target(%dma_start3A_306 : memref<10240x128xf32, #tpu.memory_space<vmem_shared>>) offsets(%dma_start3A_303 : memref<128xi32, #tpu.memory_space<vmem>>) semaphore(%dma_start3A_308 : memref<!tpu.dma_semaphore, #tpu.memory_space<semaphore_mem>>) {add = true}
      %dma_wait3A_309 = arith.constant 1 : i32
      %dma_wait3A_310 = arith.constant 1 : i32
      %dma_wait3A_311 = arith.constant 0 : i32
      %dma_wait3A_312 = arith.constant 0 : i32
      %dma_wait3A_313 = tpu.memref_slice %arg8[%dma_wait3A_309, %dma_wait3A_311, %dma_wait3A_312] : memref<2x128x128xf32, #tpu.memory_space<vmem>> -> memref<1x128x128xf32, #tpu.memory_space<vmem>>
      %dma_wait3A_314 = tpu.memref_squeeze %dma_wait3A_313 : memref<1x128x128xf32, #tpu.memory_space<vmem>> -> memref<128x128xf32, #tpu.memory_space<vmem>>
      %dma_wait3A_315 = arith.constant 0 : i32
      %dma_wait3A_316 = arith.constant 0 : i32
      %dma_wait3A_317 = tpu.memref_slice %arg12[%dma_wait3A_315, %dma_wait3A_316] : memref<10240x128xf32, #tpu.memory_space<vmem_shared>> -> memref<128x128xf32, #tpu.memory_space<vmem_shared>>
      %dma_wait3A_318 = tpu.memref_slice %arg10[%dma_wait3A_310] : memref<2x!tpu.dma_semaphore, #tpu.memory_space<semaphore_mem>> -> memref<1x!tpu.dma_semaphore, #tpu.memory_space<semaphore_mem>>
      %dma_wait3A_319 = tpu.memref_squeeze %dma_wait3A_318 : memref<1x!tpu.dma_semaphore, #tpu.memory_space<semaphore_mem>> -> memref<!tpu.dma_semaphore, #tpu.memory_space<semaphore_mem>>
      %dma_wait3A_320 = arith.constant 0 : i32
      %dma_wait3A_321 = arith.constant 0 : i32
      %dma_wait3A_322 = tpu.memref_slice %arg12[%dma_wait3A_320, %dma_wait3A_321] : memref<10240x128xf32, #tpu.memory_space<vmem_shared>> -> memref<128x128xf32, #tpu.memory_space<vmem_shared>>
      %dma_wait3A_323 = arith.constant 0 : i32
      %dma_wait3A_324 = arith.constant 0 : i32
      %dma_wait3A_325 = tpu.memref_slice %arg8[%dma_wait3A_309, %dma_wait3A_323, %dma_wait3A_324] : memref<2x128x128xf32, #tpu.memory_space<vmem>> -> memref<1x128x128xf32, #tpu.memory_space<vmem>>
      %dma_wait3A_326 = tpu.memref_squeeze %dma_wait3A_325 : memref<1x128x128xf32, #tpu.memory_space<vmem>> -> memref<128x128xf32, #tpu.memory_space<vmem>>
      tpu.wait_dma2 semaphore(%dma_wait3A_319 : memref<!tpu.dma_semaphore, #tpu.memory_space<semaphore_mem>>) src(%dma_wait3A_326 : memref<128x128xf32, #tpu.memory_space<vmem>>) dst(%dma_wait3A_322 : memref<128x128xf32, #tpu.memory_space<vmem_shared>>)
      %add3A_327 = arith.constant 2 : i32
      %add3A_328 = arith.addi %add3A_271, %add3A_327 : i32
      %lt3A_329 = arith.constant 80 : i32
      %lt3A_330 = arith.cmpi slt, %add3A_328, %lt3A_329 : i32
      %convert_element_type3A_331 = arith.extui %lt3A_330 : i1 to i32
      %cond3A_332 = arith.constant 0 : i32
      %cond3A_333 = arith.cmpi ne, %convert_element_type3A_331, %cond3A_332 : i32
      scf.if %cond3A_333 {
        %add3A_598 = arith.constant 2 : i32
        %add3A_599 = arith.addi %add3A_271, %add3A_598 : i32
        %dma_start3A_600 = arith.constant 1 : i32
        %dma_start3A_601 = arith.constant 1 : i32
        %dma_start3A_602 = arith.constant 0 : i32
        %dma_start3A_603 = arith.constant 0 : i32
        %dma_start3A_604 = tpu.memref_slice %arg8[%dma_start3A_600, %dma_start3A_602, %dma_start3A_603] : memref<2x128x128xf32, #tpu.memory_space<vmem>> -> memref<1x128x128xf32, #tpu.memory_space<vmem>>
        %dma_start3A_605 = tpu.memref_squeeze %dma_start3A_604 : memref<1x128x128xf32, #tpu.memory_space<vmem>> -> memref<128x128xf32, #tpu.memory_space<vmem>>
        %dma_start3A_606 = arith.constant 0 : i32
        %dma_start3A_607 = tpu.memref_slice %arg6[%add3A_599, %dma_start3A_606] : memref<80x128xi32, #tpu.memory_space<vmem>> -> memref<1x128xi32, #tpu.memory_space<vmem>>
        %dma_start3A_608 = tpu.memref_squeeze %dma_start3A_607 : memref<1x128xi32, #tpu.memory_space<vmem>> -> memref<128xi32, #tpu.memory_space<vmem>>
        %dma_start3A_609 = arith.constant 0 : i32
        %dma_start3A_610 = arith.constant 0 : i32
        %dma_start3A_611 = tpu.memref_slice %arg2[%dma_start3A_609, %dma_start3A_610] : memref<10240x128xf32, #tpu.memory_space<hbm>> -> memref<10240x128xf32, #tpu.memory_space<hbm>>
        %dma_start3A_612 = tpu.memref_slice %arg9[%dma_start3A_601] : memref<2x!tpu.dma_semaphore, #tpu.memory_space<semaphore_mem>> -> memref<1x!tpu.dma_semaphore, #tpu.memory_space<semaphore_mem>>
        %dma_start3A_613 = tpu.memref_squeeze %dma_start3A_612 : memref<1x!tpu.dma_semaphore, #tpu.memory_space<semaphore_mem>> -> memref<!tpu.dma_semaphore, #tpu.memory_space<semaphore_mem>>
        tpu.enqueue_indirect_dma source(%dma_start3A_611 : memref<10240x128xf32, #tpu.memory_space<hbm>>) target(%dma_start3A_605 : memref<128x128xf32, #tpu.memory_space<vmem>>) offsets(%dma_start3A_608 : memref<128xi32, #tpu.memory_space<vmem>>) semaphore(%dma_start3A_613 : memref<!tpu.dma_semaphore, #tpu.memory_space<semaphore_mem>>)
      } else {
      }
      %mul3A_334 = arith.constant 8 : i32
      %mul3A_335 = arith.muli %scan3A_53, %mul3A_334 : i32
      %add3A_336 = arith.constant 4 : i32
      %add3A_337 = arith.addi %mul3A_335, %add3A_336 : i32
      %dma_wait3A_338 = arith.constant 0 : i32
      %dma_wait3A_339 = arith.constant 0 : i32
      %dma_wait3A_340 = arith.constant 0 : i32
      %dma_wait3A_341 = arith.constant 0 : i32
      %dma_wait3A_342 = tpu.memref_slice %arg8[%dma_wait3A_338, %dma_wait3A_340, %dma_wait3A_341] : memref<2x128x128xf32, #tpu.memory_space<vmem>> -> memref<1x128x128xf32, #tpu.memory_space<vmem>>
      %dma_wait3A_343 = tpu.memref_squeeze %dma_wait3A_342 : memref<1x128x128xf32, #tpu.memory_space<vmem>> -> memref<128x128xf32, #tpu.memory_space<vmem>>
      %dma_wait3A_344 = arith.constant 0 : i32
      %dma_wait3A_345 = arith.constant 0 : i32
      %dma_wait3A_346 = tpu.memref_slice %arg2[%dma_wait3A_344, %dma_wait3A_345] : memref<10240x128xf32, #tpu.memory_space<hbm>> -> memref<128x128xf32, #tpu.memory_space<hbm>>
      %dma_wait3A_347 = tpu.memref_slice %arg9[%dma_wait3A_339] : memref<2x!tpu.dma_semaphore, #tpu.memory_space<semaphore_mem>> -> memref<1x!tpu.dma_semaphore, #tpu.memory_space<semaphore_mem>>
      %dma_wait3A_348 = tpu.memref_squeeze %dma_wait3A_347 : memref<1x!tpu.dma_semaphore, #tpu.memory_space<semaphore_mem>> -> memref<!tpu.dma_semaphore, #tpu.memory_space<semaphore_mem>>
      %dma_wait3A_349 = arith.constant 0 : i32
      %dma_wait3A_350 = arith.constant 0 : i32
      %dma_wait3A_351 = tpu.memref_slice %arg8[%dma_wait3A_338, %dma_wait3A_349, %dma_wait3A_350] : memref<2x128x128xf32, #tpu.memory_space<vmem>> -> memref<1x128x128xf32, #tpu.memory_space<vmem>>
      %dma_wait3A_352 = tpu.memref_squeeze %dma_wait3A_351 : memref<1x128x128xf32, #tpu.memory_space<vmem>> -> memref<128x128xf32, #tpu.memory_space<vmem>>
      %dma_wait3A_353 = arith.constant 0 : i32
      %dma_wait3A_354 = arith.constant 0 : i32
      %dma_wait3A_355 = tpu.memref_slice %arg2[%dma_wait3A_353, %dma_wait3A_354] : memref<10240x128xf32, #tpu.memory_space<hbm>> -> memref<128x128xf32, #tpu.memory_space<hbm>>
      tpu.wait_dma2 semaphore(%dma_wait3A_348 : memref<!tpu.dma_semaphore, #tpu.memory_space<semaphore_mem>>) src(%dma_wait3A_355 : memref<128x128xf32, #tpu.memory_space<hbm>>) dst(%dma_wait3A_352 : memref<128x128xf32, #tpu.memory_space<vmem>>)
      %dma_start3A_356 = arith.constant 0 : i32
      %dma_start3A_357 = arith.constant 4 : i32
      %dma_start3A_358 = arith.constant 0 : i32
      %dma_start3A_359 = arith.constant 0 : i32
      %dma_start3A_360 = arith.constant 0 : i32
      %dma_start3A_361 = tpu.memref_slice %arg8[%dma_start3A_356, %dma_start3A_359, %dma_start3A_360] : memref<2x128x128xf32, #tpu.memory_space<vmem>> -> memref<1x128x128xf32, #tpu.memory_space<vmem>>
      %dma_start3A_362 = tpu.memref_squeeze %dma_start3A_361 : memref<1x128x128xf32, #tpu.memory_space<vmem>> -> memref<128x128xf32, #tpu.memory_space<vmem>>
      %dma_start3A_363 = arith.constant 0 : i32
      %dma_start3A_364 = arith.constant 0 : i32
      %dma_start3A_365 = tpu.memref_slice %arg7[%rem3A_54, %dma_start3A_363, %dma_start3A_364] : memref<2x8x128xi32, #tpu.memory_space<vmem>> -> memref<1x8x128xi32, #tpu.memory_space<vmem>>
      %dma_start3A_366 = tpu.memref_squeeze %dma_start3A_365 : memref<1x8x128xi32, #tpu.memory_space<vmem>> -> memref<8x128xi32, #tpu.memory_space<vmem>>
      %dma_start3A_367 = arith.constant 0 : i32
      %dma_start3A_368 = tpu.memref_slice %dma_start3A_366[%dma_start3A_357, %dma_start3A_367] : memref<8x128xi32, #tpu.memory_space<vmem>> -> memref<1x128xi32, #tpu.memory_space<vmem>>
      %dma_start3A_369 = tpu.memref_squeeze %dma_start3A_368 : memref<1x128xi32, #tpu.memory_space<vmem>> -> memref<128xi32, #tpu.memory_space<vmem>>
      %dma_start3A_370 = arith.constant 0 : i32
      %dma_start3A_371 = arith.constant 0 : i32
      %dma_start3A_372 = tpu.memref_slice %arg12[%dma_start3A_370, %dma_start3A_371] : memref<10240x128xf32, #tpu.memory_space<vmem_shared>> -> memref<10240x128xf32, #tpu.memory_space<vmem_shared>>
      %dma_start3A_373 = tpu.memref_slice %arg10[%dma_start3A_358] : memref<2x!tpu.dma_semaphore, #tpu.memory_space<semaphore_mem>> -> memref<1x!tpu.dma_semaphore, #tpu.memory_space<semaphore_mem>>
      %dma_start3A_374 = tpu.memref_squeeze %dma_start3A_373 : memref<1x!tpu.dma_semaphore, #tpu.memory_space<semaphore_mem>> -> memref<!tpu.dma_semaphore, #tpu.memory_space<semaphore_mem>>
      tpu.enqueue_indirect_dma source(%dma_start3A_362 : memref<128x128xf32, #tpu.memory_space<vmem>>) target(%dma_start3A_372 : memref<10240x128xf32, #tpu.memory_space<vmem_shared>>) offsets(%dma_start3A_369 : memref<128xi32, #tpu.memory_space<vmem>>) semaphore(%dma_start3A_374 : memref<!tpu.dma_semaphore, #tpu.memory_space<semaphore_mem>>) {add = true}
      %dma_wait3A_375 = arith.constant 0 : i32
      %dma_wait3A_376 = arith.constant 0 : i32
      %dma_wait3A_377 = arith.constant 0 : i32
      %dma_wait3A_378 = arith.constant 0 : i32
      %dma_wait3A_379 = tpu.memref_slice %arg8[%dma_wait3A_375, %dma_wait3A_377, %dma_wait3A_378] : memref<2x128x128xf32, #tpu.memory_space<vmem>> -> memref<1x128x128xf32, #tpu.memory_space<vmem>>
      %dma_wait3A_380 = tpu.memref_squeeze %dma_wait3A_379 : memref<1x128x128xf32, #tpu.memory_space<vmem>> -> memref<128x128xf32, #tpu.memory_space<vmem>>
      %dma_wait3A_381 = arith.constant 0 : i32
      %dma_wait3A_382 = arith.constant 0 : i32
      %dma_wait3A_383 = tpu.memref_slice %arg12[%dma_wait3A_381, %dma_wait3A_382] : memref<10240x128xf32, #tpu.memory_space<vmem_shared>> -> memref<128x128xf32, #tpu.memory_space<vmem_shared>>
      %dma_wait3A_384 = tpu.memref_slice %arg10[%dma_wait3A_376] : memref<2x!tpu.dma_semaphore, #tpu.memory_space<semaphore_mem>> -> memref<1x!tpu.dma_semaphore, #tpu.memory_space<semaphore_mem>>
      %dma_wait3A_385 = tpu.memref_squeeze %dma_wait3A_384 : memref<1x!tpu.dma_semaphore, #tpu.memory_space<semaphore_mem>> -> memref<!tpu.dma_semaphore, #tpu.memory_space<semaphore_mem>>
      %dma_wait3A_386 = arith.constant 0 : i32
      %dma_wait3A_387 = arith.constant 0 : i32
      %dma_wait3A_388 = tpu.memref_slice %arg12[%dma_wait3A_386, %dma_wait3A_387] : memref<10240x128xf32, #tpu.memory_space<vmem_shared>> -> memref<128x128xf32, #tpu.memory_space<vmem_shared>>
      %dma_wait3A_389 = arith.constant 0 : i32
      %dma_wait3A_390 = arith.constant 0 : i32
      %dma_wait3A_391 = tpu.memref_slice %arg8[%dma_wait3A_375, %dma_wait3A_389, %dma_wait3A_390] : memref<2x128x128xf32, #tpu.memory_space<vmem>> -> memref<1x128x128xf32, #tpu.memory_space<vmem>>
      %dma_wait3A_392 = tpu.memref_squeeze %dma_wait3A_391 : memref<1x128x128xf32, #tpu.memory_space<vmem>> -> memref<128x128xf32, #tpu.memory_space<vmem>>
      tpu.wait_dma2 semaphore(%dma_wait3A_385 : memref<!tpu.dma_semaphore, #tpu.memory_space<semaphore_mem>>) src(%dma_wait3A_392 : memref<128x128xf32, #tpu.memory_space<vmem>>) dst(%dma_wait3A_388 : memref<128x128xf32, #tpu.memory_space<vmem_shared>>)
      %add3A_393 = arith.constant 2 : i32
      %add3A_394 = arith.addi %add3A_337, %add3A_393 : i32
      %lt3A_395 = arith.constant 80 : i32
      %lt3A_396 = arith.cmpi slt, %add3A_394, %lt3A_395 : i32
      %convert_element_type3A_397 = arith.extui %lt3A_396 : i1 to i32
      %cond3A_398 = arith.constant 0 : i32
      %cond3A_399 = arith.cmpi ne, %convert_element_type3A_397, %cond3A_398 : i32
      scf.if %cond3A_399 {
        %add3A_598 = arith.constant 2 : i32
        %add3A_599 = arith.addi %add3A_337, %add3A_598 : i32
        %dma_start3A_600 = arith.constant 0 : i32
        %dma_start3A_601 = arith.constant 0 : i32
        %dma_start3A_602 = arith.constant 0 : i32
        %dma_start3A_603 = arith.constant 0 : i32
        %dma_start3A_604 = tpu.memref_slice %arg8[%dma_start3A_600, %dma_start3A_602, %dma_start3A_603] : memref<2x128x128xf32, #tpu.memory_space<vmem>> -> memref<1x128x128xf32, #tpu.memory_space<vmem>>
        %dma_start3A_605 = tpu.memref_squeeze %dma_start3A_604 : memref<1x128x128xf32, #tpu.memory_space<vmem>> -> memref<128x128xf32, #tpu.memory_space<vmem>>
        %dma_start3A_606 = arith.constant 0 : i32
        %dma_start3A_607 = tpu.memref_slice %arg6[%add3A_599, %dma_start3A_606] : memref<80x128xi32, #tpu.memory_space<vmem>> -> memref<1x128xi32, #tpu.memory_space<vmem>>
        %dma_start3A_608 = tpu.memref_squeeze %dma_start3A_607 : memref<1x128xi32, #tpu.memory_space<vmem>> -> memref<128xi32, #tpu.memory_space<vmem>>
        %dma_start3A_609 = arith.constant 0 : i32
        %dma_start3A_610 = arith.constant 0 : i32
        %dma_start3A_611 = tpu.memref_slice %arg2[%dma_start3A_609, %dma_start3A_610] : memref<10240x128xf32, #tpu.memory_space<hbm>> -> memref<10240x128xf32, #tpu.memory_space<hbm>>
        %dma_start3A_612 = tpu.memref_slice %arg9[%dma_start3A_601] : memref<2x!tpu.dma_semaphore, #tpu.memory_space<semaphore_mem>> -> memref<1x!tpu.dma_semaphore, #tpu.memory_space<semaphore_mem>>
        %dma_start3A_613 = tpu.memref_squeeze %dma_start3A_612 : memref<1x!tpu.dma_semaphore, #tpu.memory_space<semaphore_mem>> -> memref<!tpu.dma_semaphore, #tpu.memory_space<semaphore_mem>>
        tpu.enqueue_indirect_dma source(%dma_start3A_611 : memref<10240x128xf32, #tpu.memory_space<hbm>>) target(%dma_start3A_605 : memref<128x128xf32, #tpu.memory_space<vmem>>) offsets(%dma_start3A_608 : memref<128xi32, #tpu.memory_space<vmem>>) semaphore(%dma_start3A_613 : memref<!tpu.dma_semaphore, #tpu.memory_space<semaphore_mem>>)
      } else {
      }
      %mul3A_400 = arith.constant 8 : i32
      %mul3A_401 = arith.muli %scan3A_53, %mul3A_400 : i32
      %add3A_402 = arith.constant 5 : i32
      %add3A_403 = arith.addi %mul3A_401, %add3A_402 : i32
      %dma_wait3A_404 = arith.constant 1 : i32
      %dma_wait3A_405 = arith.constant 1 : i32
      %dma_wait3A_406 = arith.constant 0 : i32
      %dma_wait3A_407 = arith.constant 0 : i32
      %dma_wait3A_408 = tpu.memref_slice %arg8[%dma_wait3A_404, %dma_wait3A_406, %dma_wait3A_407] : memref<2x128x128xf32, #tpu.memory_space<vmem>> -> memref<1x128x128xf32, #tpu.memory_space<vmem>>
      %dma_wait3A_409 = tpu.memref_squeeze %dma_wait3A_408 : memref<1x128x128xf32, #tpu.memory_space<vmem>> -> memref<128x128xf32, #tpu.memory_space<vmem>>
      %dma_wait3A_410 = arith.constant 0 : i32
      %dma_wait3A_411 = arith.constant 0 : i32
      %dma_wait3A_412 = tpu.memref_slice %arg2[%dma_wait3A_410, %dma_wait3A_411] : memref<10240x128xf32, #tpu.memory_space<hbm>> -> memref<128x128xf32, #tpu.memory_space<hbm>>
      %dma_wait3A_413 = tpu.memref_slice %arg9[%dma_wait3A_405] : memref<2x!tpu.dma_semaphore, #tpu.memory_space<semaphore_mem>> -> memref<1x!tpu.dma_semaphore, #tpu.memory_space<semaphore_mem>>
      %dma_wait3A_414 = tpu.memref_squeeze %dma_wait3A_413 : memref<1x!tpu.dma_semaphore, #tpu.memory_space<semaphore_mem>> -> memref<!tpu.dma_semaphore, #tpu.memory_space<semaphore_mem>>
      %dma_wait3A_415 = arith.constant 0 : i32
      %dma_wait3A_416 = arith.constant 0 : i32
      %dma_wait3A_417 = tpu.memref_slice %arg8[%dma_wait3A_404, %dma_wait3A_415, %dma_wait3A_416] : memref<2x128x128xf32, #tpu.memory_space<vmem>> -> memref<1x128x128xf32, #tpu.memory_space<vmem>>
      %dma_wait3A_418 = tpu.memref_squeeze %dma_wait3A_417 : memref<1x128x128xf32, #tpu.memory_space<vmem>> -> memref<128x128xf32, #tpu.memory_space<vmem>>
      %dma_wait3A_419 = arith.constant 0 : i32
      %dma_wait3A_420 = arith.constant 0 : i32
      %dma_wait3A_421 = tpu.memref_slice %arg2[%dma_wait3A_419, %dma_wait3A_420] : memref<10240x128xf32, #tpu.memory_space<hbm>> -> memref<128x128xf32, #tpu.memory_space<hbm>>
      tpu.wait_dma2 semaphore(%dma_wait3A_414 : memref<!tpu.dma_semaphore, #tpu.memory_space<semaphore_mem>>) src(%dma_wait3A_421 : memref<128x128xf32, #tpu.memory_space<hbm>>) dst(%dma_wait3A_418 : memref<128x128xf32, #tpu.memory_space<vmem>>)
      %dma_start3A_422 = arith.constant 1 : i32
      %dma_start3A_423 = arith.constant 5 : i32
      %dma_start3A_424 = arith.constant 1 : i32
      %dma_start3A_425 = arith.constant 0 : i32
      %dma_start3A_426 = arith.constant 0 : i32
      %dma_start3A_427 = tpu.memref_slice %arg8[%dma_start3A_422, %dma_start3A_425, %dma_start3A_426] : memref<2x128x128xf32, #tpu.memory_space<vmem>> -> memref<1x128x128xf32, #tpu.memory_space<vmem>>
      %dma_start3A_428 = tpu.memref_squeeze %dma_start3A_427 : memref<1x128x128xf32, #tpu.memory_space<vmem>> -> memref<128x128xf32, #tpu.memory_space<vmem>>
      %dma_start3A_429 = arith.constant 0 : i32
      %dma_start3A_430 = arith.constant 0 : i32
      %dma_start3A_431 = tpu.memref_slice %arg7[%rem3A_54, %dma_start3A_429, %dma_start3A_430] : memref<2x8x128xi32, #tpu.memory_space<vmem>> -> memref<1x8x128xi32, #tpu.memory_space<vmem>>
      %dma_start3A_432 = tpu.memref_squeeze %dma_start3A_431 : memref<1x8x128xi32, #tpu.memory_space<vmem>> -> memref<8x128xi32, #tpu.memory_space<vmem>>
      %dma_start3A_433 = arith.constant 0 : i32
      %dma_start3A_434 = tpu.memref_slice %dma_start3A_432[%dma_start3A_423, %dma_start3A_433] : memref<8x128xi32, #tpu.memory_space<vmem>> -> memref<1x128xi32, #tpu.memory_space<vmem>>
      %dma_start3A_435 = tpu.memref_squeeze %dma_start3A_434 : memref<1x128xi32, #tpu.memory_space<vmem>> -> memref<128xi32, #tpu.memory_space<vmem>>
      %dma_start3A_436 = arith.constant 0 : i32
      %dma_start3A_437 = arith.constant 0 : i32
      %dma_start3A_438 = tpu.memref_slice %arg12[%dma_start3A_436, %dma_start3A_437] : memref<10240x128xf32, #tpu.memory_space<vmem_shared>> -> memref<10240x128xf32, #tpu.memory_space<vmem_shared>>
      %dma_start3A_439 = tpu.memref_slice %arg10[%dma_start3A_424] : memref<2x!tpu.dma_semaphore, #tpu.memory_space<semaphore_mem>> -> memref<1x!tpu.dma_semaphore, #tpu.memory_space<semaphore_mem>>
      %dma_start3A_440 = tpu.memref_squeeze %dma_start3A_439 : memref<1x!tpu.dma_semaphore, #tpu.memory_space<semaphore_mem>> -> memref<!tpu.dma_semaphore, #tpu.memory_space<semaphore_mem>>
      tpu.enqueue_indirect_dma source(%dma_start3A_428 : memref<128x128xf32, #tpu.memory_space<vmem>>) target(%dma_start3A_438 : memref<10240x128xf32, #tpu.memory_space<vmem_shared>>) offsets(%dma_start3A_435 : memref<128xi32, #tpu.memory_space<vmem>>) semaphore(%dma_start3A_440 : memref<!tpu.dma_semaphore, #tpu.memory_space<semaphore_mem>>) {add = true}
      %dma_wait3A_441 = arith.constant 1 : i32
      %dma_wait3A_442 = arith.constant 1 : i32
      %dma_wait3A_443 = arith.constant 0 : i32
      %dma_wait3A_444 = arith.constant 0 : i32
      %dma_wait3A_445 = tpu.memref_slice %arg8[%dma_wait3A_441, %dma_wait3A_443, %dma_wait3A_444] : memref<2x128x128xf32, #tpu.memory_space<vmem>> -> memref<1x128x128xf32, #tpu.memory_space<vmem>>
      %dma_wait3A_446 = tpu.memref_squeeze %dma_wait3A_445 : memref<1x128x128xf32, #tpu.memory_space<vmem>> -> memref<128x128xf32, #tpu.memory_space<vmem>>
      %dma_wait3A_447 = arith.constant 0 : i32
      %dma_wait3A_448 = arith.constant 0 : i32
      %dma_wait3A_449 = tpu.memref_slice %arg12[%dma_wait3A_447, %dma_wait3A_448] : memref<10240x128xf32, #tpu.memory_space<vmem_shared>> -> memref<128x128xf32, #tpu.memory_space<vmem_shared>>
      %dma_wait3A_450 = tpu.memref_slice %arg10[%dma_wait3A_442] : memref<2x!tpu.dma_semaphore, #tpu.memory_space<semaphore_mem>> -> memref<1x!tpu.dma_semaphore, #tpu.memory_space<semaphore_mem>>
      %dma_wait3A_451 = tpu.memref_squeeze %dma_wait3A_450 : memref<1x!tpu.dma_semaphore, #tpu.memory_space<semaphore_mem>> -> memref<!tpu.dma_semaphore, #tpu.memory_space<semaphore_mem>>
      %dma_wait3A_452 = arith.constant 0 : i32
      %dma_wait3A_453 = arith.constant 0 : i32
      %dma_wait3A_454 = tpu.memref_slice %arg12[%dma_wait3A_452, %dma_wait3A_453] : memref<10240x128xf32, #tpu.memory_space<vmem_shared>> -> memref<128x128xf32, #tpu.memory_space<vmem_shared>>
      %dma_wait3A_455 = arith.constant 0 : i32
      %dma_wait3A_456 = arith.constant 0 : i32
      %dma_wait3A_457 = tpu.memref_slice %arg8[%dma_wait3A_441, %dma_wait3A_455, %dma_wait3A_456] : memref<2x128x128xf32, #tpu.memory_space<vmem>> -> memref<1x128x128xf32, #tpu.memory_space<vmem>>
      %dma_wait3A_458 = tpu.memref_squeeze %dma_wait3A_457 : memref<1x128x128xf32, #tpu.memory_space<vmem>> -> memref<128x128xf32, #tpu.memory_space<vmem>>
      tpu.wait_dma2 semaphore(%dma_wait3A_451 : memref<!tpu.dma_semaphore, #tpu.memory_space<semaphore_mem>>) src(%dma_wait3A_458 : memref<128x128xf32, #tpu.memory_space<vmem>>) dst(%dma_wait3A_454 : memref<128x128xf32, #tpu.memory_space<vmem_shared>>)
      %add3A_459 = arith.constant 2 : i32
      %add3A_460 = arith.addi %add3A_403, %add3A_459 : i32
      %lt3A_461 = arith.constant 80 : i32
      %lt3A_462 = arith.cmpi slt, %add3A_460, %lt3A_461 : i32
      %convert_element_type3A_463 = arith.extui %lt3A_462 : i1 to i32
      %cond3A_464 = arith.constant 0 : i32
      %cond3A_465 = arith.cmpi ne, %convert_element_type3A_463, %cond3A_464 : i32
      scf.if %cond3A_465 {
        %add3A_598 = arith.constant 2 : i32
        %add3A_599 = arith.addi %add3A_403, %add3A_598 : i32
        %dma_start3A_600 = arith.constant 1 : i32
        %dma_start3A_601 = arith.constant 1 : i32
        %dma_start3A_602 = arith.constant 0 : i32
        %dma_start3A_603 = arith.constant 0 : i32
        %dma_start3A_604 = tpu.memref_slice %arg8[%dma_start3A_600, %dma_start3A_602, %dma_start3A_603] : memref<2x128x128xf32, #tpu.memory_space<vmem>> -> memref<1x128x128xf32, #tpu.memory_space<vmem>>
        %dma_start3A_605 = tpu.memref_squeeze %dma_start3A_604 : memref<1x128x128xf32, #tpu.memory_space<vmem>> -> memref<128x128xf32, #tpu.memory_space<vmem>>
        %dma_start3A_606 = arith.constant 0 : i32
        %dma_start3A_607 = tpu.memref_slice %arg6[%add3A_599, %dma_start3A_606] : memref<80x128xi32, #tpu.memory_space<vmem>> -> memref<1x128xi32, #tpu.memory_space<vmem>>
        %dma_start3A_608 = tpu.memref_squeeze %dma_start3A_607 : memref<1x128xi32, #tpu.memory_space<vmem>> -> memref<128xi32, #tpu.memory_space<vmem>>
        %dma_start3A_609 = arith.constant 0 : i32
        %dma_start3A_610 = arith.constant 0 : i32
        %dma_start3A_611 = tpu.memref_slice %arg2[%dma_start3A_609, %dma_start3A_610] : memref<10240x128xf32, #tpu.memory_space<hbm>> -> memref<10240x128xf32, #tpu.memory_space<hbm>>
        %dma_start3A_612 = tpu.memref_slice %arg9[%dma_start3A_601] : memref<2x!tpu.dma_semaphore, #tpu.memory_space<semaphore_mem>> -> memref<1x!tpu.dma_semaphore, #tpu.memory_space<semaphore_mem>>
        %dma_start3A_613 = tpu.memref_squeeze %dma_start3A_612 : memref<1x!tpu.dma_semaphore, #tpu.memory_space<semaphore_mem>> -> memref<!tpu.dma_semaphore, #tpu.memory_space<semaphore_mem>>
        tpu.enqueue_indirect_dma source(%dma_start3A_611 : memref<10240x128xf32, #tpu.memory_space<hbm>>) target(%dma_start3A_605 : memref<128x128xf32, #tpu.memory_space<vmem>>) offsets(%dma_start3A_608 : memref<128xi32, #tpu.memory_space<vmem>>) semaphore(%dma_start3A_613 : memref<!tpu.dma_semaphore, #tpu.memory_space<semaphore_mem>>)
      } else {
      }
      %mul3A_466 = arith.constant 8 : i32
      %mul3A_467 = arith.muli %scan3A_53, %mul3A_466 : i32
      %add3A_468 = arith.constant 6 : i32
      %add3A_469 = arith.addi %mul3A_467, %add3A_468 : i32
      %dma_wait3A_470 = arith.constant 0 : i32
      %dma_wait3A_471 = arith.constant 0 : i32
      %dma_wait3A_472 = arith.constant 0 : i32
      %dma_wait3A_473 = arith.constant 0 : i32
      %dma_wait3A_474 = tpu.memref_slice %arg8[%dma_wait3A_470, %dma_wait3A_472, %dma_wait3A_473] : memref<2x128x128xf32, #tpu.memory_space<vmem>> -> memref<1x128x128xf32, #tpu.memory_space<vmem>>
      %dma_wait3A_475 = tpu.memref_squeeze %dma_wait3A_474 : memref<1x128x128xf32, #tpu.memory_space<vmem>> -> memref<128x128xf32, #tpu.memory_space<vmem>>
      %dma_wait3A_476 = arith.constant 0 : i32
      %dma_wait3A_477 = arith.constant 0 : i32
      %dma_wait3A_478 = tpu.memref_slice %arg2[%dma_wait3A_476, %dma_wait3A_477] : memref<10240x128xf32, #tpu.memory_space<hbm>> -> memref<128x128xf32, #tpu.memory_space<hbm>>
      %dma_wait3A_479 = tpu.memref_slice %arg9[%dma_wait3A_471] : memref<2x!tpu.dma_semaphore, #tpu.memory_space<semaphore_mem>> -> memref<1x!tpu.dma_semaphore, #tpu.memory_space<semaphore_mem>>
      %dma_wait3A_480 = tpu.memref_squeeze %dma_wait3A_479 : memref<1x!tpu.dma_semaphore, #tpu.memory_space<semaphore_mem>> -> memref<!tpu.dma_semaphore, #tpu.memory_space<semaphore_mem>>
      %dma_wait3A_481 = arith.constant 0 : i32
      %dma_wait3A_482 = arith.constant 0 : i32
      %dma_wait3A_483 = tpu.memref_slice %arg8[%dma_wait3A_470, %dma_wait3A_481, %dma_wait3A_482] : memref<2x128x128xf32, #tpu.memory_space<vmem>> -> memref<1x128x128xf32, #tpu.memory_space<vmem>>
      %dma_wait3A_484 = tpu.memref_squeeze %dma_wait3A_483 : memref<1x128x128xf32, #tpu.memory_space<vmem>> -> memref<128x128xf32, #tpu.memory_space<vmem>>
      %dma_wait3A_485 = arith.constant 0 : i32
      %dma_wait3A_486 = arith.constant 0 : i32
      %dma_wait3A_487 = tpu.memref_slice %arg2[%dma_wait3A_485, %dma_wait3A_486] : memref<10240x128xf32, #tpu.memory_space<hbm>> -> memref<128x128xf32, #tpu.memory_space<hbm>>
      tpu.wait_dma2 semaphore(%dma_wait3A_480 : memref<!tpu.dma_semaphore, #tpu.memory_space<semaphore_mem>>) src(%dma_wait3A_487 : memref<128x128xf32, #tpu.memory_space<hbm>>) dst(%dma_wait3A_484 : memref<128x128xf32, #tpu.memory_space<vmem>>)
      %dma_start3A_488 = arith.constant 0 : i32
      %dma_start3A_489 = arith.constant 6 : i32
      %dma_start3A_490 = arith.constant 0 : i32
      %dma_start3A_491 = arith.constant 0 : i32
      %dma_start3A_492 = arith.constant 0 : i32
      %dma_start3A_493 = tpu.memref_slice %arg8[%dma_start3A_488, %dma_start3A_491, %dma_start3A_492] : memref<2x128x128xf32, #tpu.memory_space<vmem>> -> memref<1x128x128xf32, #tpu.memory_space<vmem>>
      %dma_start3A_494 = tpu.memref_squeeze %dma_start3A_493 : memref<1x128x128xf32, #tpu.memory_space<vmem>> -> memref<128x128xf32, #tpu.memory_space<vmem>>
      %dma_start3A_495 = arith.constant 0 : i32
      %dma_start3A_496 = arith.constant 0 : i32
      %dma_start3A_497 = tpu.memref_slice %arg7[%rem3A_54, %dma_start3A_495, %dma_start3A_496] : memref<2x8x128xi32, #tpu.memory_space<vmem>> -> memref<1x8x128xi32, #tpu.memory_space<vmem>>
      %dma_start3A_498 = tpu.memref_squeeze %dma_start3A_497 : memref<1x8x128xi32, #tpu.memory_space<vmem>> -> memref<8x128xi32, #tpu.memory_space<vmem>>
      %dma_start3A_499 = arith.constant 0 : i32
      %dma_start3A_500 = tpu.memref_slice %dma_start3A_498[%dma_start3A_489, %dma_start3A_499] : memref<8x128xi32, #tpu.memory_space<vmem>> -> memref<1x128xi32, #tpu.memory_space<vmem>>
      %dma_start3A_501 = tpu.memref_squeeze %dma_start3A_500 : memref<1x128xi32, #tpu.memory_space<vmem>> -> memref<128xi32, #tpu.memory_space<vmem>>
      %dma_start3A_502 = arith.constant 0 : i32
      %dma_start3A_503 = arith.constant 0 : i32
      %dma_start3A_504 = tpu.memref_slice %arg12[%dma_start3A_502, %dma_start3A_503] : memref<10240x128xf32, #tpu.memory_space<vmem_shared>> -> memref<10240x128xf32, #tpu.memory_space<vmem_shared>>
      %dma_start3A_505 = tpu.memref_slice %arg10[%dma_start3A_490] : memref<2x!tpu.dma_semaphore, #tpu.memory_space<semaphore_mem>> -> memref<1x!tpu.dma_semaphore, #tpu.memory_space<semaphore_mem>>
      %dma_start3A_506 = tpu.memref_squeeze %dma_start3A_505 : memref<1x!tpu.dma_semaphore, #tpu.memory_space<semaphore_mem>> -> memref<!tpu.dma_semaphore, #tpu.memory_space<semaphore_mem>>
      tpu.enqueue_indirect_dma source(%dma_start3A_494 : memref<128x128xf32, #tpu.memory_space<vmem>>) target(%dma_start3A_504 : memref<10240x128xf32, #tpu.memory_space<vmem_shared>>) offsets(%dma_start3A_501 : memref<128xi32, #tpu.memory_space<vmem>>) semaphore(%dma_start3A_506 : memref<!tpu.dma_semaphore, #tpu.memory_space<semaphore_mem>>) {add = true}
      %dma_wait3A_507 = arith.constant 0 : i32
      %dma_wait3A_508 = arith.constant 0 : i32
      %dma_wait3A_509 = arith.constant 0 : i32
      %dma_wait3A_510 = arith.constant 0 : i32
      %dma_wait3A_511 = tpu.memref_slice %arg8[%dma_wait3A_507, %dma_wait3A_509, %dma_wait3A_510] : memref<2x128x128xf32, #tpu.memory_space<vmem>> -> memref<1x128x128xf32, #tpu.memory_space<vmem>>
      %dma_wait3A_512 = tpu.memref_squeeze %dma_wait3A_511 : memref<1x128x128xf32, #tpu.memory_space<vmem>> -> memref<128x128xf32, #tpu.memory_space<vmem>>
      %dma_wait3A_513 = arith.constant 0 : i32
      %dma_wait3A_514 = arith.constant 0 : i32
      %dma_wait3A_515 = tpu.memref_slice %arg12[%dma_wait3A_513, %dma_wait3A_514] : memref<10240x128xf32, #tpu.memory_space<vmem_shared>> -> memref<128x128xf32, #tpu.memory_space<vmem_shared>>
      %dma_wait3A_516 = tpu.memref_slice %arg10[%dma_wait3A_508] : memref<2x!tpu.dma_semaphore, #tpu.memory_space<semaphore_mem>> -> memref<1x!tpu.dma_semaphore, #tpu.memory_space<semaphore_mem>>
      %dma_wait3A_517 = tpu.memref_squeeze %dma_wait3A_516 : memref<1x!tpu.dma_semaphore, #tpu.memory_space<semaphore_mem>> -> memref<!tpu.dma_semaphore, #tpu.memory_space<semaphore_mem>>
      %dma_wait3A_518 = arith.constant 0 : i32
      %dma_wait3A_519 = arith.constant 0 : i32
      %dma_wait3A_520 = tpu.memref_slice %arg12[%dma_wait3A_518, %dma_wait3A_519] : memref<10240x128xf32, #tpu.memory_space<vmem_shared>> -> memref<128x128xf32, #tpu.memory_space<vmem_shared>>
      %dma_wait3A_521 = arith.constant 0 : i32
      %dma_wait3A_522 = arith.constant 0 : i32
      %dma_wait3A_523 = tpu.memref_slice %arg8[%dma_wait3A_507, %dma_wait3A_521, %dma_wait3A_522] : memref<2x128x128xf32, #tpu.memory_space<vmem>> -> memref<1x128x128xf32, #tpu.memory_space<vmem>>
      %dma_wait3A_524 = tpu.memref_squeeze %dma_wait3A_523 : memref<1x128x128xf32, #tpu.memory_space<vmem>> -> memref<128x128xf32, #tpu.memory_space<vmem>>
      tpu.wait_dma2 semaphore(%dma_wait3A_517 : memref<!tpu.dma_semaphore, #tpu.memory_space<semaphore_mem>>) src(%dma_wait3A_524 : memref<128x128xf32, #tpu.memory_space<vmem>>) dst(%dma_wait3A_520 : memref<128x128xf32, #tpu.memory_space<vmem_shared>>)
      %add3A_525 = arith.constant 2 : i32
      %add3A_526 = arith.addi %add3A_469, %add3A_525 : i32
      %lt3A_527 = arith.constant 80 : i32
      %lt3A_528 = arith.cmpi slt, %add3A_526, %lt3A_527 : i32
      %convert_element_type3A_529 = arith.extui %lt3A_528 : i1 to i32
      %cond3A_530 = arith.constant 0 : i32
      %cond3A_531 = arith.cmpi ne, %convert_element_type3A_529, %cond3A_530 : i32
      scf.if %cond3A_531 {
        %add3A_598 = arith.constant 2 : i32
        %add3A_599 = arith.addi %add3A_469, %add3A_598 : i32
        %dma_start3A_600 = arith.constant 0 : i32
        %dma_start3A_601 = arith.constant 0 : i32
        %dma_start3A_602 = arith.constant 0 : i32
        %dma_start3A_603 = arith.constant 0 : i32
        %dma_start3A_604 = tpu.memref_slice %arg8[%dma_start3A_600, %dma_start3A_602, %dma_start3A_603] : memref<2x128x128xf32, #tpu.memory_space<vmem>> -> memref<1x128x128xf32, #tpu.memory_space<vmem>>
        %dma_start3A_605 = tpu.memref_squeeze %dma_start3A_604 : memref<1x128x128xf32, #tpu.memory_space<vmem>> -> memref<128x128xf32, #tpu.memory_space<vmem>>
        %dma_start3A_606 = arith.constant 0 : i32
        %dma_start3A_607 = tpu.memref_slice %arg6[%add3A_599, %dma_start3A_606] : memref<80x128xi32, #tpu.memory_space<vmem>> -> memref<1x128xi32, #tpu.memory_space<vmem>>
        %dma_start3A_608 = tpu.memref_squeeze %dma_start3A_607 : memref<1x128xi32, #tpu.memory_space<vmem>> -> memref<128xi32, #tpu.memory_space<vmem>>
        %dma_start3A_609 = arith.constant 0 : i32
        %dma_start3A_610 = arith.constant 0 : i32
        %dma_start3A_611 = tpu.memref_slice %arg2[%dma_start3A_609, %dma_start3A_610] : memref<10240x128xf32, #tpu.memory_space<hbm>> -> memref<10240x128xf32, #tpu.memory_space<hbm>>
        %dma_start3A_612 = tpu.memref_slice %arg9[%dma_start3A_601] : memref<2x!tpu.dma_semaphore, #tpu.memory_space<semaphore_mem>> -> memref<1x!tpu.dma_semaphore, #tpu.memory_space<semaphore_mem>>
        %dma_start3A_613 = tpu.memref_squeeze %dma_start3A_612 : memref<1x!tpu.dma_semaphore, #tpu.memory_space<semaphore_mem>> -> memref<!tpu.dma_semaphore, #tpu.memory_space<semaphore_mem>>
        tpu.enqueue_indirect_dma source(%dma_start3A_611 : memref<10240x128xf32, #tpu.memory_space<hbm>>) target(%dma_start3A_605 : memref<128x128xf32, #tpu.memory_space<vmem>>) offsets(%dma_start3A_608 : memref<128xi32, #tpu.memory_space<vmem>>) semaphore(%dma_start3A_613 : memref<!tpu.dma_semaphore, #tpu.memory_space<semaphore_mem>>)
      } else {
      }
      %mul3A_532 = arith.constant 8 : i32
      %mul3A_533 = arith.muli %scan3A_53, %mul3A_532 : i32
      %add3A_534 = arith.constant 7 : i32
      %add3A_535 = arith.addi %mul3A_533, %add3A_534 : i32
      %dma_wait3A_536 = arith.constant 1 : i32
      %dma_wait3A_537 = arith.constant 1 : i32
      %dma_wait3A_538 = arith.constant 0 : i32
      %dma_wait3A_539 = arith.constant 0 : i32
      %dma_wait3A_540 = tpu.memref_slice %arg8[%dma_wait3A_536, %dma_wait3A_538, %dma_wait3A_539] : memref<2x128x128xf32, #tpu.memory_space<vmem>> -> memref<1x128x128xf32, #tpu.memory_space<vmem>>
      %dma_wait3A_541 = tpu.memref_squeeze %dma_wait3A_540 : memref<1x128x128xf32, #tpu.memory_space<vmem>> -> memref<128x128xf32, #tpu.memory_space<vmem>>
      %dma_wait3A_542 = arith.constant 0 : i32
      %dma_wait3A_543 = arith.constant 0 : i32
      %dma_wait3A_544 = tpu.memref_slice %arg2[%dma_wait3A_542, %dma_wait3A_543] : memref<10240x128xf32, #tpu.memory_space<hbm>> -> memref<128x128xf32, #tpu.memory_space<hbm>>
      %dma_wait3A_545 = tpu.memref_slice %arg9[%dma_wait3A_537] : memref<2x!tpu.dma_semaphore, #tpu.memory_space<semaphore_mem>> -> memref<1x!tpu.dma_semaphore, #tpu.memory_space<semaphore_mem>>
      %dma_wait3A_546 = tpu.memref_squeeze %dma_wait3A_545 : memref<1x!tpu.dma_semaphore, #tpu.memory_space<semaphore_mem>> -> memref<!tpu.dma_semaphore, #tpu.memory_space<semaphore_mem>>
      %dma_wait3A_547 = arith.constant 0 : i32
      %dma_wait3A_548 = arith.constant 0 : i32
      %dma_wait3A_549 = tpu.memref_slice %arg8[%dma_wait3A_536, %dma_wait3A_547, %dma_wait3A_548] : memref<2x128x128xf32, #tpu.memory_space<vmem>> -> memref<1x128x128xf32, #tpu.memory_space<vmem>>
      %dma_wait3A_550 = tpu.memref_squeeze %dma_wait3A_549 : memref<1x128x128xf32, #tpu.memory_space<vmem>> -> memref<128x128xf32, #tpu.memory_space<vmem>>
      %dma_wait3A_551 = arith.constant 0 : i32
      %dma_wait3A_552 = arith.constant 0 : i32
      %dma_wait3A_553 = tpu.memref_slice %arg2[%dma_wait3A_551, %dma_wait3A_552] : memref<10240x128xf32, #tpu.memory_space<hbm>> -> memref<128x128xf32, #tpu.memory_space<hbm>>
      tpu.wait_dma2 semaphore(%dma_wait3A_546 : memref<!tpu.dma_semaphore, #tpu.memory_space<semaphore_mem>>) src(%dma_wait3A_553 : memref<128x128xf32, #tpu.memory_space<hbm>>) dst(%dma_wait3A_550 : memref<128x128xf32, #tpu.memory_space<vmem>>)
      %dma_start3A_554 = arith.constant 1 : i32
      %dma_start3A_555 = arith.constant 7 : i32
      %dma_start3A_556 = arith.constant 1 : i32
      %dma_start3A_557 = arith.constant 0 : i32
      %dma_start3A_558 = arith.constant 0 : i32
      %dma_start3A_559 = tpu.memref_slice %arg8[%dma_start3A_554, %dma_start3A_557, %dma_start3A_558] : memref<2x128x128xf32, #tpu.memory_space<vmem>> -> memref<1x128x128xf32, #tpu.memory_space<vmem>>
      %dma_start3A_560 = tpu.memref_squeeze %dma_start3A_559 : memref<1x128x128xf32, #tpu.memory_space<vmem>> -> memref<128x128xf32, #tpu.memory_space<vmem>>
      %dma_start3A_561 = arith.constant 0 : i32
      %dma_start3A_562 = arith.constant 0 : i32
      %dma_start3A_563 = tpu.memref_slice %arg7[%rem3A_54, %dma_start3A_561, %dma_start3A_562] : memref<2x8x128xi32, #tpu.memory_space<vmem>> -> memref<1x8x128xi32, #tpu.memory_space<vmem>>
      %dma_start3A_564 = tpu.memref_squeeze %dma_start3A_563 : memref<1x8x128xi32, #tpu.memory_space<vmem>> -> memref<8x128xi32, #tpu.memory_space<vmem>>
      %dma_start3A_565 = arith.constant 0 : i32
      %dma_start3A_566 = tpu.memref_slice %dma_start3A_564[%dma_start3A_555, %dma_start3A_565] : memref<8x128xi32, #tpu.memory_space<vmem>> -> memref<1x128xi32, #tpu.memory_space<vmem>>
      %dma_start3A_567 = tpu.memref_squeeze %dma_start3A_566 : memref<1x128xi32, #tpu.memory_space<vmem>> -> memref<128xi32, #tpu.memory_space<vmem>>
      %dma_start3A_568 = arith.constant 0 : i32
      %dma_start3A_569 = arith.constant 0 : i32
      %dma_start3A_570 = tpu.memref_slice %arg12[%dma_start3A_568, %dma_start3A_569] : memref<10240x128xf32, #tpu.memory_space<vmem_shared>> -> memref<10240x128xf32, #tpu.memory_space<vmem_shared>>
      %dma_start3A_571 = tpu.memref_slice %arg10[%dma_start3A_556] : memref<2x!tpu.dma_semaphore, #tpu.memory_space<semaphore_mem>> -> memref<1x!tpu.dma_semaphore, #tpu.memory_space<semaphore_mem>>
      %dma_start3A_572 = tpu.memref_squeeze %dma_start3A_571 : memref<1x!tpu.dma_semaphore, #tpu.memory_space<semaphore_mem>> -> memref<!tpu.dma_semaphore, #tpu.memory_space<semaphore_mem>>
      tpu.enqueue_indirect_dma source(%dma_start3A_560 : memref<128x128xf32, #tpu.memory_space<vmem>>) target(%dma_start3A_570 : memref<10240x128xf32, #tpu.memory_space<vmem_shared>>) offsets(%dma_start3A_567 : memref<128xi32, #tpu.memory_space<vmem>>) semaphore(%dma_start3A_572 : memref<!tpu.dma_semaphore, #tpu.memory_space<semaphore_mem>>) {add = true}
      %dma_wait3A_573 = arith.constant 1 : i32
      %dma_wait3A_574 = arith.constant 1 : i32
      %dma_wait3A_575 = arith.constant 0 : i32
      %dma_wait3A_576 = arith.constant 0 : i32
      %dma_wait3A_577 = tpu.memref_slice %arg8[%dma_wait3A_573, %dma_wait3A_575, %dma_wait3A_576] : memref<2x128x128xf32, #tpu.memory_space<vmem>> -> memref<1x128x128xf32, #tpu.memory_space<vmem>>
      %dma_wait3A_578 = tpu.memref_squeeze %dma_wait3A_577 : memref<1x128x128xf32, #tpu.memory_space<vmem>> -> memref<128x128xf32, #tpu.memory_space<vmem>>
      %dma_wait3A_579 = arith.constant 0 : i32
      %dma_wait3A_580 = arith.constant 0 : i32
      %dma_wait3A_581 = tpu.memref_slice %arg12[%dma_wait3A_579, %dma_wait3A_580] : memref<10240x128xf32, #tpu.memory_space<vmem_shared>> -> memref<128x128xf32, #tpu.memory_space<vmem_shared>>
      %dma_wait3A_582 = tpu.memref_slice %arg10[%dma_wait3A_574] : memref<2x!tpu.dma_semaphore, #tpu.memory_space<semaphore_mem>> -> memref<1x!tpu.dma_semaphore, #tpu.memory_space<semaphore_mem>>
      %dma_wait3A_583 = tpu.memref_squeeze %dma_wait3A_582 : memref<1x!tpu.dma_semaphore, #tpu.memory_space<semaphore_mem>> -> memref<!tpu.dma_semaphore, #tpu.memory_space<semaphore_mem>>
      %dma_wait3A_584 = arith.constant 0 : i32
      %dma_wait3A_585 = arith.constant 0 : i32
      %dma_wait3A_586 = tpu.memref_slice %arg12[%dma_wait3A_584, %dma_wait3A_585] : memref<10240x128xf32, #tpu.memory_space<vmem_shared>> -> memref<128x128xf32, #tpu.memory_space<vmem_shared>>
      %dma_wait3A_587 = arith.constant 0 : i32
      %dma_wait3A_588 = arith.constant 0 : i32
      %dma_wait3A_589 = tpu.memref_slice %arg8[%dma_wait3A_573, %dma_wait3A_587, %dma_wait3A_588] : memref<2x128x128xf32, #tpu.memory_space<vmem>> -> memref<1x128x128xf32, #tpu.memory_space<vmem>>
      %dma_wait3A_590 = tpu.memref_squeeze %dma_wait3A_589 : memref<1x128x128xf32, #tpu.memory_space<vmem>> -> memref<128x128xf32, #tpu.memory_space<vmem>>
      tpu.wait_dma2 semaphore(%dma_wait3A_583 : memref<!tpu.dma_semaphore, #tpu.memory_space<semaphore_mem>>) src(%dma_wait3A_590 : memref<128x128xf32, #tpu.memory_space<vmem>>) dst(%dma_wait3A_586 : memref<128x128xf32, #tpu.memory_space<vmem_shared>>)
      %add3A_591 = arith.constant 2 : i32
      %add3A_592 = arith.addi %add3A_535, %add3A_591 : i32
      %lt3A_593 = arith.constant 80 : i32
      %lt3A_594 = arith.cmpi slt, %add3A_592, %lt3A_593 : i32
      %convert_element_type3A_595 = arith.extui %lt3A_594 : i1 to i32
      %cond3A_596 = arith.constant 0 : i32
      %cond3A_597 = arith.cmpi ne, %convert_element_type3A_595, %cond3A_596 : i32
      scf.if %cond3A_597 {
        %add3A_598 = arith.constant 2 : i32
        %add3A_599 = arith.addi %add3A_535, %add3A_598 : i32
        %dma_start3A_600 = arith.constant 1 : i32
        %dma_start3A_601 = arith.constant 1 : i32
        %dma_start3A_602 = arith.constant 0 : i32
        %dma_start3A_603 = arith.constant 0 : i32
        %dma_start3A_604 = tpu.memref_slice %arg8[%dma_start3A_600, %dma_start3A_602, %dma_start3A_603] : memref<2x128x128xf32, #tpu.memory_space<vmem>> -> memref<1x128x128xf32, #tpu.memory_space<vmem>>
        %dma_start3A_605 = tpu.memref_squeeze %dma_start3A_604 : memref<1x128x128xf32, #tpu.memory_space<vmem>> -> memref<128x128xf32, #tpu.memory_space<vmem>>
        %dma_start3A_606 = arith.constant 0 : i32
        %dma_start3A_607 = tpu.memref_slice %arg6[%add3A_599, %dma_start3A_606] : memref<80x128xi32, #tpu.memory_space<vmem>> -> memref<1x128xi32, #tpu.memory_space<vmem>>
        %dma_start3A_608 = tpu.memref_squeeze %dma_start3A_607 : memref<1x128xi32, #tpu.memory_space<vmem>> -> memref<128xi32, #tpu.memory_space<vmem>>
        %dma_start3A_609 = arith.constant 0 : i32
        %dma_start3A_610 = arith.constant 0 : i32
        %dma_start3A_611 = tpu.memref_slice %arg2[%dma_start3A_609, %dma_start3A_610] : memref<10240x128xf32, #tpu.memory_space<hbm>> -> memref<10240x128xf32, #tpu.memory_space<hbm>>
        %dma_start3A_612 = tpu.memref_slice %arg9[%dma_start3A_601] : memref<2x!tpu.dma_semaphore, #tpu.memory_space<semaphore_mem>> -> memref<1x!tpu.dma_semaphore, #tpu.memory_space<semaphore_mem>>
        %dma_start3A_613 = tpu.memref_squeeze %dma_start3A_612 : memref<1x!tpu.dma_semaphore, #tpu.memory_space<semaphore_mem>> -> memref<!tpu.dma_semaphore, #tpu.memory_space<semaphore_mem>>
        tpu.enqueue_indirect_dma source(%dma_start3A_611 : memref<10240x128xf32, #tpu.memory_space<hbm>>) target(%dma_start3A_605 : memref<128x128xf32, #tpu.memory_space<vmem>>) offsets(%dma_start3A_608 : memref<128xi32, #tpu.memory_space<vmem>>) semaphore(%dma_start3A_613 : memref<!tpu.dma_semaphore, #tpu.memory_space<semaphore_mem>>)
      } else {
      }
    }
    %scan3A_51 = arith.constant 10 : i32
    %barrier3A_52 = arith.constant 0 : index
    tpu.barrier barrier_id(%barrier3A_52)
    "tpu.region"() ({
      %run_scoped3A = tpu.sem_alloc : memref<!tpu.dma_semaphore, #tpu.memory_space<semaphore_mem>>
      %dma_start3A_53 = arith.constant 0 : i32
      %dma_start3A_54 = arith.constant 0 : i32
      %dma_start3A_55 = tpu.memref_slice %arg5[%arg0, %dma_start3A_53, %dma_start3A_54] : memref<2x10240x128xf32, #tpu.memory_space<hbm>> -> memref<1x10240x128xf32, #tpu.memory_space<hbm>>
      %dma_start3A_56 = tpu.memref_squeeze %dma_start3A_55 : memref<1x10240x128xf32, #tpu.memory_space<hbm>> -> memref<10240x128xf32, #tpu.memory_space<hbm>>
      %dma_start3A_57 = arith.constant 0 : i32
      %dma_start3A_58 = tpu.memref_slice %dma_start3A_56[%mul3A_4, %dma_start3A_57] : memref<10240x128xf32, #tpu.memory_space<hbm>> -> memref<640x128xf32, #tpu.memory_space<hbm>>
      %dma_start3A_59 = arith.constant 0 : i32
      %dma_start3A_60 = tpu.memref_slice %arg12[%mul3A_4, %dma_start3A_59] : memref<10240x128xf32, #tpu.memory_space<vmem_shared>> -> memref<640x128xf32, #tpu.memory_space<vmem_shared>>
      tpu.enqueue_dma source(%dma_start3A_60 : memref<640x128xf32, #tpu.memory_space<vmem_shared>>) target(%dma_start3A_58 : memref<640x128xf32, #tpu.memory_space<hbm>>) target_semaphore(%run_scoped3A : memref<!tpu.dma_semaphore, #tpu.memory_space<semaphore_mem>>)
      %dma_wait3A = arith.constant 0 : i32
      %dma_wait3A_61 = arith.constant 0 : i32
      %dma_wait3A_62 = tpu.memref_slice %arg5[%arg0, %dma_wait3A, %dma_wait3A_61] : memref<2x10240x128xf32, #tpu.memory_space<hbm>> -> memref<1x10240x128xf32, #tpu.memory_space<hbm>>
      %dma_wait3A_63 = tpu.memref_squeeze %dma_wait3A_62 : memref<1x10240x128xf32, #tpu.memory_space<hbm>> -> memref<10240x128xf32, #tpu.memory_space<hbm>>
      %dma_wait3A_64 = arith.constant 0 : i32
      %dma_wait3A_65 = tpu.memref_slice %dma_wait3A_63[%mul3A_4, %dma_wait3A_64] : memref<10240x128xf32, #tpu.memory_space<hbm>> -> memref<640x128xf32, #tpu.memory_space<hbm>>
      %dma_wait3A_66 = arith.constant 0 : i32
      %dma_wait3A_67 = tpu.memref_slice %arg12[%mul3A_4, %dma_wait3A_66] : memref<10240x128xf32, #tpu.memory_space<vmem_shared>> -> memref<640x128xf32, #tpu.memory_space<vmem_shared>>
      tpu.wait_dma2 semaphore(%run_scoped3A : memref<!tpu.dma_semaphore, #tpu.memory_space<semaphore_mem>>) src(%dma_wait3A_67 : memref<640x128xf32, #tpu.memory_space<vmem_shared>>) dst(%dma_wait3A_65 : memref<640x128xf32, #tpu.memory_space<hbm>>)
      tpu.yield
    }) : () -> ()
    return
  }
}

module attributes {stable_mosaic.version = 14 : i64} {
  func.func @_tc1_body(%arg0: i32, %arg1: memref<1024x128xf32, #tpu.memory_space<vmem>>, %arg2: memref<128x128xf32, #tpu.memory_space<vmem>>, %arg3: memref<1024xf32, #tpu.memory_space<vmem>>, %arg4: memref<1024xf32, #tpu.memory_space<vmem>>, %arg5: memref<1024xf32, #tpu.memory_space<vmem>>, %arg6: memref<1024x128xf32, #tpu.memory_space<vmem>>, %arg7: memref<1024xf32, #tpu.memory_space<vmem>>) attributes {dimension_semantics = [#tpu.dimension_semantics<arbitrary>], iteration_bounds = array<i64: 10>, scalar_prefetch = 0 : i64, scratch_operands = 0 : i64, tpu.core_type = #tpu.core_type<tc>, window_params = [{transform_indices = @transform_0, window_bounds = array<i64: 1024, 128>}, {pipeline_mode = #tpu.pipeline_mode<synchronous>, transform_indices = @transform_1, window_bounds = array<i64: 128, 128>}, {transform_indices = @transform_2, window_bounds = array<i64: 1024>}, {transform_indices = @transform_3, window_bounds = array<i64: 1024>}, {transform_indices = @transform_4, window_bounds = array<i64: 1024>}, {transform_indices = @transform_5, window_bounds = array<i64: 1024, 128>}, {transform_indices = @transform_6, window_bounds = array<i64: 1024>}]} {
    %get3A = arith.constant 0 : index
    %get3A_0 = vector.load %arg3[%get3A] : memref<1024xf32, #tpu.memory_space<vmem>>, vector<1024xf32>
    %get3A_1 = arith.constant 0 : index
    %get3A_2 = vector.load %arg4[%get3A_1] : memref<1024xf32, #tpu.memory_space<vmem>>, vector<1024xf32>
    %add3A = arith.addf %get3A_0, %get3A_2 : vector<1024xf32>
    %add3A_3 = arith.constant 1.000000e+00 : f32
    %add3A_4 = vector.broadcast %add3A_3 : f32 to vector<1024xf32>
    %add3A_5 = arith.addf %add3A, %add3A_4 : vector<1024xf32>
    %rsqrt3A = math.rsqrt %add3A_5 : vector<1024xf32>
    %get3A_6 = arith.constant 0 : index
    %get3A_7 = vector.load %arg5[%get3A_6] : memref<1024xf32, #tpu.memory_space<vmem>>, vector<1024xf32>
    %mul3A = arith.mulf %rsqrt3A, %get3A_7 : vector<1024xf32>
    %swap3A = arith.constant 0 : index
    %swap3A_8 = vector.load %arg7[%swap3A] : memref<1024xf32, #tpu.memory_space<vmem>>, vector<1024xf32>
    tpu.vector_store %arg7[%swap3A], %mul3A {strides = array<i32>} : memref<1024xf32, #tpu.memory_space<vmem>>, vector<1024xf32>,
    %get3A_9 = arith.constant 0 : index
    %get3A_10 = arith.constant 0 : index
    %get3A_11 = vector.load %arg1[%get3A_9, %get3A_10] : memref<1024x128xf32, #tpu.memory_space<vmem>>, vector<1024x128xf32>
    %get3A_12 = arith.constant 0 : index
    %get3A_13 = arith.constant 0 : index
    %get3A_14 = vector.load %arg2[%get3A_12, %get3A_13] : memref<128x128xf32, #tpu.memory_space<vmem>>, vector<128x128xf32>
    %dot_general3A = arith.constant dense<0.000000e+00> : vector<1024x128xf32>
    %dot_general3A_15 = tpu.matmul %get3A_11, %get3A_14, %dot_general3A {dimension_numbers = #tpu.dot_dimension_numbers<[1], [0], [0], [1], [0, 0, 1, 1], [], []>, precision = #tpu.contract_precision<fp32>, transpose_lhs_hint = false} : vector<1024x128xf32>, vector<128x128xf32>, vector<1024x128xf32> -> vector<1024x128xf32>
    %broadcast_in_dim3A = vector.shape_cast %mul3A : vector<1024xf32> to vector<1024x1xf32>
    %mul3A_16 = vector.broadcast %broadcast_in_dim3A : vector<1024x1xf32> to vector<1024x128xf32>
    %mul3A_17 = arith.mulf %dot_general3A_15, %mul3A_16 : vector<1024x128xf32>
    %swap3A_18 = arith.constant 0 : index
    %swap3A_19 = arith.constant 0 : index
    %swap3A_20 = vector.load %arg6[%swap3A_18, %swap3A_19] : memref<1024x128xf32, #tpu.memory_space<vmem>>, vector<1024x128xf32>
    tpu.vector_store %arg6[%swap3A_18, %swap3A_19], %mul3A_17 {strides = array<i32>} : memref<1024x128xf32, #tpu.memory_space<vmem>>, vector<1024x128xf32>,
    return
  }
  func.func @transform_0(%arg0: i32) -> (i32, i32) {
    %c0_i32 = arith.constant 0 : i32
    %c0_i32_0 = arith.constant 0 : i32
    return %arg0, %c0_i32 : i32, i32
  }
  func.func @transform_1(%arg0: i32) -> (i32, i32) {
    %c0_i32 = arith.constant 0 : i32
    %c0_i32_0 = arith.constant 0 : i32
    %c0_i32_1 = arith.constant 0 : i32
    return %c0_i32, %c0_i32_0 : i32, i32
  }
  func.func @transform_2(%arg0: i32) -> i32 {
    %c0_i32 = arith.constant 0 : i32
    return %arg0 : i32
  }
  func.func @transform_3(%arg0: i32) -> i32 {
    %c0_i32 = arith.constant 0 : i32
    return %arg0 : i32
  }
  func.func @transform_4(%arg0: i32) -> i32 {
    %c0_i32 = arith.constant 0 : i32
    return %arg0 : i32
  }
  func.func @transform_5(%arg0: i32) -> (i32, i32) {
    %c0_i32 = arith.constant 0 : i32
    %c0_i32_0 = arith.constant 0 : i32
    return %arg0, %c0_i32 : i32, i32
  }
  func.func @transform_6(%arg0: i32) -> i32 {
    %c0_i32 = arith.constant 0 : i32
    return %arg0 : i32
  }
}

module attributes {stable_mosaic.version = 14 : i64} {
  func.func @_tc2_body(%arg0: i32, %arg1: memref<1024x128xf32, #tpu.memory_space<vmem>>, %arg2: memref<1024x128xf32, #tpu.memory_space<vmem>>, %arg3: memref<1024x128xf32, #tpu.memory_space<vmem>>, %arg4: memref<1024xf32, #tpu.memory_space<vmem>>, %arg5: memref<128xf32, #tpu.memory_space<vmem>>, %arg6: memref<128x128xf32, #tpu.memory_space<vmem>>, %arg7: memref<1024x128xf32, #tpu.memory_space<vmem>>) attributes {dimension_semantics = [#tpu.dimension_semantics<arbitrary>], iteration_bounds = array<i64: 10>, scalar_prefetch = 0 : i64, scratch_operands = 0 : i64, tpu.core_type = #tpu.core_type<tc>, window_params = [{transform_indices = @transform_0, window_bounds = array<i64: 1024, 128>}, {transform_indices = @transform_1, window_bounds = array<i64: 1024, 128>}, {transform_indices = @transform_2, window_bounds = array<i64: 1024, 128>}, {transform_indices = @transform_3, window_bounds = array<i64: 1024>}, {pipeline_mode = #tpu.pipeline_mode<synchronous>, transform_indices = @transform_4, window_bounds = array<i64: 128>}, {pipeline_mode = #tpu.pipeline_mode<synchronous>, transform_indices = @transform_5, window_bounds = array<i64: 128, 128>}, {transform_indices = @transform_6, window_bounds = array<i64: 1024, 128>}]} {
    %get3A = arith.constant 0 : index
    %get3A_0 = vector.load %arg4[%get3A] : memref<1024xf32, #tpu.memory_space<vmem>>, vector<1024xf32>
    %get3A_1 = arith.constant 0 : index
    %get3A_2 = arith.constant 0 : index
    %get3A_3 = vector.load %arg1[%get3A_1, %get3A_2] : memref<1024x128xf32, #tpu.memory_space<vmem>>, vector<1024x128xf32>
    %get3A_4 = arith.constant 0 : index
    %get3A_5 = arith.constant 0 : index
    %get3A_6 = vector.load %arg2[%get3A_4, %get3A_5] : memref<1024x128xf32, #tpu.memory_space<vmem>>, vector<1024x128xf32>
    %add3A = arith.addf %get3A_3, %get3A_6 : vector<1024x128xf32>
    %get3A_7 = arith.constant 0 : index
    %get3A_8 = arith.constant 0 : index
    %get3A_9 = vector.load %arg3[%get3A_7, %get3A_8] : memref<1024x128xf32, #tpu.memory_space<vmem>>, vector<1024x128xf32>
    %sub3A = arith.subf %add3A, %get3A_9 : vector<1024x128xf32>
    %broadcast_in_dim3A = vector.shape_cast %get3A_0 : vector<1024xf32> to vector<1024x1xf32>
    %mul3A = vector.broadcast %broadcast_in_dim3A : vector<1024x1xf32> to vector<1024x128xf32>
    %mul3A_10 = arith.mulf %mul3A, %sub3A : vector<1024x128xf32>
    %get3A_11 = arith.constant 0 : index
    %get3A_12 = vector.load %arg5[%get3A_11] : memref<128xf32, #tpu.memory_space<vmem>>, vector<128xf32>
    %broadcast_in_dim3A_13 = vector.shape_cast %get3A_12 : vector<128xf32> to vector<1x128xf32>
    %add3A_14 = vector.broadcast %broadcast_in_dim3A_13 : vector<1x128xf32> to vector<1024x128xf32>
    %add3A_15 = arith.addf %mul3A_10, %add3A_14 : vector<1024x128xf32>
    %max3A = arith.constant 0.000000e+00 : f32
    %max3A_16 = vector.broadcast %max3A : f32 to vector<1024x128xf32>
    %max3A_17 = arith.maximumf %add3A_15, %max3A_16 : vector<1024x128xf32>
    %get3A_18 = arith.constant 0 : index
    %get3A_19 = arith.constant 0 : index
    %get3A_20 = vector.load %arg6[%get3A_18, %get3A_19] : memref<128x128xf32, #tpu.memory_space<vmem>>, vector<128x128xf32>
    %dot_general3A = arith.constant dense<0.000000e+00> : vector<1024x128xf32>
    %dot_general3A_21 = tpu.matmul %max3A_17, %get3A_20, %dot_general3A {dimension_numbers = #tpu.dot_dimension_numbers<[1], [0], [0], [1], [0, 0, 1, 1], [], []>, precision = #tpu.contract_precision<fp32>, transpose_lhs_hint = false} : vector<1024x128xf32>, vector<128x128xf32>, vector<1024x128xf32> -> vector<1024x128xf32>
    %broadcast_in_dim3A_22 = vector.shape_cast %get3A_0 : vector<1024xf32> to vector<1024x1xf32>
    %mul3A_23 = vector.broadcast %broadcast_in_dim3A_22 : vector<1024x1xf32> to vector<1024x128xf32>
    %mul3A_24 = arith.mulf %dot_general3A_21, %mul3A_23 : vector<1024x128xf32>
    %swap3A = arith.constant 0 : index
    %swap3A_25 = arith.constant 0 : index
    %swap3A_26 = vector.load %arg7[%swap3A, %swap3A_25] : memref<1024x128xf32, #tpu.memory_space<vmem>>, vector<1024x128xf32>
    tpu.vector_store %arg7[%swap3A, %swap3A_25], %mul3A_24 {strides = array<i32>} : memref<1024x128xf32, #tpu.memory_space<vmem>>, vector<1024x128xf32>,
    return
  }
  func.func @transform_0(%arg0: i32) -> (i32, i32) {
    %c0_i32 = arith.constant 0 : i32
    %c0_i32_0 = arith.constant 0 : i32
    return %arg0, %c0_i32 : i32, i32
  }
  func.func @transform_1(%arg0: i32) -> (i32, i32) {
    %c0_i32 = arith.constant 0 : i32
    %c0_i32_0 = arith.constant 0 : i32
    return %arg0, %c0_i32 : i32, i32
  }
  func.func @transform_2(%arg0: i32) -> (i32, i32) {
    %c0_i32 = arith.constant 0 : i32
    %c0_i32_0 = arith.constant 0 : i32
    return %arg0, %c0_i32 : i32, i32
  }
  func.func @transform_3(%arg0: i32) -> i32 {
    %c0_i32 = arith.constant 0 : i32
    return %arg0 : i32
  }
  func.func @transform_4(%arg0: i32) -> i32 {
    %c0_i32 = arith.constant 0 : i32
    %c0_i32_0 = arith.constant 0 : i32
    return %c0_i32 : i32
  }
  func.func @transform_5(%arg0: i32) -> (i32, i32) {
    %c0_i32 = arith.constant 0 : i32
    %c0_i32_0 = arith.constant 0 : i32
    %c0_i32_1 = arith.constant 0 : i32
    return %c0_i32, %c0_i32_0 : i32, i32
  }
  func.func @transform_6(%arg0: i32) -> (i32, i32) {
    %c0_i32 = arith.constant 0 : i32
    %c0_i32_0 = arith.constant 0 : i32
    return %arg0, %c0_i32 : i32, i32
  }
}

module attributes {stable_mosaic.version = 14 : i64} {
  func.func @_tc3_body(%arg0: memref<10240x128xf32, #tpu.memory_space<vmem>>, %arg1: memref<10240x128xf32, #tpu.memory_space<vmem>>, %arg2: memref<10240x128xf32, #tpu.memory_space<vmem>>, %arg3: memref<10240xf32, #tpu.memory_space<vmem>>, %arg4: memref<128xf32, #tpu.memory_space<vmem>>, %arg5: memref<10240xi32, #tpu.memory_space<vmem>>, %arg6: memref<128x64xf32, #tpu.memory_space<vmem>>, %arg7: memref<64xf32, #tpu.memory_space<vmem>>, %arg8: memref<64x10xf32, #tpu.memory_space<vmem>>, %arg9: memref<10xf32, #tpu.memory_space<vmem>>, %arg10: memref<64x10xf32, #tpu.memory_space<vmem>>) attributes {dimension_semantics = [], scalar_prefetch = 0 : i64, scratch_operands = 0 : i64, tpu.core_type = #tpu.core_type<tc>} {
    %get3A = arith.constant 0 : index
    %get3A_0 = vector.load %arg3[%get3A] : memref<10240xf32, #tpu.memory_space<vmem>>, vector<10240xf32>
    %get3A_1 = arith.constant 0 : index
    %get3A_2 = arith.constant 0 : index
    %get3A_3 = vector.load %arg0[%get3A_1, %get3A_2] : memref<10240x128xf32, #tpu.memory_space<vmem>>, vector<10240x128xf32>
    %get3A_4 = arith.constant 0 : index
    %get3A_5 = arith.constant 0 : index
    %get3A_6 = vector.load %arg1[%get3A_4, %get3A_5] : memref<10240x128xf32, #tpu.memory_space<vmem>>, vector<10240x128xf32>
    %add3A = arith.addf %get3A_3, %get3A_6 : vector<10240x128xf32>
    %get3A_7 = arith.constant 0 : index
    %get3A_8 = arith.constant 0 : index
    %get3A_9 = vector.load %arg2[%get3A_7, %get3A_8] : memref<10240x128xf32, #tpu.memory_space<vmem>>, vector<10240x128xf32>
    %sub3A = arith.subf %add3A, %get3A_9 : vector<10240x128xf32>
    %broadcast_in_dim3A = vector.shape_cast %get3A_0 : vector<10240xf32> to vector<10240x1xf32>
    %mul3A = vector.broadcast %broadcast_in_dim3A : vector<10240x1xf32> to vector<10240x128xf32>
    %mul3A_10 = arith.mulf %mul3A, %sub3A : vector<10240x128xf32>
    %get3A_11 = arith.constant 0 : index
    %get3A_12 = vector.load %arg4[%get3A_11] : memref<128xf32, #tpu.memory_space<vmem>>, vector<128xf32>
    %broadcast_in_dim3A_13 = vector.shape_cast %get3A_12 : vector<128xf32> to vector<1x128xf32>
    %add3A_14 = vector.broadcast %broadcast_in_dim3A_13 : vector<1x128xf32> to vector<10240x128xf32>
    %add3A_15 = arith.addf %mul3A_10, %add3A_14 : vector<10240x128xf32>
    %max3A = arith.constant 0.000000e+00 : f32
    %max3A_16 = vector.broadcast %max3A : f32 to vector<10240x128xf32>
    %max3A_17 = arith.maximumf %add3A_15, %max3A_16 : vector<10240x128xf32>
    %iota3A = tpu.iota {dimensions = array<i32: 0>} : vector<64x10240xi32>
    %get3A_18 = arith.constant 0 : index
    %get3A_19 = vector.load %arg5[%get3A_18] : memref<10240xi32, #tpu.memory_space<vmem>>, vector<10240xi32>
    %broadcast_in_dim3A_20 = vector.shape_cast %get3A_19 : vector<10240xi32> to vector<1x10240xi32>
    %eq3A = vector.broadcast %broadcast_in_dim3A_20 : vector<1x10240xi32> to vector<64x10240xi32>
    %eq3A_21 = arith.cmpi eq, %iota3A, %eq3A : vector<64x10240xi32>
    %convert_element_type3A = arith.extui %eq3A_21 : vector<64x10240xi1> to vector<64x10240xi32>
    %convert_element_type3A_22 = arith.sitofp %convert_element_type3A : vector<64x10240xi32> to vector<64x10240xf32>
    %dot_general3A = arith.constant dense<0.000000e+00> : vector<64x128xf32>
    %dot_general3A_23 = tpu.matmul %convert_element_type3A_22, %max3A_17, %dot_general3A {dimension_numbers = #tpu.dot_dimension_numbers<[1], [0], [0], [1], [0, 0, 1, 1], [], []>, precision = #tpu.contract_precision<fp32>, transpose_lhs_hint = false} : vector<64x10240xf32>, vector<10240x128xf32>, vector<64x128xf32> -> vector<64x128xf32>
    %reduce_sum3A = arith.constant dense<0.000000e+00> : vector<64xf32>
    %reduce_sum3A_24 = vector.multi_reduction <add>, %convert_element_type3A_22, %reduce_sum3A [1] : vector<64x10240xf32> to vector<64xf32>
    %max3A_25 = arith.constant 1.000000e+00 : f32
    %max3A_26 = vector.broadcast %max3A_25 : f32 to vector<64xf32>
    %max3A_27 = arith.maximumf %reduce_sum3A_24, %max3A_26 : vector<64xf32>
    %broadcast_in_dim3A_28 = vector.shape_cast %max3A_27 : vector<64xf32> to vector<64x1xf32>
    %div3A = vector.broadcast %broadcast_in_dim3A_28 : vector<64x1xf32> to vector<64x128xf32>
    %div3A_29 = arith.divf %dot_general3A_23, %div3A : vector<64x128xf32>
    %get3A_30 = arith.constant 0 : index
    %get3A_31 = arith.constant 0 : index
    %get3A_32 = vector.load %arg6[%get3A_30, %get3A_31] : memref<128x64xf32, #tpu.memory_space<vmem>>, vector<128x64xf32>
    %dot_general3A_33 = arith.constant dense<0.000000e+00> : vector<64x64xf32>
    %dot_general3A_34 = tpu.matmul %div3A_29, %get3A_32, %dot_general3A_33 {dimension_numbers = #tpu.dot_dimension_numbers<[1], [0], [0], [1], [0, 0, 1, 1], [], []>, precision = #tpu.contract_precision<fp32>, transpose_lhs_hint = false} : vector<64x128xf32>, vector<128x64xf32>, vector<64x64xf32> -> vector<64x64xf32>
    %get3A_35 = arith.constant 0 : index
    %get3A_36 = vector.load %arg7[%get3A_35] : memref<64xf32, #tpu.memory_space<vmem>>, vector<64xf32>
    %broadcast_in_dim3A_37 = vector.shape_cast %get3A_36 : vector<64xf32> to vector<1x64xf32>
    %add3A_38 = vector.broadcast %broadcast_in_dim3A_37 : vector<1x64xf32> to vector<64x64xf32>
    %add3A_39 = arith.addf %dot_general3A_34, %add3A_38 : vector<64x64xf32>
    %max3A_40 = arith.constant 0.000000e+00 : f32
    %max3A_41 = vector.broadcast %max3A_40 : f32 to vector<64x64xf32>
    %max3A_42 = arith.maximumf %add3A_39, %max3A_41 : vector<64x64xf32>
    %get3A_43 = arith.constant 0 : index
    %get3A_44 = arith.constant 0 : index
    %get3A_45 = vector.load %arg8[%get3A_43, %get3A_44] : memref<64x10xf32, #tpu.memory_space<vmem>>, vector<64x10xf32>
    %dot_general3A_46 = arith.constant dense<0.000000e+00> : vector<64x10xf32>
    %dot_general3A_47 = tpu.matmul %max3A_42, %get3A_45, %dot_general3A_46 {dimension_numbers = #tpu.dot_dimension_numbers<[1], [0], [0], [1], [0, 0, 1, 1], [], []>, precision = #tpu.contract_precision<fp32>, transpose_lhs_hint = false} : vector<64x64xf32>, vector<64x10xf32>, vector<64x10xf32> -> vector<64x10xf32>
    %get3A_48 = arith.constant 0 : index
    %get3A_49 = vector.load %arg9[%get3A_48] : memref<10xf32, #tpu.memory_space<vmem>>, vector<10xf32>
    %broadcast_in_dim3A_50 = vector.shape_cast %get3A_49 : vector<10xf32> to vector<1x10xf32>
    %add3A_51 = vector.broadcast %broadcast_in_dim3A_50 : vector<1x10xf32> to vector<64x10xf32>
    %add3A_52 = arith.addf %dot_general3A_47, %add3A_51 : vector<64x10xf32>
    %swap3A = arith.constant 0 : index
    %swap3A_53 = arith.constant 0 : index
    %swap3A_54 = vector.load %arg10[%swap3A, %swap3A_53] : memref<64x10xf32, #tpu.memory_space<vmem>>, vector<64x10xf32>
    tpu.vector_store %arg10[%swap3A, %swap3A_53], %add3A_52 {strides = array<i32>} : memref<64x10xf32, #tpu.memory_space<vmem>>, vector<64x10xf32>,
    return
  }
}

</mosaic_0001>

<sc_bundles>
// kernel: kernel.11.cloned.1.call-start
scs
__scs_entry_jumppad:
0x0: {  	(pc) =	sbr.rel $0x88, $3  }
0x1: {  	(tag) =	ssettag $0x0;
	lr =	simm.s32 $0x1  }
0x2: {  	[smem:$0x3F96] =	sst lr;
	_ =	strace $0xD0000000  }
0x3: {  	_ = 	snop  }
0x4: {  	_ = 	snop  }
0x5: {  	_ = 	snop  }
0x6: {  	_ = 	snop  }
0x7: {  	_ = 	snop  }
__scs_overlays_trampoline_lowered:
0x8: {  	[smem:$0x3FA5] =	sst s0  }
0x9: {  	[smem:$0x3FA6] =	sst s1  }
0xa: {  	[smem:$0x3FA7] =	sst s2  }
0xb: {  	[smem:$0x3FA8] =	sst s3  }
0xc: {  	[smem:$0x3FA9] =	sst s4  }
0xd: {  	[smem:$0x3FAA] =	sst s5  }
0xe: {  	[smem:$0x3FAB] =	sst s6  }
0xf: {  	[smem:$0x3FAC] =	sst s7  }
0x10: {  	[smem:$0x3FAD] =	sst s8  }
0x11: {  	[smem:$0x3FAE] =	sst s9;
	s0 =	simm.s32 @!p0 $0x0  }
0x12: {  	s1 =	sld [smem:$0x3F94];
	s0 =	simm.s32 @p0 $0x1  }
0x13: {  	[smem:$0x3FAF] =	sst s0;
	s0 =	simm.s32 @!p1 $0x0  }
0x14: {  	s2 =	sld [smem:$0x3F93];
	s0 =	simm.s32 @p1 $0x1  }
0x15: {  	[smem:$0x3FB0] =	sst s0;
	s0 =	simm.s32 @!p2 $0x0  }
0x16: {  	s3 =	sld [smem:$0x3FDB];
	s0 =	simm.s32 @p2 $0x1  }
0x17: {  	s4 =	simm.s32 $0x1BF5;
	[smem:$0x3FB2] =	sst s0  }
0x18: {  	s0 =	sld [smem:$0x3F95];
	_ =	swait.ge [sflag:s4], $0x0  }
0x19: {  	s7 =	sld [smem:$0x3F96]  }
0x1a: {  	s8 =	sadd.s32 $0xFFFFE003, lr  }
0x1b: {  	s9 =	sadd.s32 $0xFFFFFEF7, lr;
	s5 =	simm.s32 $0xFFFFFFFF;
	p2 =	slt.u32 s8, $0xFFFFF086  }
0x1c: {  	p1 =	slt.u32 s9, $0xF7A;
	s5 =	simm.s32 @!p2 $0x0  }
0x1d: {  	s5 =	simm.s32 @p1 $0x1;
	p0 =	seq.s32 s7, s2  }
0x1e: {  	s7 =	smul.u32 @!p0 $0xF7A, s2;
	p2 =	seq.s32 @!p0 s5, $0x0  }
0x1f: {  	s9 =	smul.u32 $0xF7A, s1;
	s8 =	simm.s32 @!p0 $0x1BF5;
	p2 =	por !p2, p0  }
0x20: {  	[sflag:s8] =	ssyncset.s32 @!p0 $0xFFFFF086;
	s6 =	sadd.s32 @!p0 s3, s7;
	s7 =	simm.s32 @!p0 $0x108  }
0x21: {  	s3 =	sadd.s32 s3, s9;
	s6 =	sadd.s32 @!p0 $0x88, s6;
	s7 =	simm.s32 @p2 $0x1082  }
0x22: {  	[simem:s7], [sflag:s8] =	dma.local @!p0 [hbm:s6], $0xF7A  }
0x23: {  	s9 =	sor.u32 $0xD0000000, s2;
	s6 =	simm.s32 $0x108;
	_ =	swait.ge @!p0 [sflag:s8], $0x0  }
0x24: {  	s3 =	sadd.s32 $0x88, s3;
	s6 =	simm.s32 @!p1 $0x1082;
	[sflag:s4] =	ssyncset.s32 $0xFFFFF086  }
0x25: {  	[simem:s6], [sflag:s4] =	dma.local [hbm:s3], $0xF7A  }
0x26: {  	[smem:$0x3F96] =	sst s1;
	(tag) =	ssettag s2;
	_ =	strace s9  }
0x27: {  	s1 =	sld [smem:$0x3FA6]  }
0x28: {  	s2 =	sld [smem:$0x3FA7]  }
0x29: {  	s4 =	sld [smem:$0x3FA9]  }
0x2a: {  	p0 =	seq.s32 s5, $0x0;
	s5 =	sld [smem:$0x3FAA]  }
0x2b: {  	s6 =	sld [smem:$0x3FAB]  }
0x2c: {  	s7 =	sld [smem:$0x3FAC]  }
0x2d: {  	s3 =	simm.s32 $0x108;
	s8 =	sld [smem:$0x3FAD]  }
0x2e: {  	s3 =	simm.s32 @!p0 $0x1082;
	s9 =	sld [smem:$0x3FAE]  }
0x2f: {  	lr =	sadd.s32 s0, s3;
	s0 =	sld [smem:$0x3FA5]  }
0x30: {  	s3 =	sld [smem:$0x3FA8]  }
0x31: {  	[smem:$0x3FB1] =	sst s10  }
0x32: {  	s10 =	sld [smem:$0x3FAF];
	_ =	sdelay $0x3  }
0x33: {  	p0 =	seq.s32 s10, $0x1;
	s10 =	sld [smem:$0x3FB1];
	_ =	sdelay $0x3  }
0x34: {  	[smem:$0x3FB1] =	sst s10  }
0x35: {  	s10 =	sld [smem:$0x3FB0];
	_ =	sdelay $0x3  }
0x36: {  	p1 =	seq.s32 s10, $0x1;
	s10 =	sld [smem:$0x3FB1];
	_ =	sdelay $0x3  }
0x37: {  	[smem:$0x3FB1] =	sst s10  }
0x38: {  	s10 =	sld [smem:$0x3FB2]  }
0x39: {  	_ = 	snop;
	(pc) =	sbr.ind lr, $3  }
0x3a: {  	_ = 	snop  }
0x3b: {  	_ = 	snop  }
0x3c: {  	p2 =	seq.s32 s10, $0x1;
	s10 =	sld [smem:$0x3FB1]  }
0x3d: {  	_ =	shalt  }
0x3e: {  	_ =	shalt  }
0x3f: {  	_ =	shalt  }
0x40: {  	_ =	shalt  }
0x41: {  	_ =	shalt  }
0x42: {  	_ =	shalt  }
0x43: {  	_ =	shalt  }
0x44: {  	_ =	shalt  }
0x45: {  	_ =	shalt  }
0x46: {  	_ =	shalt  }
0x47: {  	_ =	shalt  }
0x48: {  	_ =	shalt  }
0x49: {  	_ =	shalt  }
0x4a: {  	_ =	shalt  }
0x4b: {  	_ =	shalt  }
0x4c: {  	_ =	shalt  }
0x4d: {  	_ =	shalt  }
0x4e: {  	_ =	shalt  }
0x4f: {  	_ =	shalt  }
0x50: {  	_ =	shalt  }
0x51: {  	_ =	shalt  }
0x52: {  	_ =	shalt  }
0x53: {  	_ =	shalt  }
0x54: {  	_ =	shalt  }
0x55: {  	_ =	shalt  }
0x56: {  	_ =	shalt  }
0x57: {  	_ =	shalt  }
0x58: {  	_ =	shalt  }
0x59: {  	_ =	shalt  }
0x5a: {  	_ =	shalt  }
0x5b: {  	_ =	shalt  }
0x5c: {  	_ =	shalt  }
0x5d: {  	_ =	shalt  }
0x5e: {  	_ =	shalt  }
0x5f: {  	_ =	shalt  }
0x60: {  	_ =	shalt  }
0x61: {  	_ =	shalt  }
0x62: {  	_ =	shalt  }
0x63: {  	_ =	shalt  }
0x64: {  	_ =	shalt  }
0x65: {  	_ =	shalt  }
0x66: {  	_ =	shalt  }
0x67: {  	_ =	shalt  }
0x68: {  	_ =	shalt  }
0x69: {  	_ =	shalt  }
0x6a: {  	_ =	shalt  }
0x6b: {  	_ =	shalt  }
0x6c: {  	_ =	shalt  }
0x6d: {  	_ =	shalt  }
0x6e: {  	_ =	shalt  }
0x6f: {  	_ =	shalt  }
0x70: {  	_ =	shalt  }
0x71: {  	_ =	shalt  }
0x72: {  	_ =	shalt  }
0x73: {  	_ =	shalt  }
0x74: {  	_ =	shalt  }
0x75: {  	_ =	shalt  }
0x76: {  	_ =	shalt  }
0x77: {  	_ =	shalt  }
0x78: {  	_ =	shalt  }
0x79: {  	_ =	shalt  }
0x7a: {  	_ =	shalt  }
0x7b: {  	_ =	shalt  }
0x7c: {  	_ =	shalt  }
0x7d: {  	_ =	shalt  }
0x7e: {  	_ =	shalt  }
0x7f: {  	_ =	shalt  }
0x80: {  	_ =	shalt  }
0x81: {  	_ =	shalt  }
0x82: {  	_ =	shalt  }
0x83: {  	_ =	shalt  }
0x84: {  	_ =	shalt  }
0x85: {  	_ =	shalt  }
0x86: {  	_ =	shalt  }
0x87: {  	_ =	shalt  }
.Lfunc_end0:
.L_simem_size_0:
called_computation.1_lowered:
.L_overlay_start_0:
0x88: {  	s2 =	sld [smem:$0x3FD9]  }
0x89: {  	s3 =	sld [smem:$0x3FFE];
	_ =	sdelay $0x1  }
0x8a: {  	s1 =	srdreg.scid  }
0x8b: {  	s0 =	sand.u32 $0x1, s1  }
0x8c: {  	s16 =	sshll.u32 s0, $0xA;
	s2 =	sadd.s32 s3, s2  }
0x8d: {  	s2 =	sadd.s32 s2, s16  }
0x8e: {  	[smem:$0x3FBD] =	sst s2  }
0x8f: {  	_ = 	snop  }
0x90: {  	(tm) =	ssettm $0x1  }
0x91: {  	s17 =	sld [smem:$0x3FFB];
	_ =	sdelay $0x3  }
0x92: {  	_ =	strace s17  }
0x93: {  	s2 =	sld [smem:$0x3FFC];
	_ =	sdelay $0x3  }
0x94: {  	_ =	strace s2  }
0x95: {  	s2 =	sld [smem:$0x3FFD];
	_ =	sdelay $0x3  }
0x96: {  	_ =	strace s2  }
0x97: {  	_ =	strace $0x8FFFFFFF  }
0x98: {  	s18 =	sld [smem:$0x3FDB];
	_ =	sdelay $0x1  }
0x99: {  	s19 =	simm.s32 $_scs_section_size  }
0x9a: {  	s4 =	simm.s32 $_size__tile_overlayer_lowered;
	s5 =	simm.s32 $_tile_overlayer_lowered  }
0x9b: {  	s22 =	simm.s32 $0x1BFF;
	s21 =	sshll.u32 s5, $0x1;
	s2 =	sadd.s32 s19, s18  }
0x9c: {  	s6 =	simm.s32 $0x0;
	s20 =	sshll.u32 s4, $0x1;
	s4 =	sadd.s32 s21, s2  }
0x9d: {  	[timem:s6], [sflag:s22] =	dma.local [hbm:s4], s20  }
0x9e: {  	_ =	swait.ge [sflag:s22], s20  }
0x9f: {  	s3 =	ssub.s32 $0x0, s20;
	[sflag:s22] =	ssyncset.done $0x0  }
0xa0: {  	[sflag:s22] =	ssyncadd.s32 s3;
	_ =	sdelay $0x1  }
0xa1: {  	s23 =	simm.s32 $0x1B8B  }
0xa2: {  	_ =	swait.ge [sflag:s23], $0x1  }
0xa3: {  	[sflag:s23] =	ssyncset.done $0x0  }
0xa4: {  	s25 =	simm.s32 $0x1B8E;
	s24 =	sld [smem:$0x3FFE];
	[sflag:s23] =	ssyncadd.s32 $0xFFFFFFFF  }
0xa5: {  	s26 =	simm.s32 $execute0_lowered;
	[smem:$0x3FD2] =	sst s25  }
0xa6: {  	s4 =	sshll.u32 s26, $0x1;
	_ =	strace $0x80000049;
	[dreg:$0x1] =	wrdreg $0xFFFFFFFF  }
0xa7: {  	s28 =	simm.s32 $_size_execute0_lowered;
	s2 =	sadd.s32 s2, s4;
	[dreg:$0x0] =	wrdreg $0x0  }
0xa8: {  	s4 =	sshll.u32 s28, $0x1;
	[dreg:$0x2] =	wrdreg s2  }
0xa9: {  	[dreg:$0x3] =	wrdreg s4  }
0xaa: {  	[dreg:$0x4] =	wrdreg $0xC0  }
0xab: {  	_ =	task [dreg:s6], $0x5FFFF  }
0xac: {  	[dreg:$0x1] =	wrdreg $0xFFFFFFFF  }
0xad: {  	[dreg:$0x0] =	wrdreg $0x60  }
0xae: {  	[dreg:$0x2] =	wrdreg s24  }
0xaf: {  	[dreg:$0x3] =	wrdreg $0xB0000  }
0xb0: {  	[dreg:$0x4] =	wrdreg $0x9  }
0xb1: {  	_ =	task.clear_ibuf [dreg:s6], $0x5FFFF;
	_ =	strace $0x90000049  }
0xb2: {  	s29 =	simm.s32 $0x9;
	_ =	strace $0x8000004B  }
0xb3: {  	_ =	swait.ge [sflag:s29], $0x1  }
0xb4: {  	[sflag:s29] =	ssyncadd.s32 $0xFFFFFFFF  }
0xb5: {  	_ =	strace $0x9000004B  }
0xb6: {  	_ =	sfence  }
0xb7: {  	s30 =	sld [smem:$0x0];
	_ =	sdelay $0x2  }
0xb8: {  	s31 =	sshll.u32 s1, $0xD;
	s1 =	sshrl.u32 s1, $0x2  }
0xb9: {  	s3 =	sand.u32 $0x4000, s31;
	s1 =	sadd.s32 s1, s30  }
0xba: {  	s0 =	sor.u32 s3, s0;
	s1 =	sshll.u32 s1, $0x11  }
0xbb: {  	s0 =	sor.u32 s1, s0  }
0xbc: {  	s0 =	sadd.s32 $0x8F2B, s0  }
0xbd: {  	[sflag:s0] =	ssyncadd.remote.s32 $0x1  }
0xbe: {  	_ =	sfence.sel $0xFFFF  }
0xbf: {  	[dreg:$0x0] =	wrdreg $0xFFFFFFFF;
	(pc) =	sbr.abs _section_cstart, $3  }
0xc0: {  	[dreg:$0x1] =	wrdreg $0xFFFFFFFF  }
0xc1: {  	_ =	task.clear_ibuf [dreg:s6], $0x2FFFF;
	_ =	strace $0x9FFFFFFF  }
0xc2: {  	(tm) =	ssettm $0x7FFFFFFF  }
0xc3: {  	_ =	shalt  }
tec
execute0_lowered:
.L_overlay_start_1:
0x0: {  	(tag) =	ssettag $0x1  }
0x1: {  	s6 =	rddreg [dreg:$0x0]  }
0x2: {  	s0 =	srdreg.scid;
	s2 =	rddreg [dreg:$0x1]  }
0x3: {  	s3 =	simm.s32 $0x0;
	s16 =	simm.s32 $0x7000;
	s5 =	sand.u32 $0x1, s0  }
0x4: {  	s17 =	simm.s32 $0x5;
	s0 =	stileid.u32;
	s8 =	smul.u32 $0x28000, s5  }
0x5: {  	s18 =	simm.s32 $0x1;
	s19 =	simm.s32 $0x3;
	s9 =	smul.u32 $0x50000, s0  }
0x6: {  	s20 =	simm.s32 $0x2;
	s21 =	simm.s32 $0x4;
	s22 =	smul.u32 $0x2800, s0  }
0x7: {  	[smem:$0x7FF] =	sst s3;
	s11 =	sadd.s32 $0xD600, s6;
	s13 =	smul.u32 $0xA0, s5  }
0x8: {  	s1 =	sshll.u32 s5, $0x4;
	s12 =	ssub.s32 $0x2, s5;
	s14 =	smul.u32 $0xA, s0  }
0x9: {  	s31 =	sshll.u32 s0, $0x6;
	s4 =	sor.u32 s0, s1;
	s1 =	rddreg [dreg:$0x2]  }
0xa: {  	_ =	strace $0x8000004A;
	s28 =	sshrl.u32 s12, $0x1;
	s7 =	smul.u32 $0x500, s4  }
0xb: {  	s4 =	sadd.s32 $0x21600, s6;
	s8 =	sadd.s32 s8, s6;
	s12 =	ssub.s32 s12, s28  }
0xc: {  	s29 =	sshrl.u32 s9, $0x2;
	s30 =	sadd.s32 s14, s13;
	s13 =	simm.s32 $0x2800  }
0xd: {  	s14 =	simm.s32 $0x80;
	s15 =	sadd.s32 s29, s2;
	s23 =	sadd.s32 $0x49600, s8  }
.Ltmp0:
0xe: {  	s9 =	sshll.u32 s30, $0x7;
	s8 =	smax.u32 s12, $0x1;
	(pc) =	sbr.rel .LBB2_1-.Ltmp0, $4  }
0xf: {  	s10 =	sadd.s32 s7, s6;
	s6 =	sadd.s32 s4, s22;
	s7 =	sadd.s32 s11, s7  }
0x10: {  	s9 =	sadd.s32 s9, s11;
	s11 =	sor.u32 $0x1C06, s31;
	s12 =	sshrl.u32 s15, $0x3  }
0x11: {  	s15 =	simm.s32 $0x3000;
	s22 =	sadd.s32 s22, s23;
	s23 =	simm.s32 $0x0  }
0x12: {  	s5 =	sadd.s32 $0x17600, s10;
	s9 =	sadd.s32 $0x80, s9;
	s10 =	simm.s32 $0x6  }
.LBB2_4:
0x13: {  	_ =	swait.ge [sflag:s20], $0x4000  }
0x14: {  	[sflag:s20] =	ssyncset.done $0x0  }
0x15: {  	[sflag:s20] =	ssyncadd.s32 $0xFFFFC000  }
0x16: {  	[spmem:s2] =	stream.indirect.scatter.add.f32 [tilespmem:s16], [sflag:$0x4], $0x80, s28, s14, $0xb8;
	[tilespmem:$0x1F000] =	vst v63  }
0x17: {  	_ =	swait.ge [sflag:s21], $0x4000  }
0x18: {  	s23 =	sadd.s32 $0x1, s23;
	[sflag:s21] =	ssyncset.done $0x0  }
0x19: {  	p0 =	sne.s32 s23, s8;
	[sflag:s21] =	ssyncadd.s32 $0xFFFFC000  }
.Ltmp1:
0x1a: {  	[bflag:$0x0] =	sbarrier.arrive $0xFFFF;
	(pc) =	sbr.rel @!p0 .LBB2_5-.Ltmp1, $4  }
0x1b: {  	[hbm:s22], [sflag:s11] =	dma.local [spmem:s12], $0x2800  }
0x1c: {  	_ =	swait.ge [sflag:s10], $0x2800  }
0x1d: {  	[sflag:s10] =	ssyncset.done $0x0  }
0x1e: {  	[sflag:s10] =	ssyncadd.s32 $0xFFFFD800  }
.LBB2_1:
0x1f: {  	[tilespmem:s3], [sflag:$0x6] =	stream.linear.gather [hbm4b:s5+s3], $0x2800, $0x38;
	[tilespmem:$0x1F000] =	vst v63  }
0x20: {  	_ =	swait.ge [sflag:s10], $0x2800  }
0x21: {  	[sflag:s10] =	ssyncset.done $0x0  }
0x22: {  	[sflag:s10] =	ssyncadd.s32 $0xFFFFD800  }
0x23: {  	[spmem:s12], [sflag:s11] =	dma.local [hbm:s6], $0x2800  }
0x24: {  	_ =	swait.ge [sflag:s10], $0x2800  }
0x25: {  	[sflag:s10] =	ssyncset.done $0x0  }
0x26: {  	[sflag:s10] =	ssyncadd.s32 $0xFFFFD800  }
0x27: {  	[tilespmem:s13], [sflag:$0x5] =	stream.linear.gather [hbm4b:s7+s3], $0x400, $0x38;
	[tilespmem:$0x1F000] =	vst v63  }
0x28: {  	[bflag:$0x0] =	sbarrier.arrive $0xFFFF  }
0x29: {  	[tilespmem:s15], [sflag:$0x1] =	stream.indirect.gather [hbm4b:s4+s14], $0x80, s3, s14, $0xb8;
	[tilespmem:$0x1F000] =	vst v63  }
0x2a: {  	s24 =	smov.u32 s9;
	s25 =	simm.s32 $0x0  }
0x2b: {  	[tilespmem:s16], [sflag:$0x2] =	stream.indirect.gather [hbm4b:s4+s14], $0x80, s14, s14, $0xb8;
	[tilespmem:$0x1F000] =	vst v63  }
.LBB2_2:
0x2c: {  	p0 =	seq.s32 s25, $0x9000  }
0x2d: {  	s26 =	sxor.u32 @!p0 $0xFFFFFFFF, s25  }
0x2e: {  	_ =	swait.ge [sflag:s17], $0x400;
	s26 =	sand.u32 @!p0 $0x1000, s26  }
0x2f: {  	[sflag:s17] =	ssyncset.done $0x0;
	s26 =	sshrl.u32 @!p0 s26, $0x2  }
0x30: {  	s28 =	simm.s32 @!p0 $0x0;
	[sflag:s17] =	ssyncadd.s32 $0xFFFFFC00;
	s26 =	sor.u32 @!p0 $0x2800, s26  }
0x31: {  	[tilespmem:s26], [sflag:$0x5] =	stream.linear.gather @!p0 [hbm4b:s24+s28], $0x400, $0x38;
	[tilespmem:$0x1F000] =	vst v63  }
0x32: {  	s30 =	sshrl.u32 s25, $0x2;
	_ =	swait.ge [sflag:s18], $0x4000  }
0x33: {  	s28 =	sand.u32 $0x400, s30;
	[sflag:s18] =	ssyncset.done $0x0  }
0x34: {  	s26 =	sor.u32 $0x2800, s28;
	[sflag:s18] =	ssyncadd.s32 $0xFFFFC000  }
0x35: {  	[spmem:s2] =	stream.indirect.scatter.add.f32 [tilespmem:s15], [sflag:$0x3], $0x80, s26, s14, $0xb8;
	[tilespmem:$0x1F000] =	vst v63  }
0x36: {  	_ =	swait.ge [sflag:s19], $0x4000  }
0x37: {  	s26 =	sshra.s32 s25, $0x2;
	[sflag:s19] =	ssyncset.done $0x0  }
0x38: {  	s29 =	sadd.s32 $0x100, s26;
	[sflag:s19] =	ssyncadd.s32 $0xFFFFC000  }
0x39: {  	[tilespmem:s15], [sflag:$0x1] =	stream.indirect.gather [hbm4b:s4+s14], $0x80, s29, s14, $0xb8;
	[tilespmem:$0x1F000] =	vst v63  }
0x3a: {  	_ =	swait.ge [sflag:s20], $0x4000  }
0x3b: {  	[sflag:s20] =	ssyncset.done $0x0  }
0x3c: {  	s31 =	sadd.s32 $0x2880, s28;
	[sflag:s20] =	ssyncadd.s32 $0xFFFFC000  }
0x3d: {  	[spmem:s2] =	stream.indirect.scatter.add.f32 [tilespmem:s16], [sflag:$0x4], $0x80, s31, s14, $0xb8;
	[tilespmem:$0x1F000] =	vst v63  }
0x3e: {  	_ =	swait.ge [sflag:s21], $0x4000  }
0x3f: {  	[sflag:s21] =	ssyncset.done $0x0  }
0x40: {  	s30 =	sadd.s32 $0x180, s26;
	[sflag:s21] =	ssyncadd.s32 $0xFFFFC000  }
0x41: {  	[tilespmem:s16], [sflag:$0x2] =	stream.indirect.gather [hbm4b:s4+s14], $0x80, s30, s14, $0xb8;
	[tilespmem:$0x1F000] =	vst v63  }
0x42: {  	_ =	swait.ge [sflag:s18], $0x4000  }
0x43: {  	[sflag:s18] =	ssyncset.done $0x0  }
0x44: {  	s31 =	sadd.s32 $0x2900, s28;
	[sflag:s18] =	ssyncadd.s32 $0xFFFFC000  }
0x45: {  	[spmem:s2] =	stream.indirect.scatter.add.f32 [tilespmem:s15], [sflag:$0x3], $0x80, s31, s14, $0xb8;
	[tilespmem:$0x1F000] =	vst v63  }
0x46: {  	_ =	swait.ge [sflag:s19], $0x4000  }
0x47: {  	[sflag:s19] =	ssyncset.done $0x0  }
0x48: {  	s30 =	sadd.s32 $0x200, s26;
	[sflag:s19] =	ssyncadd.s32 $0xFFFFC000  }
0x49: {  	[tilespmem:s15], [sflag:$0x1] =	stream.indirect.gather [hbm4b:s4+s14], $0x80, s30, s14, $0xb8;
	[tilespmem:$0x1F000] =	vst v63  }
0x4a: {  	_ =	swait.ge [sflag:s20], $0x4000  }
0x4b: {  	[sflag:s20] =	ssyncset.done $0x0  }
0x4c: {  	s31 =	sadd.s32 $0x2980, s28;
	[sflag:s20] =	ssyncadd.s32 $0xFFFFC000  }
0x4d: {  	[spmem:s2] =	stream.indirect.scatter.add.f32 [tilespmem:s16], [sflag:$0x4], $0x80, s31, s14, $0xb8;
	[tilespmem:$0x1F000] =	vst v63  }
0x4e: {  	_ =	swait.ge [sflag:s21], $0x4000  }
0x4f: {  	[sflag:s21] =	ssyncset.done $0x0  }
0x50: {  	s30 =	sadd.s32 $0x280, s26;
	[sflag:s21] =	ssyncadd.s32 $0xFFFFC000  }
0x51: {  	[tilespmem:s16], [sflag:$0x2] =	stream.indirect.gather [hbm4b:s4+s14], $0x80, s30, s14, $0xb8;
	[tilespmem:$0x1F000] =	vst v63  }
0x52: {  	_ =	swait.ge [sflag:s18], $0x4000  }
0x53: {  	[sflag:s18] =	ssyncset.done $0x0  }
0x54: {  	s31 =	sadd.s32 $0x2A00, s28;
	[sflag:s18] =	ssyncadd.s32 $0xFFFFC000  }
0x55: {  	[spmem:s2] =	stream.indirect.scatter.add.f32 [tilespmem:s15], [sflag:$0x3], $0x80, s31, s14, $0xb8;
	[tilespmem:$0x1F000] =	vst v63  }
0x56: {  	_ =	swait.ge [sflag:s19], $0x4000  }
0x57: {  	[sflag:s19] =	ssyncset.done $0x0  }
0x58: {  	s30 =	sadd.s32 $0x300, s26;
	[sflag:s19] =	ssyncadd.s32 $0xFFFFC000  }
0x59: {  	[tilespmem:s15], [sflag:$0x1] =	stream.indirect.gather [hbm4b:s4+s14], $0x80, s30, s14, $0xb8;
	[tilespmem:$0x1F000] =	vst v63  }
0x5a: {  	_ =	swait.ge [sflag:s20], $0x4000  }
0x5b: {  	[sflag:s20] =	ssyncset.done $0x0  }
0x5c: {  	s31 =	sadd.s32 $0x2A80, s28;
	[sflag:s20] =	ssyncadd.s32 $0xFFFFC000  }
0x5d: {  	[spmem:s2] =	stream.indirect.scatter.add.f32 [tilespmem:s16], [sflag:$0x4], $0x80, s31, s14, $0xb8;
	[tilespmem:$0x1F000] =	vst v63  }
0x5e: {  	_ =	swait.ge [sflag:s21], $0x4000  }
0x5f: {  	[sflag:s21] =	ssyncset.done $0x0  }
0x60: {  	s30 =	sadd.s32 $0x380, s26;
	[sflag:s21] =	ssyncadd.s32 $0xFFFFC000  }
0x61: {  	[tilespmem:s16], [sflag:$0x2] =	stream.indirect.gather [hbm4b:s4+s14], $0x80, s30, s14, $0xb8;
	[tilespmem:$0x1F000] =	vst v63  }
0x62: {  	_ =	swait.ge [sflag:s18], $0x4000  }
0x63: {  	[sflag:s18] =	ssyncset.done $0x0  }
.Ltmp2:
0x64: {  	s31 =	sadd.s32 $0x2B00, s28;
	[sflag:s18] =	ssyncadd.s32 $0xFFFFC000;
	(pc) =	sbr.rel @p0 .LBB2_4-.Ltmp2, $4  }
0x65: {  	[spmem:s2] =	stream.indirect.scatter.add.f32 [tilespmem:s15], [sflag:$0x3], $0x80, s31, s14, $0xb8;
	[tilespmem:$0x1F000] =	vst v63  }
0x66: {  	_ =	swait.ge [sflag:s19], $0x4000  }
0x67: {  	[sflag:s19] =	ssyncset.done $0x0  }
0x68: {  	s28 =	sadd.s32 $0x2B80, s28;
	[sflag:s19] =	ssyncadd.s32 $0xFFFFC000  }
0x69: {  	s29 =	sadd.s32 $0x400, s26  }
0x6a: {  	[tilespmem:s15], [sflag:$0x1] =	stream.indirect.gather [hbm4b:s4+s14], $0x80, s29, s14, $0xb8;
	[tilespmem:$0x1F000] =	vst v63  }
0x6b: {  	_ =	swait.ge [sflag:s20], $0x4000  }
0x6c: {  	[sflag:s20] =	ssyncset.done $0x0  }
0x6d: {  	[sflag:s20] =	ssyncadd.s32 $0xFFFFC000  }
0x6e: {  	[spmem:s2] =	stream.indirect.scatter.add.f32 [tilespmem:s16], [sflag:$0x4], $0x80, s28, s14, $0xb8;
	[tilespmem:$0x1F000] =	vst v63  }
.Ltmp3:
0x6f: {  	_ = 	snop;
	(pc) =	sbr.rel .LBB2_2-.Ltmp3, $4  }
0x70: {  	_ =	swait.ge [sflag:s21], $0x4000  }
0x71: {  	s31 =	sadd.s32 $0x480, s26;
	[sflag:s21] =	ssyncset.done $0x0  }
0x72: {  	s25 =	sadd.s32 $0x1000, s25;
	s24 =	sadd.s32 $0x80, s24;
	[sflag:s21] =	ssyncadd.s32 $0xFFFFC000  }
0x73: {  	[tilespmem:s16], [sflag:$0x2] =	stream.indirect.gather [hbm4b:s4+s14], $0x80, s31, s14, $0xb8;
	[tilespmem:$0x1F000] =	vst v63  }
.LBB2_5:
0x74: {  	_ =	sfence.sel $0x180000  }
0x75: {  	[bflag:$0x0] =	sbarrier.arrive $0xFFFF  }
0x76: {  	p0 =	sne.s32 s0, $0x0;
	_ =	strace $0x9000004A  }
0x77: {  	s0 =	sadd.s32 @!p0 $0x100000, s1;
	[bflag:$0x2] =	sbarrier.arrive $0xFFFF  }
0x78: {  	[sflag:s0] =	ssyncadd.tile.s32 @!p0 $0x1;
	_ =	shalt  }
.Lfunc_end2:
_tile_overlayer_lowered:
.L_overlay_start_2:
0x79: {  	(tag) =	ssettag $0x2  }
0x7a: {  	s0 =	rddreg [dreg:$0x0];
	s2 =	stileid.u32  }
0x7b: {  	s1 =	rddreg [dreg:$0x1];
	p0 =	sne.s32 s2, $0x0  }
0x7c: {  	s3 =	rddreg [dreg:$0x2];
	[bflag:$0x3] =	sbarrier.arrive $0xFFFF;
	s2 =	simm.s32 @!p0 $0x1C06  }
0x7d: {  	[timem:s3], [sflag:s2] =	dma.local @!p0 [hbm:s0], s1  }
0x7e: {  	s0 =	simm.s32 @!p0 $0x6  }
0x7f: {  	_ =	swait.ge @!p0 [sflag:s0], s1  }
0x80: {  	s1 =	ssub.s32 @!p0 $0x0, s1;
	[sflag:s0] =	ssyncset.done @!p0 $0x0  }
0x81: {  	[sflag:s0] =	ssyncadd.s32 @!p0 s1  }
0x82: {  	[bflag:$0x3] =	sbarrier.arrive $0xFFFF  }
0x83: {  	_ =	shalt  }

// kernel: kernel.14.cloned.1.call-start
scs
__scs_entry_jumppad:
0x0: {  	(pc) =	sbr.rel $0x88, $3  }
0x1: {  	(tag) =	ssettag $0x0;
	lr =	simm.s32 $0x1  }
0x2: {  	[smem:$0x3F96] =	sst lr;
	_ =	strace $0xD0000000  }
0x3: {  	_ = 	snop  }
0x4: {  	_ = 	snop  }
0x5: {  	_ = 	snop  }
0x6: {  	_ = 	snop  }
0x7: {  	_ = 	snop  }
__scs_overlays_trampoline_lowered:
0x8: {  	[smem:$0x3FA5] =	sst s0  }
0x9: {  	[smem:$0x3FA6] =	sst s1  }
0xa: {  	[smem:$0x3FA7] =	sst s2  }
0xb: {  	[smem:$0x3FA8] =	sst s3  }
0xc: {  	[smem:$0x3FA9] =	sst s4  }
0xd: {  	[smem:$0x3FAA] =	sst s5  }
0xe: {  	[smem:$0x3FAB] =	sst s6  }
0xf: {  	[smem:$0x3FAC] =	sst s7  }
0x10: {  	[smem:$0x3FAD] =	sst s8  }
0x11: {  	[smem:$0x3FAE] =	sst s9;
	s0 =	simm.s32 @!p0 $0x0  }
0x12: {  	s1 =	sld [smem:$0x3F94];
	s0 =	simm.s32 @p0 $0x1  }
0x13: {  	[smem:$0x3FAF] =	sst s0;
	s0 =	simm.s32 @!p1 $0x0  }
0x14: {  	s2 =	sld [smem:$0x3F93];
	s0 =	simm.s32 @p1 $0x1  }
0x15: {  	[smem:$0x3FB0] =	sst s0;
	s0 =	simm.s32 @!p2 $0x0  }
0x16: {  	s3 =	sld [smem:$0x3FDB];
	s0 =	simm.s32 @p2 $0x1  }
0x17: {  	s4 =	simm.s32 $0x1BF5;
	[smem:$0x3FB2] =	sst s0  }
0x18: {  	s0 =	sld [smem:$0x3F95];
	_ =	swait.ge [sflag:s4], $0x0  }
0x19: {  	s7 =	sld [smem:$0x3F96]  }
0x1a: {  	s8 =	sadd.s32 $0xFFFFE003, lr  }
0x1b: {  	s9 =	sadd.s32 $0xFFFFFEF7, lr;
	s5 =	simm.s32 $0xFFFFFFFF;
	p2 =	slt.u32 s8, $0xFFFFF086  }
0x1c: {  	p1 =	slt.u32 s9, $0xF7A;
	s5 =	simm.s32 @!p2 $0x0  }
0x1d: {  	s5 =	simm.s32 @p1 $0x1;
	p0 =	seq.s32 s7, s2  }
0x1e: {  	s7 =	smul.u32 @!p0 $0xF7A, s2;
	p2 =	seq.s32 @!p0 s5, $0x0  }
0x1f: {  	s9 =	smul.u32 $0xF7A, s1;
	s8 =	simm.s32 @!p0 $0x1BF5;
	p2 =	por !p2, p0  }
0x20: {  	[sflag:s8] =	ssyncset.s32 @!p0 $0xFFFFF086;
	s6 =	sadd.s32 @!p0 s3, s7;
	s7 =	simm.s32 @!p0 $0x108  }
0x21: {  	s3 =	sadd.s32 s3, s9;
	s6 =	sadd.s32 @!p0 $0x88, s6;
	s7 =	simm.s32 @p2 $0x1082  }
0x22: {  	[simem:s7], [sflag:s8] =	dma.local @!p0 [hbm:s6], $0xF7A  }
0x23: {  	s9 =	sor.u32 $0xD0000000, s2;
	s6 =	simm.s32 $0x108;
	_ =	swait.ge @!p0 [sflag:s8], $0x0  }
0x24: {  	s3 =	sadd.s32 $0x88, s3;
	s6 =	simm.s32 @!p1 $0x1082;
	[sflag:s4] =	ssyncset.s32 $0xFFFFF086  }
0x25: {  	[simem:s6], [sflag:s4] =	dma.local [hbm:s3], $0xF7A  }
0x26: {  	[smem:$0x3F96] =	sst s1;
	(tag) =	ssettag s2;
	_ =	strace s9  }
0x27: {  	s1 =	sld [smem:$0x3FA6]  }
0x28: {  	s2 =	sld [smem:$0x3FA7]  }
0x29: {  	s4 =	sld [smem:$0x3FA9]  }
0x2a: {  	p0 =	seq.s32 s5, $0x0;
	s5 =	sld [smem:$0x3FAA]  }
0x2b: {  	s6 =	sld [smem:$0x3FAB]  }
0x2c: {  	s7 =	sld [smem:$0x3FAC]  }
0x2d: {  	s3 =	simm.s32 $0x108;
	s8 =	sld [smem:$0x3FAD]  }
0x2e: {  	s3 =	simm.s32 @!p0 $0x1082;
	s9 =	sld [smem:$0x3FAE]  }
0x2f: {  	lr =	sadd.s32 s0, s3;
	s0 =	sld [smem:$0x3FA5]  }
0x30: {  	s3 =	sld [smem:$0x3FA8]  }
0x31: {  	[smem:$0x3FB1] =	sst s10  }
0x32: {  	s10 =	sld [smem:$0x3FAF];
	_ =	sdelay $0x3  }
0x33: {  	p0 =	seq.s32 s10, $0x1;
	s10 =	sld [smem:$0x3FB1];
	_ =	sdelay $0x3  }
0x34: {  	[smem:$0x3FB1] =	sst s10  }
0x35: {  	s10 =	sld [smem:$0x3FB0];
	_ =	sdelay $0x3  }
0x36: {  	p1 =	seq.s32 s10, $0x1;
	s10 =	sld [smem:$0x3FB1];
	_ =	sdelay $0x3  }
0x37: {  	[smem:$0x3FB1] =	sst s10  }
0x38: {  	s10 =	sld [smem:$0x3FB2]  }
0x39: {  	_ = 	snop;
	(pc) =	sbr.ind lr, $3  }
0x3a: {  	_ = 	snop  }
0x3b: {  	_ = 	snop  }
0x3c: {  	p2 =	seq.s32 s10, $0x1;
	s10 =	sld [smem:$0x3FB1]  }
0x3d: {  	_ =	shalt  }
0x3e: {  	_ =	shalt  }
0x3f: {  	_ =	shalt  }
0x40: {  	_ =	shalt  }
0x41: {  	_ =	shalt  }
0x42: {  	_ =	shalt  }
0x43: {  	_ =	shalt  }
0x44: {  	_ =	shalt  }
0x45: {  	_ =	shalt  }
0x46: {  	_ =	shalt  }
0x47: {  	_ =	shalt  }
0x48: {  	_ =	shalt  }
0x49: {  	_ =	shalt  }
0x4a: {  	_ =	shalt  }
0x4b: {  	_ =	shalt  }
0x4c: {  	_ =	shalt  }
0x4d: {  	_ =	shalt  }
0x4e: {  	_ =	shalt  }
0x4f: {  	_ =	shalt  }
0x50: {  	_ =	shalt  }
0x51: {  	_ =	shalt  }
0x52: {  	_ =	shalt  }
0x53: {  	_ =	shalt  }
0x54: {  	_ =	shalt  }
0x55: {  	_ =	shalt  }
0x56: {  	_ =	shalt  }
0x57: {  	_ =	shalt  }
0x58: {  	_ =	shalt  }
0x59: {  	_ =	shalt  }
0x5a: {  	_ =	shalt  }
0x5b: {  	_ =	shalt  }
0x5c: {  	_ =	shalt  }
0x5d: {  	_ =	shalt  }
0x5e: {  	_ =	shalt  }
0x5f: {  	_ =	shalt  }
0x60: {  	_ =	shalt  }
0x61: {  	_ =	shalt  }
0x62: {  	_ =	shalt  }
0x63: {  	_ =	shalt  }
0x64: {  	_ =	shalt  }
0x65: {  	_ =	shalt  }
0x66: {  	_ =	shalt  }
0x67: {  	_ =	shalt  }
0x68: {  	_ =	shalt  }
0x69: {  	_ =	shalt  }
0x6a: {  	_ =	shalt  }
0x6b: {  	_ =	shalt  }
0x6c: {  	_ =	shalt  }
0x6d: {  	_ =	shalt  }
0x6e: {  	_ =	shalt  }
0x6f: {  	_ =	shalt  }
0x70: {  	_ =	shalt  }
0x71: {  	_ =	shalt  }
0x72: {  	_ =	shalt  }
0x73: {  	_ =	shalt  }
0x74: {  	_ =	shalt  }
0x75: {  	_ =	shalt  }
0x76: {  	_ =	shalt  }
0x77: {  	_ =	shalt  }
0x78: {  	_ =	shalt  }
0x79: {  	_ =	shalt  }
0x7a: {  	_ =	shalt  }
0x7b: {  	_ =	shalt  }
0x7c: {  	_ =	shalt  }
0x7d: {  	_ =	shalt  }
0x7e: {  	_ =	shalt  }
0x7f: {  	_ =	shalt  }
0x80: {  	_ =	shalt  }
0x81: {  	_ =	shalt  }
0x82: {  	_ =	shalt  }
0x83: {  	_ =	shalt  }
0x84: {  	_ =	shalt  }
0x85: {  	_ =	shalt  }
0x86: {  	_ =	shalt  }
0x87: {  	_ =	shalt  }
.Lfunc_end0:
.L_simem_size_0:
called_computation.2_lowered:
.L_overlay_start_0:
0x88: {  	s2 =	sld [smem:$0x3FD9]  }
0x89: {  	s3 =	sld [smem:$0x3FFE];
	_ =	sdelay $0x1  }
0x8a: {  	s1 =	srdreg.scid  }
0x8b: {  	s0 =	sand.u32 $0x1, s1  }
0x8c: {  	s16 =	sshll.u32 s0, $0xA;
	s2 =	sadd.s32 s3, s2  }
0x8d: {  	s2 =	sadd.s32 s2, s16  }
0x8e: {  	[smem:$0x3FBD] =	sst s2  }
0x8f: {  	_ = 	snop  }
0x90: {  	(tm) =	ssettm $0x1  }
0x91: {  	s17 =	sld [smem:$0x3FFB];
	_ =	sdelay $0x3  }
0x92: {  	_ =	strace s17  }
0x93: {  	s2 =	sld [smem:$0x3FFC];
	_ =	sdelay $0x3  }
0x94: {  	_ =	strace s2  }
0x95: {  	s2 =	sld [smem:$0x3FFD];
	_ =	sdelay $0x3  }
0x96: {  	_ =	strace s2  }
0x97: {  	_ =	strace $0x8FFFFFFF  }
0x98: {  	s18 =	sld [smem:$0x3FDB];
	_ =	sdelay $0x1  }
0x99: {  	s19 =	simm.s32 $_scs_section_size  }
0x9a: {  	s4 =	simm.s32 $_size__tile_overlayer_lowered;
	s5 =	simm.s32 $_tile_overlayer_lowered  }
0x9b: {  	s22 =	simm.s32 $0x1BFF;
	s21 =	sshll.u32 s5, $0x1;
	s2 =	sadd.s32 s19, s18  }
0x9c: {  	s6 =	simm.s32 $0x0;
	s20 =	sshll.u32 s4, $0x1;
	s4 =	sadd.s32 s21, s2  }
0x9d: {  	[timem:s6], [sflag:s22] =	dma.local [hbm:s4], s20  }
0x9e: {  	_ =	swait.ge [sflag:s22], s20  }
0x9f: {  	s3 =	ssub.s32 $0x0, s20;
	[sflag:s22] =	ssyncset.done $0x0  }
0xa0: {  	[sflag:s22] =	ssyncadd.s32 s3;
	_ =	sdelay $0x1  }
0xa1: {  	s23 =	simm.s32 $0x1B8B  }
0xa2: {  	_ =	swait.ge [sflag:s23], $0x1  }
0xa3: {  	[sflag:s23] =	ssyncset.done $0x0  }
0xa4: {  	s25 =	simm.s32 $0x1B8E;
	s24 =	sld [smem:$0x3FFE];
	[sflag:s23] =	ssyncadd.s32 $0xFFFFFFFF  }
0xa5: {  	s26 =	simm.s32 $execute0_lowered;
	[smem:$0x3FD2] =	sst s25  }
0xa6: {  	s4 =	sshll.u32 s26, $0x1;
	_ =	strace $0x8000004C;
	[dreg:$0x1] =	wrdreg $0xFFFFFFFF  }
0xa7: {  	s28 =	simm.s32 $_size_execute0_lowered;
	s2 =	sadd.s32 s2, s4;
	[dreg:$0x0] =	wrdreg $0x0  }
0xa8: {  	s4 =	sshll.u32 s28, $0x1;
	[dreg:$0x2] =	wrdreg s2  }
0xa9: {  	[dreg:$0x3] =	wrdreg s4  }
0xaa: {  	[dreg:$0x4] =	wrdreg $0xC0  }
0xab: {  	_ =	task [dreg:s6], $0x5FFFF  }
0xac: {  	[dreg:$0x1] =	wrdreg $0xFFFFFFFF  }
0xad: {  	[dreg:$0x0] =	wrdreg $0x60  }
0xae: {  	[dreg:$0x2] =	wrdreg s24  }
0xaf: {  	[dreg:$0x3] =	wrdreg $0xB0000  }
0xb0: {  	[dreg:$0x4] =	wrdreg $0x9  }
0xb1: {  	_ =	task.clear_ibuf [dreg:s6], $0x5FFFF;
	_ =	strace $0x9000004C  }
0xb2: {  	s29 =	simm.s32 $0x9;
	_ =	strace $0x8000004E  }
0xb3: {  	_ =	swait.ge [sflag:s29], $0x1  }
0xb4: {  	[sflag:s29] =	ssyncadd.s32 $0xFFFFFFFF  }
0xb5: {  	_ =	strace $0x9000004E  }
0xb6: {  	_ =	sfence  }
0xb7: {  	s30 =	sld [smem:$0x0];
	_ =	sdelay $0x2  }
0xb8: {  	s31 =	sshll.u32 s1, $0xD;
	s1 =	sshrl.u32 s1, $0x2  }
0xb9: {  	s3 =	sand.u32 $0x4000, s31;
	s1 =	sadd.s32 s1, s30  }
0xba: {  	s0 =	sor.u32 s3, s0;
	s1 =	sshll.u32 s1, $0x11  }
0xbb: {  	s0 =	sor.u32 s1, s0  }
0xbc: {  	s0 =	sadd.s32 $0x8F2B, s0  }
0xbd: {  	[sflag:s0] =	ssyncadd.remote.s32 $0x1  }
0xbe: {  	_ =	sfence.sel $0xFFFF  }
0xbf: {  	[dreg:$0x0] =	wrdreg $0xFFFFFFFF;
	(pc) =	sbr.abs _section_cstart, $3  }
0xc0: {  	[dreg:$0x1] =	wrdreg $0xFFFFFFFF  }
0xc1: {  	_ =	task.clear_ibuf [dreg:s6], $0x2FFFF;
	_ =	strace $0x9FFFFFFF  }
0xc2: {  	(tm) =	ssettm $0x7FFFFFFF  }
0xc3: {  	_ =	shalt  }
tec
execute0_lowered:
.L_overlay_start_1:
0x0: {  	(tag) =	ssettag $0x1  }
0x1: {  	s6 =	rddreg [dreg:$0x0]  }
0x2: {  	s0 =	srdreg.scid;
	s2 =	rddreg [dreg:$0x1]  }
0x3: {  	s3 =	simm.s32 $0x0;
	s16 =	simm.s32 $0x7000;
	s5 =	sand.u32 $0x1, s0  }
0x4: {  	s17 =	simm.s32 $0x5;
	s0 =	stileid.u32;
	s8 =	smul.u32 $0x28000, s5  }
0x5: {  	s18 =	simm.s32 $0x1;
	s19 =	simm.s32 $0x3;
	s9 =	smul.u32 $0x50000, s0  }
0x6: {  	s20 =	simm.s32 $0x2;
	s21 =	simm.s32 $0x4;
	s22 =	smul.u32 $0x2800, s0  }
0x7: {  	[smem:$0x7FF] =	sst s3;
	s11 =	sadd.s32 $0xD600, s6;
	s13 =	smul.u32 $0xA0, s5  }
0x8: {  	s1 =	sshll.u32 s5, $0x4;
	s12 =	ssub.s32 $0x2, s5;
	s14 =	smul.u32 $0xA, s0  }
0x9: {  	s31 =	sshll.u32 s0, $0x6;
	s4 =	sor.u32 s0, s1;
	s1 =	rddreg [dreg:$0x2]  }
0xa: {  	_ =	strace $0x8000004D;
	s28 =	sshrl.u32 s12, $0x1;
	s7 =	smul.u32 $0x500, s4  }
0xb: {  	s4 =	sadd.s32 $0x21600, s6;
	s8 =	sadd.s32 s8, s6;
	s12 =	ssub.s32 s12, s28  }
0xc: {  	s29 =	sshrl.u32 s9, $0x2;
	s30 =	sadd.s32 s14, s13;
	s13 =	simm.s32 $0x2800  }
0xd: {  	s14 =	simm.s32 $0x80;
	s15 =	sadd.s32 s29, s2;
	s23 =	sadd.s32 $0x49600, s8  }
.Ltmp0:
0xe: {  	s9 =	sshll.u32 s30, $0x7;
	s8 =	smax.u32 s12, $0x1;
	(pc) =	sbr.rel .LBB2_1-.Ltmp0, $4  }
0xf: {  	s10 =	sadd.s32 s7, s6;
	s6 =	sadd.s32 s4, s22;
	s7 =	sadd.s32 s11, s7  }
0x10: {  	s9 =	sadd.s32 s9, s11;
	s11 =	sor.u32 $0x1C06, s31;
	s12 =	sshrl.u32 s15, $0x3  }
0x11: {  	s15 =	simm.s32 $0x3000;
	s22 =	sadd.s32 s22, s23;
	s23 =	simm.s32 $0x0  }
0x12: {  	s5 =	sadd.s32 $0x17600, s10;
	s9 =	sadd.s32 $0x80, s9;
	s10 =	simm.s32 $0x6  }
.LBB2_4:
0x13: {  	_ =	swait.ge [sflag:s20], $0x4000  }
0x14: {  	[sflag:s20] =	ssyncset.done $0x0  }
0x15: {  	[sflag:s20] =	ssyncadd.s32 $0xFFFFC000  }
0x16: {  	[spmem:s2] =	stream.indirect.scatter.add.f32 [tilespmem:s16], [sflag:$0x4], $0x80, s28, s14, $0xb8;
	[tilespmem:$0x1F000] =	vst v63  }
0x17: {  	_ =	swait.ge [sflag:s21], $0x4000  }
0x18: {  	s23 =	sadd.s32 $0x1, s23;
	[sflag:s21] =	ssyncset.done $0x0  }
0x19: {  	p0 =	sne.s32 s23, s8;
	[sflag:s21] =	ssyncadd.s32 $0xFFFFC000  }
.Ltmp1:
0x1a: {  	[bflag:$0x0] =	sbarrier.arrive $0xFFFF;
	(pc) =	sbr.rel @!p0 .LBB2_5-.Ltmp1, $4  }
0x1b: {  	[hbm:s22], [sflag:s11] =	dma.local [spmem:s12], $0x2800  }
0x1c: {  	_ =	swait.ge [sflag:s10], $0x2800  }
0x1d: {  	[sflag:s10] =	ssyncset.done $0x0  }
0x1e: {  	[sflag:s10] =	ssyncadd.s32 $0xFFFFD800  }
.LBB2_1:
0x1f: {  	[tilespmem:s3], [sflag:$0x6] =	stream.linear.gather [hbm4b:s5+s3], $0x2800, $0x38;
	[tilespmem:$0x1F000] =	vst v63  }
0x20: {  	_ =	swait.ge [sflag:s10], $0x2800  }
0x21: {  	[sflag:s10] =	ssyncset.done $0x0  }
0x22: {  	[sflag:s10] =	ssyncadd.s32 $0xFFFFD800  }
0x23: {  	[spmem:s12], [sflag:s11] =	dma.local [hbm:s6], $0x2800  }
0x24: {  	_ =	swait.ge [sflag:s10], $0x2800  }
0x25: {  	[sflag:s10] =	ssyncset.done $0x0  }
0x26: {  	[sflag:s10] =	ssyncadd.s32 $0xFFFFD800  }
0x27: {  	[tilespmem:s13], [sflag:$0x5] =	stream.linear.gather [hbm4b:s7+s3], $0x400, $0x38;
	[tilespmem:$0x1F000] =	vst v63  }
0x28: {  	[bflag:$0x0] =	sbarrier.arrive $0xFFFF  }
0x29: {  	[tilespmem:s15], [sflag:$0x1] =	stream.indirect.gather [hbm4b:s4+s14], $0x80, s3, s14, $0xb8;
	[tilespmem:$0x1F000] =	vst v63  }
0x2a: {  	s24 =	smov.u32 s9;
	s25 =	simm.s32 $0x0  }
0x2b: {  	[tilespmem:s16], [sflag:$0x2] =	stream.indirect.gather [hbm4b:s4+s14], $0x80, s14, s14, $0xb8;
	[tilespmem:$0x1F000] =	vst v63  }
.LBB2_2:
0x2c: {  	p0 =	seq.s32 s25, $0x9000  }
0x2d: {  	s26 =	sxor.u32 @!p0 $0xFFFFFFFF, s25  }
0x2e: {  	_ =	swait.ge [sflag:s17], $0x400;
	s26 =	sand.u32 @!p0 $0x1000, s26  }
0x2f: {  	[sflag:s17] =	ssyncset.done $0x0;
	s26 =	sshrl.u32 @!p0 s26, $0x2  }
0x30: {  	s28 =	simm.s32 @!p0 $0x0;
	[sflag:s17] =	ssyncadd.s32 $0xFFFFFC00;
	s26 =	sor.u32 @!p0 $0x2800, s26  }
0x31: {  	[tilespmem:s26], [sflag:$0x5] =	stream.linear.gather @!p0 [hbm4b:s24+s28], $0x400, $0x38;
	[tilespmem:$0x1F000] =	vst v63  }
0x32: {  	s30 =	sshrl.u32 s25, $0x2;
	_ =	swait.ge [sflag:s18], $0x4000  }
0x33: {  	s28 =	sand.u32 $0x400, s30;
	[sflag:s18] =	ssyncset.done $0x0  }
0x34: {  	s26 =	sor.u32 $0x2800, s28;
	[sflag:s18] =	ssyncadd.s32 $0xFFFFC000  }
0x35: {  	[spmem:s2] =	stream.indirect.scatter.add.f32 [tilespmem:s15], [sflag:$0x3], $0x80, s26, s14, $0xb8;
	[tilespmem:$0x1F000] =	vst v63  }
0x36: {  	_ =	swait.ge [sflag:s19], $0x4000  }
0x37: {  	s26 =	sshra.s32 s25, $0x2;
	[sflag:s19] =	ssyncset.done $0x0  }
0x38: {  	s29 =	sadd.s32 $0x100, s26;
	[sflag:s19] =	ssyncadd.s32 $0xFFFFC000  }
0x39: {  	[tilespmem:s15], [sflag:$0x1] =	stream.indirect.gather [hbm4b:s4+s14], $0x80, s29, s14, $0xb8;
	[tilespmem:$0x1F000] =	vst v63  }
0x3a: {  	_ =	swait.ge [sflag:s20], $0x4000  }
0x3b: {  	[sflag:s20] =	ssyncset.done $0x0  }
0x3c: {  	s31 =	sadd.s32 $0x2880, s28;
	[sflag:s20] =	ssyncadd.s32 $0xFFFFC000  }
0x3d: {  	[spmem:s2] =	stream.indirect.scatter.add.f32 [tilespmem:s16], [sflag:$0x4], $0x80, s31, s14, $0xb8;
	[tilespmem:$0x1F000] =	vst v63  }
0x3e: {  	_ =	swait.ge [sflag:s21], $0x4000  }
0x3f: {  	[sflag:s21] =	ssyncset.done $0x0  }
0x40: {  	s30 =	sadd.s32 $0x180, s26;
	[sflag:s21] =	ssyncadd.s32 $0xFFFFC000  }
0x41: {  	[tilespmem:s16], [sflag:$0x2] =	stream.indirect.gather [hbm4b:s4+s14], $0x80, s30, s14, $0xb8;
	[tilespmem:$0x1F000] =	vst v63  }
0x42: {  	_ =	swait.ge [sflag:s18], $0x4000  }
0x43: {  	[sflag:s18] =	ssyncset.done $0x0  }
0x44: {  	s31 =	sadd.s32 $0x2900, s28;
	[sflag:s18] =	ssyncadd.s32 $0xFFFFC000  }
0x45: {  	[spmem:s2] =	stream.indirect.scatter.add.f32 [tilespmem:s15], [sflag:$0x3], $0x80, s31, s14, $0xb8;
	[tilespmem:$0x1F000] =	vst v63  }
0x46: {  	_ =	swait.ge [sflag:s19], $0x4000  }
0x47: {  	[sflag:s19] =	ssyncset.done $0x0  }
0x48: {  	s30 =	sadd.s32 $0x200, s26;
	[sflag:s19] =	ssyncadd.s32 $0xFFFFC000  }
0x49: {  	[tilespmem:s15], [sflag:$0x1] =	stream.indirect.gather [hbm4b:s4+s14], $0x80, s30, s14, $0xb8;
	[tilespmem:$0x1F000] =	vst v63  }
0x4a: {  	_ =	swait.ge [sflag:s20], $0x4000  }
0x4b: {  	[sflag:s20] =	ssyncset.done $0x0  }
0x4c: {  	s31 =	sadd.s32 $0x2980, s28;
	[sflag:s20] =	ssyncadd.s32 $0xFFFFC000  }
0x4d: {  	[spmem:s2] =	stream.indirect.scatter.add.f32 [tilespmem:s16], [sflag:$0x4], $0x80, s31, s14, $0xb8;
	[tilespmem:$0x1F000] =	vst v63  }
0x4e: {  	_ =	swait.ge [sflag:s21], $0x4000  }
0x4f: {  	[sflag:s21] =	ssyncset.done $0x0  }
0x50: {  	s30 =	sadd.s32 $0x280, s26;
	[sflag:s21] =	ssyncadd.s32 $0xFFFFC000  }
0x51: {  	[tilespmem:s16], [sflag:$0x2] =	stream.indirect.gather [hbm4b:s4+s14], $0x80, s30, s14, $0xb8;
	[tilespmem:$0x1F000] =	vst v63  }
0x52: {  	_ =	swait.ge [sflag:s18], $0x4000  }
0x53: {  	[sflag:s18] =	ssyncset.done $0x0  }
0x54: {  	s31 =	sadd.s32 $0x2A00, s28;
	[sflag:s18] =	ssyncadd.s32 $0xFFFFC000  }
0x55: {  	[spmem:s2] =	stream.indirect.scatter.add.f32 [tilespmem:s15], [sflag:$0x3], $0x80, s31, s14, $0xb8;
	[tilespmem:$0x1F000] =	vst v63  }
0x56: {  	_ =	swait.ge [sflag:s19], $0x4000  }
0x57: {  	[sflag:s19] =	ssyncset.done $0x0  }
0x58: {  	s30 =	sadd.s32 $0x300, s26;
	[sflag:s19] =	ssyncadd.s32 $0xFFFFC000  }
0x59: {  	[tilespmem:s15], [sflag:$0x1] =	stream.indirect.gather [hbm4b:s4+s14], $0x80, s30, s14, $0xb8;
	[tilespmem:$0x1F000] =	vst v63  }
0x5a: {  	_ =	swait.ge [sflag:s20], $0x4000  }
0x5b: {  	[sflag:s20] =	ssyncset.done $0x0  }
0x5c: {  	s31 =	sadd.s32 $0x2A80, s28;
	[sflag:s20] =	ssyncadd.s32 $0xFFFFC000  }
0x5d: {  	[spmem:s2] =	stream.indirect.scatter.add.f32 [tilespmem:s16], [sflag:$0x4], $0x80, s31, s14, $0xb8;
	[tilespmem:$0x1F000] =	vst v63  }
0x5e: {  	_ =	swait.ge [sflag:s21], $0x4000  }
0x5f: {  	[sflag:s21] =	ssyncset.done $0x0  }
0x60: {  	s30 =	sadd.s32 $0x380, s26;
	[sflag:s21] =	ssyncadd.s32 $0xFFFFC000  }
0x61: {  	[tilespmem:s16], [sflag:$0x2] =	stream.indirect.gather [hbm4b:s4+s14], $0x80, s30, s14, $0xb8;
	[tilespmem:$0x1F000] =	vst v63  }
0x62: {  	_ =	swait.ge [sflag:s18], $0x4000  }
0x63: {  	[sflag:s18] =	ssyncset.done $0x0  }
.Ltmp2:
0x64: {  	s31 =	sadd.s32 $0x2B00, s28;
	[sflag:s18] =	ssyncadd.s32 $0xFFFFC000;
	(pc) =	sbr.rel @p0 .LBB2_4-.Ltmp2, $4  }
0x65: {  	[spmem:s2] =	stream.indirect.scatter.add.f32 [tilespmem:s15], [sflag:$0x3], $0x80, s31, s14, $0xb8;
	[tilespmem:$0x1F000] =	vst v63  }
0x66: {  	_ =	swait.ge [sflag:s19], $0x4000  }
0x67: {  	[sflag:s19] =	ssyncset.done $0x0  }
0x68: {  	s28 =	sadd.s32 $0x2B80, s28;
	[sflag:s19] =	ssyncadd.s32 $0xFFFFC000  }
0x69: {  	s29 =	sadd.s32 $0x400, s26  }
0x6a: {  	[tilespmem:s15], [sflag:$0x1] =	stream.indirect.gather [hbm4b:s4+s14], $0x80, s29, s14, $0xb8;
	[tilespmem:$0x1F000] =	vst v63  }
0x6b: {  	_ =	swait.ge [sflag:s20], $0x4000  }
0x6c: {  	[sflag:s20] =	ssyncset.done $0x0  }
0x6d: {  	[sflag:s20] =	ssyncadd.s32 $0xFFFFC000  }
0x6e: {  	[spmem:s2] =	stream.indirect.scatter.add.f32 [tilespmem:s16], [sflag:$0x4], $0x80, s28, s14, $0xb8;
	[tilespmem:$0x1F000] =	vst v63  }
.Ltmp3:
0x6f: {  	_ = 	snop;
	(pc) =	sbr.rel .LBB2_2-.Ltmp3, $4  }
0x70: {  	_ =	swait.ge [sflag:s21], $0x4000  }
0x71: {  	s31 =	sadd.s32 $0x480, s26;
	[sflag:s21] =	ssyncset.done $0x0  }
0x72: {  	s25 =	sadd.s32 $0x1000, s25;
	s24 =	sadd.s32 $0x80, s24;
	[sflag:s21] =	ssyncadd.s32 $0xFFFFC000  }
0x73: {  	[tilespmem:s16], [sflag:$0x2] =	stream.indirect.gather [hbm4b:s4+s14], $0x80, s31, s14, $0xb8;
	[tilespmem:$0x1F000] =	vst v63  }
.LBB2_5:
0x74: {  	_ =	sfence.sel $0x180000  }
0x75: {  	[bflag:$0x0] =	sbarrier.arrive $0xFFFF  }
0x76: {  	p0 =	sne.s32 s0, $0x0;
	_ =	strace $0x9000004D  }
0x77: {  	s0 =	sadd.s32 @!p0 $0x100000, s1;
	[bflag:$0x2] =	sbarrier.arrive $0xFFFF  }
0x78: {  	[sflag:s0] =	ssyncadd.tile.s32 @!p0 $0x1;
	_ =	shalt  }
.Lfunc_end2:
_tile_overlayer_lowered:
.L_overlay_start_2:
0x79: {  	(tag) =	ssettag $0x2  }
0x7a: {  	s0 =	rddreg [dreg:$0x0];
	s2 =	stileid.u32  }
0x7b: {  	s1 =	rddreg [dreg:$0x1];
	p0 =	sne.s32 s2, $0x0  }
0x7c: {  	s3 =	rddreg [dreg:$0x2];
	[bflag:$0x3] =	sbarrier.arrive $0xFFFF;
	s2 =	simm.s32 @!p0 $0x1C06  }
0x7d: {  	[timem:s3], [sflag:s2] =	dma.local @!p0 [hbm:s0], s1  }
0x7e: {  	s0 =	simm.s32 @!p0 $0x6  }
0x7f: {  	_ =	swait.ge @!p0 [sflag:s0], s1  }
0x80: {  	s1 =	ssub.s32 @!p0 $0x0, s1;
	[sflag:s0] =	ssyncset.done @!p0 $0x0  }
0x81: {  	[sflag:s0] =	ssyncadd.s32 @!p0 s1  }
0x82: {  	[bflag:$0x3] =	sbarrier.arrive $0xFFFF  }
0x83: {  	_ =	shalt  }

// kernel: kernel.8.cloned.1.call-start
scs
__scs_entry_jumppad:
0x0: {  	(pc) =	sbr.rel $0x88, $3  }
0x1: {  	(tag) =	ssettag $0x0;
	lr =	simm.s32 $0x1  }
0x2: {  	[smem:$0x3F96] =	sst lr;
	_ =	strace $0xD0000000  }
0x3: {  	_ = 	snop  }
0x4: {  	_ = 	snop  }
0x5: {  	_ = 	snop  }
0x6: {  	_ = 	snop  }
0x7: {  	_ = 	snop  }
__scs_overlays_trampoline_lowered:
0x8: {  	[smem:$0x3FA5] =	sst s0  }
0x9: {  	[smem:$0x3FA6] =	sst s1  }
0xa: {  	[smem:$0x3FA7] =	sst s2  }
0xb: {  	[smem:$0x3FA8] =	sst s3  }
0xc: {  	[smem:$0x3FA9] =	sst s4  }
0xd: {  	[smem:$0x3FAA] =	sst s5  }
0xe: {  	[smem:$0x3FAB] =	sst s6  }
0xf: {  	[smem:$0x3FAC] =	sst s7  }
0x10: {  	[smem:$0x3FAD] =	sst s8  }
0x11: {  	[smem:$0x3FAE] =	sst s9;
	s0 =	simm.s32 @!p0 $0x0  }
0x12: {  	s1 =	sld [smem:$0x3F94];
	s0 =	simm.s32 @p0 $0x1  }
0x13: {  	[smem:$0x3FAF] =	sst s0;
	s0 =	simm.s32 @!p1 $0x0  }
0x14: {  	s2 =	sld [smem:$0x3F93];
	s0 =	simm.s32 @p1 $0x1  }
0x15: {  	[smem:$0x3FB0] =	sst s0;
	s0 =	simm.s32 @!p2 $0x0  }
0x16: {  	s3 =	sld [smem:$0x3FDB];
	s0 =	simm.s32 @p2 $0x1  }
0x17: {  	s4 =	simm.s32 $0x1BF5;
	[smem:$0x3FB2] =	sst s0  }
0x18: {  	s0 =	sld [smem:$0x3F95];
	_ =	swait.ge [sflag:s4], $0x0  }
0x19: {  	s7 =	sld [smem:$0x3F96]  }
0x1a: {  	s8 =	sadd.s32 $0xFFFFE003, lr  }
0x1b: {  	s9 =	sadd.s32 $0xFFFFFEF7, lr;
	s5 =	simm.s32 $0xFFFFFFFF;
	p2 =	slt.u32 s8, $0xFFFFF086  }
0x1c: {  	p1 =	slt.u32 s9, $0xF7A;
	s5 =	simm.s32 @!p2 $0x0  }
0x1d: {  	s5 =	simm.s32 @p1 $0x1;
	p0 =	seq.s32 s7, s2  }
0x1e: {  	s7 =	smul.u32 @!p0 $0xF7A, s2;
	p2 =	seq.s32 @!p0 s5, $0x0  }
0x1f: {  	s9 =	smul.u32 $0xF7A, s1;
	s8 =	simm.s32 @!p0 $0x1BF5;
	p2 =	por !p2, p0  }
0x20: {  	[sflag:s8] =	ssyncset.s32 @!p0 $0xFFFFF086;
	s6 =	sadd.s32 @!p0 s3, s7;
	s7 =	simm.s32 @!p0 $0x108  }
0x21: {  	s3 =	sadd.s32 s3, s9;
	s6 =	sadd.s32 @!p0 $0x88, s6;
	s7 =	simm.s32 @p2 $0x1082  }
0x22: {  	[simem:s7], [sflag:s8] =	dma.local @!p0 [hbm:s6], $0xF7A  }
0x23: {  	s9 =	sor.u32 $0xD0000000, s2;
	s6 =	simm.s32 $0x108;
	_ =	swait.ge @!p0 [sflag:s8], $0x0  }
0x24: {  	s3 =	sadd.s32 $0x88, s3;
	s6 =	simm.s32 @!p1 $0x1082;
	[sflag:s4] =	ssyncset.s32 $0xFFFFF086  }
0x25: {  	[simem:s6], [sflag:s4] =	dma.local [hbm:s3], $0xF7A  }
0x26: {  	[smem:$0x3F96] =	sst s1;
	(tag) =	ssettag s2;
	_ =	strace s9  }
0x27: {  	s1 =	sld [smem:$0x3FA6]  }
0x28: {  	s2 =	sld [smem:$0x3FA7]  }
0x29: {  	s4 =	sld [smem:$0x3FA9]  }
0x2a: {  	p0 =	seq.s32 s5, $0x0;
	s5 =	sld [smem:$0x3FAA]  }
0x2b: {  	s6 =	sld [smem:$0x3FAB]  }
0x2c: {  	s7 =	sld [smem:$0x3FAC]  }
0x2d: {  	s3 =	simm.s32 $0x108;
	s8 =	sld [smem:$0x3FAD]  }
0x2e: {  	s3 =	simm.s32 @!p0 $0x1082;
	s9 =	sld [smem:$0x3FAE]  }
0x2f: {  	lr =	sadd.s32 s0, s3;
	s0 =	sld [smem:$0x3FA5]  }
0x30: {  	s3 =	sld [smem:$0x3FA8]  }
0x31: {  	[smem:$0x3FB1] =	sst s10  }
0x32: {  	s10 =	sld [smem:$0x3FAF];
	_ =	sdelay $0x3  }
0x33: {  	p0 =	seq.s32 s10, $0x1;
	s10 =	sld [smem:$0x3FB1];
	_ =	sdelay $0x3  }
0x34: {  	[smem:$0x3FB1] =	sst s10  }
0x35: {  	s10 =	sld [smem:$0x3FB0];
	_ =	sdelay $0x3  }
0x36: {  	p1 =	seq.s32 s10, $0x1;
	s10 =	sld [smem:$0x3FB1];
	_ =	sdelay $0x3  }
0x37: {  	[smem:$0x3FB1] =	sst s10  }
0x38: {  	s10 =	sld [smem:$0x3FB2]  }
0x39: {  	_ = 	snop;
	(pc) =	sbr.ind lr, $3  }
0x3a: {  	_ = 	snop  }
0x3b: {  	_ = 	snop  }
0x3c: {  	p2 =	seq.s32 s10, $0x1;
	s10 =	sld [smem:$0x3FB1]  }
0x3d: {  	_ =	shalt  }
0x3e: {  	_ =	shalt  }
0x3f: {  	_ =	shalt  }
0x40: {  	_ =	shalt  }
0x41: {  	_ =	shalt  }
0x42: {  	_ =	shalt  }
0x43: {  	_ =	shalt  }
0x44: {  	_ =	shalt  }
0x45: {  	_ =	shalt  }
0x46: {  	_ =	shalt  }
0x47: {  	_ =	shalt  }
0x48: {  	_ =	shalt  }
0x49: {  	_ =	shalt  }
0x4a: {  	_ =	shalt  }
0x4b: {  	_ =	shalt  }
0x4c: {  	_ =	shalt  }
0x4d: {  	_ =	shalt  }
0x4e: {  	_ =	shalt  }
0x4f: {  	_ =	shalt  }
0x50: {  	_ =	shalt  }
0x51: {  	_ =	shalt  }
0x52: {  	_ =	shalt  }
0x53: {  	_ =	shalt  }
0x54: {  	_ =	shalt  }
0x55: {  	_ =	shalt  }
0x56: {  	_ =	shalt  }
0x57: {  	_ =	shalt  }
0x58: {  	_ =	shalt  }
0x59: {  	_ =	shalt  }
0x5a: {  	_ =	shalt  }
0x5b: {  	_ =	shalt  }
0x5c: {  	_ =	shalt  }
0x5d: {  	_ =	shalt  }
0x5e: {  	_ =	shalt  }
0x5f: {  	_ =	shalt  }
0x60: {  	_ =	shalt  }
0x61: {  	_ =	shalt  }
0x62: {  	_ =	shalt  }
0x63: {  	_ =	shalt  }
0x64: {  	_ =	shalt  }
0x65: {  	_ =	shalt  }
0x66: {  	_ =	shalt  }
0x67: {  	_ =	shalt  }
0x68: {  	_ =	shalt  }
0x69: {  	_ =	shalt  }
0x6a: {  	_ =	shalt  }
0x6b: {  	_ =	shalt  }
0x6c: {  	_ =	shalt  }
0x6d: {  	_ =	shalt  }
0x6e: {  	_ =	shalt  }
0x6f: {  	_ =	shalt  }
0x70: {  	_ =	shalt  }
0x71: {  	_ =	shalt  }
0x72: {  	_ =	shalt  }
0x73: {  	_ =	shalt  }
0x74: {  	_ =	shalt  }
0x75: {  	_ =	shalt  }
0x76: {  	_ =	shalt  }
0x77: {  	_ =	shalt  }
0x78: {  	_ =	shalt  }
0x79: {  	_ =	shalt  }
0x7a: {  	_ =	shalt  }
0x7b: {  	_ =	shalt  }
0x7c: {  	_ =	shalt  }
0x7d: {  	_ =	shalt  }
0x7e: {  	_ =	shalt  }
0x7f: {  	_ =	shalt  }
0x80: {  	_ =	shalt  }
0x81: {  	_ =	shalt  }
0x82: {  	_ =	shalt  }
0x83: {  	_ =	shalt  }
0x84: {  	_ =	shalt  }
0x85: {  	_ =	shalt  }
0x86: {  	_ =	shalt  }
0x87: {  	_ =	shalt  }
.Lfunc_end0:
.L_simem_size_0:
called_computation_lowered:
.L_overlay_start_0:
0x88: {  	s2 =	sld [smem:$0x3FD9]  }
0x89: {  	s3 =	sld [smem:$0x3FFE];
	_ =	sdelay $0x1  }
0x8a: {  	s1 =	srdreg.scid  }
0x8b: {  	s0 =	sand.u32 $0x1, s1  }
0x8c: {  	s16 =	sshll.u32 s0, $0xA;
	s2 =	sadd.s32 s3, s2  }
0x8d: {  	s2 =	sadd.s32 s2, s16  }
0x8e: {  	[smem:$0x3FBD] =	sst s2  }
0x8f: {  	_ = 	snop  }
0x90: {  	(tm) =	ssettm $0x1  }
0x91: {  	s17 =	sld [smem:$0x3FFB];
	_ =	sdelay $0x3  }
0x92: {  	_ =	strace s17  }
0x93: {  	s2 =	sld [smem:$0x3FFC];
	_ =	sdelay $0x3  }
0x94: {  	_ =	strace s2  }
0x95: {  	s2 =	sld [smem:$0x3FFD];
	_ =	sdelay $0x3  }
0x96: {  	_ =	strace s2  }
0x97: {  	_ =	strace $0x8FFFFFFF  }
0x98: {  	s18 =	sld [smem:$0x3FDB];
	_ =	sdelay $0x1  }
0x99: {  	s19 =	simm.s32 $_scs_section_size  }
0x9a: {  	s4 =	simm.s32 $_size__tile_overlayer_lowered;
	s5 =	simm.s32 $_tile_overlayer_lowered  }
0x9b: {  	s22 =	simm.s32 $0x1BFF;
	s21 =	sshll.u32 s5, $0x1;
	s2 =	sadd.s32 s19, s18  }
0x9c: {  	s6 =	simm.s32 $0x0;
	s20 =	sshll.u32 s4, $0x1;
	s4 =	sadd.s32 s21, s2  }
0x9d: {  	[timem:s6], [sflag:s22] =	dma.local [hbm:s4], s20  }
0x9e: {  	_ =	swait.ge [sflag:s22], s20  }
0x9f: {  	s3 =	ssub.s32 $0x0, s20;
	[sflag:s22] =	ssyncset.done $0x0  }
0xa0: {  	[sflag:s22] =	ssyncadd.s32 s3;
	_ =	sdelay $0x1  }
0xa1: {  	s23 =	simm.s32 $0x1B8B  }
0xa2: {  	_ =	swait.ge [sflag:s23], $0x1  }
0xa3: {  	[sflag:s23] =	ssyncset.done $0x0  }
0xa4: {  	s25 =	simm.s32 $0x1B8E;
	s24 =	sld [smem:$0x3FFE];
	[sflag:s23] =	ssyncadd.s32 $0xFFFFFFFF  }
0xa5: {  	s26 =	simm.s32 $execute0_lowered;
	[smem:$0x3FD2] =	sst s25  }
0xa6: {  	s4 =	sshll.u32 s26, $0x1;
	_ =	strace $0x80000046;
	[dreg:$0x1] =	wrdreg $0xFFFFFFFF  }
0xa7: {  	s28 =	simm.s32 $_size_execute0_lowered;
	s2 =	sadd.s32 s2, s4;
	[dreg:$0x0] =	wrdreg $0x0  }
0xa8: {  	s4 =	sshll.u32 s28, $0x1;
	[dreg:$0x2] =	wrdreg s2  }
0xa9: {  	[dreg:$0x3] =	wrdreg s4  }
0xaa: {  	[dreg:$0x4] =	wrdreg $0xC0  }
0xab: {  	_ =	task [dreg:s6], $0x5FFFF  }
0xac: {  	[dreg:$0x1] =	wrdreg $0xFFFFFFFF  }
0xad: {  	[dreg:$0x0] =	wrdreg $0x60  }
0xae: {  	[dreg:$0x2] =	wrdreg s24  }
0xaf: {  	[dreg:$0x3] =	wrdreg $0x28800  }
0xb0: {  	[dreg:$0x4] =	wrdreg $0x9  }
0xb1: {  	_ =	task.clear_ibuf [dreg:s6], $0x5FFFF;
	_ =	strace $0x90000046  }
0xb2: {  	s29 =	simm.s32 $0x9;
	_ =	strace $0x80000048  }
0xb3: {  	_ =	swait.ge [sflag:s29], $0x1  }
0xb4: {  	[sflag:s29] =	ssyncadd.s32 $0xFFFFFFFF  }
0xb5: {  	_ =	strace $0x90000048  }
0xb6: {  	_ =	sfence  }
0xb7: {  	s30 =	sld [smem:$0x0];
	_ =	sdelay $0x2  }
0xb8: {  	s31 =	sshll.u32 s1, $0xD;
	s1 =	sshrl.u32 s1, $0x2  }
0xb9: {  	s3 =	sand.u32 $0x4000, s31;
	s1 =	sadd.s32 s1, s30  }
0xba: {  	s0 =	sor.u32 s3, s0;
	s1 =	sshll.u32 s1, $0x11  }
0xbb: {  	s0 =	sor.u32 s1, s0  }
0xbc: {  	s0 =	sadd.s32 $0x8F2B, s0  }
0xbd: {  	[sflag:s0] =	ssyncadd.remote.s32 $0x1  }
0xbe: {  	_ =	sfence.sel $0xFFFF  }
0xbf: {  	[dreg:$0x0] =	wrdreg $0xFFFFFFFF;
	(pc) =	sbr.abs _section_cstart, $3  }
0xc0: {  	[dreg:$0x1] =	wrdreg $0xFFFFFFFF  }
0xc1: {  	_ =	task.clear_ibuf [dreg:s6], $0x2FFFF;
	_ =	strace $0x9FFFFFFF  }
0xc2: {  	(tm) =	ssettm $0x7FFFFFFF  }
0xc3: {  	_ =	shalt  }
tec
execute0_lowered:
.L_overlay_start_1:
0x0: {  	(tag) =	ssettag $0x1  }
0x1: {  	s5 =	rddreg [dreg:$0x0]  }
0x2: {  	s2 =	rddreg [dreg:$0x1]  }
0x3: {  	s0 =	srdreg.scid;
	s1 =	rddreg [dreg:$0x2]  }
0x4: {  	s3 =	simm.s32 $0x0;
	s12 =	simm.s32 $0x1;
	s15 =	simm.s32 $0x10  }
0x5: {  	s16 =	simm.s32 $0x0;
	s4 =	sand.u32 $0x1, s0;
	s0 =	stileid.u32  }
0x6: {  	[smem:$0x7FF] =	sst s3;
	s6 =	sshll.u32 s4, $0x4;
	s8 =	smul.u32 $0x280, s0  }
0x7: {  	_ =	strace $0x80000047;
	s4 =	ssub.s32 $0x2, s4;
	s14 =	smul.u32 $0xA0, s0  }
0x8: {  	s31 =	sshll.u32 s0, $0x6;
	s7 =	sor.u32 s0, s6;
	s6 =	sadd.s32 s6, s5  }
0x9: {  	s30 =	sshrl.u32 s4, $0x1;
	s7 =	smul.u32 $0x500, s7;
	s9 =	sshrl.u32 s8, $0x3  }
0xa: {  	s10 =	ssub.s32 s4, s30;
	s11 =	sadd.s32 s8, s2;
	s13 =	sadd.s32 $0x21C00, s6  }
0xb: {  	s8 =	sor.u32 $0x1C02, s31;
	s9 =	sadd.s32 s9, s5;
	s6 =	smax.u32 s10, $0x1  }
0xc: {  	s10 =	simm.s32 $0x80;
	s13 =	sadd.s32 s14, s13;
	s14 =	simm.s32 $0x20  }
0xd: {  	s7 =	sadd.s32 s7, s5;
	s5 =	sadd.s32 $0x21600, s9;
	s9 =	sshrl.u32 s11, $0x3  }
0xe: {  	v0 =	vimm.f32 $1.000000000e+00;
	s11 =	simm.s32 $0x2800;
	s4 =	sadd.s32 $0x3600, s7;
	s7 =	simm.s32 $0x2  }
.LBB2_1:
0xf: {  	[tilespmem:s3], [sflag:$0x2] =	stream.linear.gather [hbm4b:s4+s3], $0x2800, $0x38;
	[tilespmem:$0x2B00] =	vst v63  }
0x10: {  	_ =	swait.ge [sflag:s7], $0x2800  }
0x11: {  	[sflag:s7] =	ssyncset.done $0x0  }
0x12: {  	[sflag:s7] =	ssyncadd.s32 $0xFFFFD800  }
0x13: {  	[spmem:s9], [sflag:s8] =	dma.local [hbm:s5], $0x50  }
0x14: {  	_ =	swait.ge [sflag:s7], $0x50  }
0x15: {  	[sflag:s7] =	ssyncset.done $0x0  }
0x16: {  	[sflag:s7] =	ssyncadd.s32 $0xFFFFFFB0  }
0x17: {  	[tilespmem:$0x2800] =	vst v0  }
0x18: {  	[tilespmem:$0x2810] =	vst v0  }
0x19: {  	[tilespmem:$0x2820] =	vst v0  }
0x1a: {  	[tilespmem:$0x2830] =	vst v0  }
0x1b: {  	[tilespmem:$0x2840] =	vst v0  }
0x1c: {  	[tilespmem:$0x2850] =	vst v0  }
0x1d: {  	[tilespmem:$0x2860] =	vst v0  }
0x1e: {  	[tilespmem:$0x2870] =	vst v0  }
0x1f: {  	s17 =	simm.s32 $0x0;
	[bflag:$0x0] =	sbarrier.arrive $0xFFFF  }
0x20: {  	[spmem:s2] =	stream.indirect.scatter.add.f32 [tilespmem:s11], [sflag:$0x1], $0x1, s17, s10, $0xb8;
	[tilespmem:$0x2B00] =	vst v63  }
0x21: {  	s29 =	simm.s32 $0x80  }
0x22: {  	[spmem:s2] =	stream.indirect.scatter.add.f32 [tilespmem:s11], [sflag:$0x1], $0x1, s29, s10, $0xb8;
	[tilespmem:$0x2B00] =	vst v63  }
0x23: {  	s30 =	simm.s32 $0x100  }
0x24: {  	[spmem:s2] =	stream.indirect.scatter.add.f32 [tilespmem:s11], [sflag:$0x1], $0x1, s30, s10, $0xb8;
	[tilespmem:$0x2B00] =	vst v63  }
0x25: {  	s31 =	simm.s32 $0x180  }
0x26: {  	[spmem:s2] =	stream.indirect.scatter.add.f32 [tilespmem:s11], [sflag:$0x1], $0x1, s31, s10, $0xb8;
	[tilespmem:$0x2B00] =	vst v63  }
0x27: {  	_ =	swait.ge [sflag:s12], $0x80  }
0x28: {  	[sflag:s12] =	ssyncset.done $0x0  }
0x29: {  	[sflag:s12] =	ssyncadd.s32 $0xFFFFFF80  }
0x2a: {  	_ =	swait.ge [sflag:s12], $0x80  }
0x2b: {  	[sflag:s12] =	ssyncset.done $0x0  }
0x2c: {  	[sflag:s12] =	ssyncadd.s32 $0xFFFFFF80  }
0x2d: {  	_ =	swait.ge [sflag:s12], $0x80  }
0x2e: {  	[sflag:s12] =	ssyncset.done $0x0  }
0x2f: {  	[sflag:s12] =	ssyncadd.s32 $0xFFFFFF80  }
0x30: {  	_ =	swait.ge [sflag:s12], $0x80  }
0x31: {  	s18 =	simm.s32 $0x1000;
	s17 =	simm.s32 $0x800;
	[sflag:s12] =	ssyncset.done $0x0  }
.LBB2_2:
0x32: {  	s19 =	sshra.s32 s17, $0x2  }
0x33: {  	[sflag:s12] =	ssyncadd.s32 $0xFFFFFF80;
	s17 =	smov.u32 s18;
	s20 =	sadd.s32 $0x800, s18  }
0x34: {  	[spmem:s2] =	stream.indirect.scatter.add.f32 [tilespmem:s11], [sflag:$0x1], $0x1, s19, s10, $0xb8;
	[tilespmem:$0x2B00] =	vst v63  }
0x35: {  	p0 =	sne.s32 s18, $0x9800;
	s18 =	sadd.s32 $0x80, s19  }
0x36: {  	[spmem:s2] =	stream.indirect.scatter.add.f32 [tilespmem:s11], [sflag:$0x1], $0x1, s18, s10, $0xb8;
	[tilespmem:$0x2B00] =	vst v63  }
0x37: {  	s18 =	sadd.s32 $0x100, s19  }
0x38: {  	[spmem:s2] =	stream.indirect.scatter.add.f32 [tilespmem:s11], [sflag:$0x1], $0x1, s18, s10, $0xb8;
	[tilespmem:$0x2B00] =	vst v63  }
0x39: {  	s18 =	sadd.s32 $0x180, s19  }
0x3a: {  	[spmem:s2] =	stream.indirect.scatter.add.f32 [tilespmem:s11], [sflag:$0x1], $0x1, s18, s10, $0xb8;
	[tilespmem:$0x2B00] =	vst v63  }
0x3b: {  	_ =	swait.ge [sflag:s12], $0x80  }
0x3c: {  	[sflag:s12] =	ssyncset.done $0x0  }
0x3d: {  	[sflag:s12] =	ssyncadd.s32 $0xFFFFFF80  }
0x3e: {  	_ =	swait.ge [sflag:s12], $0x80  }
0x3f: {  	[sflag:s12] =	ssyncset.done $0x0  }
0x40: {  	[sflag:s12] =	ssyncadd.s32 $0xFFFFFF80  }
.Ltmp0:
0x41: {  	_ =	swait.ge [sflag:s12], $0x80;
	(pc) =	sbr.rel @p0 .LBB2_2-.Ltmp0, $4  }
0x42: {  	[sflag:s12] =	ssyncset.done $0x0  }
0x43: {  	[sflag:s12] =	ssyncadd.s32 $0xFFFFFF80  }
0x44: {  	_ =	swait.ge [sflag:s12], $0x80  }
0x45: {  	s18 =	smov.u32 s20;
	[sflag:s12] =	ssyncset.done $0x0  }
0x46: {  	s17 =	sshra.s32 s17, $0x2;
	[sflag:s12] =	ssyncadd.s32 $0xFFFFFF80  }
0x47: {  	[spmem:s2] =	stream.indirect.scatter.add.f32 [tilespmem:s11], [sflag:$0x1], $0x1, s17, s10, $0xb8;
	[tilespmem:$0x2B00] =	vst v63  }
0x48: {  	s18 =	sadd.s32 $0x80, s17  }
0x49: {  	[spmem:s2] =	stream.indirect.scatter.add.f32 [tilespmem:s11], [sflag:$0x1], $0x1, s18, s10, $0xb8;
	[tilespmem:$0x2B00] =	vst v63  }
0x4a: {  	s31 =	sadd.s32 $0x100, s17  }
0x4b: {  	[spmem:s2] =	stream.indirect.scatter.add.f32 [tilespmem:s11], [sflag:$0x1], $0x1, s31, s10, $0xb8;
	[tilespmem:$0x2B00] =	vst v63  }
0x4c: {  	s17 =	sadd.s32 $0x180, s17  }
0x4d: {  	[spmem:s2] =	stream.indirect.scatter.add.f32 [tilespmem:s11], [sflag:$0x1], $0x1, s17, s10, $0xb8;
	[tilespmem:$0x2B00] =	vst v63  }
0x4e: {  	_ =	swait.ge [sflag:s12], $0x80  }
0x4f: {  	[sflag:s12] =	ssyncset.done $0x0  }
0x50: {  	[sflag:s12] =	ssyncadd.s32 $0xFFFFFF80  }
0x51: {  	_ =	swait.ge [sflag:s12], $0x80  }
0x52: {  	[sflag:s12] =	ssyncset.done $0x0  }
0x53: {  	[sflag:s12] =	ssyncadd.s32 $0xFFFFFF80  }
0x54: {  	_ =	swait.ge [sflag:s12], $0x80  }
0x55: {  	[sflag:s12] =	ssyncset.done $0x0  }
0x56: {  	[sflag:s12] =	ssyncadd.s32 $0xFFFFFF80  }
0x57: {  	_ =	swait.ge [sflag:s12], $0x80  }
0x58: {  	s16 =	sadd.s32 $0x1, s16;
	[sflag:s12] =	ssyncset.done $0x0  }
0x59: {  	p0 =	sne.s32 s16, s6;
	[sflag:s12] =	ssyncadd.s32 $0xFFFFFF80  }
.Ltmp1:
0x5a: {  	[bflag:$0x0] =	sbarrier.arrive $0xFFFF;
	(pc) =	sbr.rel @p0 .LBB2_1-.Ltmp1, $4  }
0x5b: {  	[hbm:s13@s14], [sflag:s8] =	dma.strided [spmem:s9@s15], $0x50, s12, $0x10   }
0x5c: {  	_ =	swait.ge [sflag:s7], $0x50  }
0x5d: {  	[sflag:s7] =	ssyncset.done $0x0  }
0x5e: {  	[sflag:s7] =	ssyncadd.s32 $0xFFFFFFB0  }
0x5f: {  	_ =	sfence.sel $0x180000  }
0x60: {  	[bflag:$0x0] =	sbarrier.arrive $0xFFFF  }
0x61: {  	p0 =	sne.s32 s0, $0x0;
	_ =	strace $0x90000047  }
0x62: {  	s0 =	sadd.s32 @!p0 $0x100000, s1;
	[bflag:$0x2] =	sbarrier.arrive $0xFFFF  }
0x63: {  	[sflag:s0] =	ssyncadd.tile.s32 @!p0 $0x1;
	_ =	shalt  }
.Lfunc_end2:
_tile_overlayer_lowered:
.L_overlay_start_2:
0x64: {  	(tag) =	ssettag $0x2  }
0x65: {  	s0 =	rddreg [dreg:$0x0];
	s2 =	stileid.u32  }
0x66: {  	s1 =	rddreg [dreg:$0x1];
	p0 =	sne.s32 s2, $0x0  }
0x67: {  	s3 =	rddreg [dreg:$0x2];
	[bflag:$0x3] =	sbarrier.arrive $0xFFFF;
	s2 =	simm.s32 @!p0 $0x1C02  }
0x68: {  	[timem:s3], [sflag:s2] =	dma.local @!p0 [hbm:s0], s1  }
0x69: {  	s0 =	simm.s32 @!p0 $0x2  }
0x6a: {  	_ =	swait.ge @!p0 [sflag:s0], s1  }
0x6b: {  	s1 =	ssub.s32 @!p0 $0x0, s1;
	[sflag:s0] =	ssyncset.done @!p0 $0x0  }
0x6c: {  	[sflag:s0] =	ssyncadd.s32 @!p0 s1  }
0x6d: {  	[bflag:$0x3] =	sbarrier.arrive $0xFFFF  }
0x6e: {  	_ =	shalt  }

</sc_bundles>
